<compile_context>
chip_gen: v7x
topology: tpu7x:2x2x1
jax: 0.10.2.dev20260603
libtpu: 0.0.44.dev20260713+nightly
codegen_flags: <defaults>
</compile_context>

<pallas_src>
import functools

import jax
import jax.numpy as jnp
from jax import lax
from jax.experimental import pallas as pl
from jax.experimental.pallas import tpu as pltpu
from jax.experimental.pallas import tpu_sc as plsc

VOCAB = 100000
ROW = 256
NFLAT = 4096 * 200
NC, NS, NW, L = 2, 16, 32, 16
VPAD = 102400
SCAN_W = VPAD // NW
SEQ_W = NFLAT // NW
CHUNK = 128
K1_CHUNKS = SEQ_W // CHUNK
K3_CHUNKS = 25

_mesh = plsc.VectorSubcoreMesh(core_axis_name="c", subcore_axis_name="s")
_sc_params = pltpu.CompilerParams(needs_layout_passes=False)


def _wid():
    return lax.axis_index("c") * NS + lax.axis_index("s")


K1_RING = 8


def _k1_body(seq_hbm, present0_hbm, present1_hbm, *refs):
    bufs = refs[:K1_RING]
    ones_v = refs[K1_RING]
    z_v = refs[K1_RING + 1]
    bitmap_sp = refs[K1_RING + 2]
    slo = refs[K1_RING + 3:K1_RING + 3 + K1_RING]
    ssc = refs[K1_RING + 3 + K1_RING:]
    c = lax.axis_index("c")
    s = lax.axis_index("s")
    wid = c * NS + s

    def zero_z(i, _):
        z_v[pl.ds(i * L, L)] = jnp.zeros((L,), jnp.int32)
        return 0

    lax.fori_loop(0, (VPAD // NS) // L, zero_z, 0)
    pltpu.sync_copy(z_v, bitmap_sp.at[pl.ds(s * (VPAD // NS), VPAD // NS)])
    plsc.subcore_barrier()

    def fill_ones(i, _):
        ones_v[pl.ds(i * L, L)] = jnp.ones((L,), jnp.int32)
        return 0

    lax.fori_loop(0, CHUNK // L, fill_ones, 0)

    base = wid * SEQ_W

    def start_load(j, k):
        pltpu.async_copy(seq_hbm.at[pl.ds(base + j * CHUNK, CHUNK)], bufs[k], slo[k])

    def wait_load(k):
        pltpu.make_async_copy(seq_hbm.at[pl.ds(0, CHUNK)], bufs[k], slo[k]).wait()

    def drain_sc(k):
        pltpu.make_async_copy(seq_hbm.at[pl.ds(0, CHUNK)], bufs[k], ssc[k]).wait()

    for k in range(K1_RING):
        start_load(k, k)

    def round_(r, _):
        for k in range(K1_RING):
            j = K1_RING * r + k
            wait_load(k)
            pltpu.async_copy(ones_v, bitmap_sp.at[bufs[k]], ssc[k])

            @pl.when(j + K1_RING < K1_CHUNKS)
            def _():
                drain_sc(k)
                start_load(j + K1_RING, k)
        return 0

    lax.fori_loop(0, K1_CHUNKS // K1_RING, round_, 0)
    for k in range(K1_RING):
        drain_sc(k)
    plsc.subcore_barrier()
    sl = pl.ds(s * (VPAD // NS), VPAD // NS)

    @pl.when(c == 0)
    def _():
        pltpu.sync_copy(bitmap_sp.at[sl], present0_hbm.at[sl])

    @pl.when(c == 1)
    def _():
        pltpu.sync_copy(bitmap_sp.at[sl], present1_hbm.at[sl])


_k1 = functools.partial(
    pl.kernel,
    out_type=(
        jax.ShapeDtypeStruct((VPAD,), jnp.int32),
        jax.ShapeDtypeStruct((VPAD,), jnp.int32),
    ),
    mesh=_mesh,
    compiler_params=_sc_params,
    scratch_types=(
        [pltpu.VMEM((CHUNK,), jnp.int32)] * K1_RING
        + [
            pltpu.VMEM((CHUNK,), jnp.int32),
            pltpu.VMEM((VPAD // NS,), jnp.int32),
            pltpu.VMEM_SHARED((VPAD,), jnp.int32),
        ]
        + [pltpu.SemaphoreType.DMA] * (2 * K1_RING)
    ),
)(_k1_body)


W_WIN = 3200


def _range_start(u):
    raw = lax.div(jnp.int32(3125) * u, jnp.int32(8)) * 8
    return jnp.where(
        u >= NW, jnp.int32(VOCAB), jnp.minimum(raw, jnp.int32(VOCAB - W_WIN))
    )


def _k2a_body(present0_hbm, present1_hbm, table_hbm, wsums_hbm, p0_v, p1_v, s_v):
    del table_hbm
    wid = _wid()
    b = pl.multiple_of(_range_start(wid), 8)
    n = _range_start(wid + 1) - b
    sl = pl.ds(b, W_WIN)
    pltpu.sync_copy(present0_hbm.at[sl], p0_v)
    pltpu.sync_copy(present1_hbm.at[sl], p1_v)
    iota = lax.iota(jnp.int32, L)

    def body(k, acc):
        p = p0_v[pl.ds(k * L, L)] + p1_v[pl.ds(k * L, L)]
        valid = (k * L + iota) < n
        return acc + jnp.where(valid & (p > 0), 1, 0).astype(jnp.int32)

    acc = lax.fori_loop(0, W_WIN // L, body, jnp.zeros((L,), jnp.int32))
    total = jnp.sum(acc)
    s_v[...] = jnp.full((L,), total, jnp.int32)
    pltpu.sync_copy(s_v, wsums_hbm.at[wid])


_k2a = functools.partial(
    pl.kernel,
    out_type=jax.ShapeDtypeStruct((NW, L), jnp.int32),
    mesh=_mesh,
    compiler_params=_sc_params,
    scratch_types=[
        pltpu.VMEM((W_WIN,), jnp.int32),
        pltpu.VMEM((W_WIN,), jnp.int32),
        pltpu.VMEM((L,), jnp.int32),
    ],
)(_k2a_body)


def _k3_body(table_hbm, present0_hbm, present1_hbm, wsums_hbm, out_hbm, nfill_hbm,
             rows0, rows1, rows2, idx0, idx1, idx2, p0_v, p1_v, w_v, nf_v,
             sg0, sg1, sg2, ss0, ss1, ss2):
    wid = _wid()
    rows = (rows0, rows1, rows2)
    idx = (idx0, idx1, idx2)
    sg = (sg0, sg1, sg2)
    ss = (ss0, ss1, ss2)
    b = pl.multiple_of(_range_start(wid), 8)

    pltpu.sync_copy(wsums_hbm, w_v)

    def sums(r, carry):
        total, offset = carry
        sr = jnp.max(w_v[r])
        return total + sr, offset + jnp.where(r < wid, sr, jnp.int32(0))

    total, offset = lax.fori_loop(0, NW, sums, (jnp.int32(0), jnp.int32(0)))
    n_fill = jnp.int32(VOCAB) - total

    @pl.when(wid == 0)
    def _():
        nf_v[...] = jnp.full((L,), n_fill, jnp.int32)
        pltpu.sync_copy(nf_v, nfill_hbm)

    sl = pl.ds(b, W_WIN)
    pltpu.sync_copy(present0_hbm.at[sl], p0_v)
    pltpu.sync_copy(present1_hbm.at[sl], p1_v)

    def scan_chunk(jj, carry, buf):
        for i in range(CHUNK // L):
            off = jj * CHUNK + i * L
            p = jnp.where(p0_v[pl.ds(off, L)] + p1_v[pl.ds(off, L)] > 0, 1, 0)
            p = p.astype(jnp.int32)
            incl = plsc.cumsum(p)
            buf[pl.ds(i * L, L)] = jnp.where(p > 0, n_fill + carry + (incl - p), 0)
            carry = carry + jnp.sum(p)
        return carry

    def start_gather(j, p):
        base = pl.multiple_of(b + j * CHUNK, 8)
        pltpu.async_copy(table_hbm.at[pl.ds(base, CHUNK)], rows[p], sg[p])

    def wait_gather(p):
        pltpu.make_async_copy(table_hbm.at[pl.ds(0, CHUNK)], rows[p], sg[p]).wait()

    def wait_scatter(p):
        pltpu.make_async_copy(table_hbm.at[pl.ds(0, CHUNK)], rows[p], ss[p]).wait()

    carry0 = scan_chunk(0, offset, idx0)
    start_gather(0, 0)

    def iter_t(t, carry):
        for phase in range(3):
            j = 3 * t + phase
            nb = (phase + 1) % 3

            @pl.when(j >= 2)
            def _():
                wait_scatter(nb)

            start_gather(j + 1, nb)
            carry = scan_chunk(j + 1, carry, idx[nb])
            wait_gather(phase)
            pltpu.async_copy(rows[phase], out_hbm.at[idx[phase]], ss[phase])
        return carry

    lax.fori_loop(0, (K3_CHUNKS - 1) // 3, iter_t, carry0)
    wait_gather(0)
    pltpu.async_copy(rows[0], out_hbm.at[idx[0]], ss[0])
    wait_scatter(1)
    wait_scatter(2)
    wait_scatter(0)


_k3 = functools.partial(
    pl.kernel,
    out_type=(
        jax.ShapeDtypeStruct((VOCAB, ROW), jnp.float32),
        jax.ShapeDtypeStruct((L,), jnp.int32),
    ),
    mesh=_mesh,
    compiler_params=_sc_params,
    scratch_types=[
        pltpu.VMEM((CHUNK, ROW), jnp.float32),
        pltpu.VMEM((CHUNK, ROW), jnp.float32),
        pltpu.VMEM((CHUNK, ROW), jnp.float32),
        pltpu.VMEM((CHUNK,), jnp.int32),
        pltpu.VMEM((CHUNK,), jnp.int32),
        pltpu.VMEM((CHUNK,), jnp.int32),
        pltpu.VMEM((W_WIN,), jnp.int32),
        pltpu.VMEM((W_WIN,), jnp.int32),
        pltpu.VMEM((NW, L), jnp.int32),
        pltpu.VMEM((L,), jnp.int32),
        pltpu.SemaphoreType.DMA,
        pltpu.SemaphoreType.DMA,
        pltpu.SemaphoreType.DMA,
        pltpu.SemaphoreType.DMA,
        pltpu.SemaphoreType.DMA,
        pltpu.SemaphoreType.DMA,
    ],
)(_k3_body)


def _k4_body(nfill_ref, out_in_ref, out_ref, z_v, sem):
    del out_in_ref
    z_v[...] = jnp.zeros_like(z_v)
    n = nfill_ref[0]
    nb = n // 8

    def blk(i, _):
        cp = pltpu.make_async_copy(z_v, out_ref.at[pl.ds(i * 8, 8)], sem)
        cp.start()
        cp.wait()
        return 0

    lax.fori_loop(0, nb, blk, 0)

    def row(i, _):
        cp = pltpu.make_async_copy(
            z_v.at[pl.ds(0, 1)], out_ref.at[pl.ds(nb * 8 + i, 1)], sem
        )
        cp.start()
        cp.wait()
        return 0

    lax.fori_loop(0, n - nb * 8, row, 0)


_k4 = pl.pallas_call(
    _k4_body,
    out_shape=jax.ShapeDtypeStruct((VOCAB, ROW), jnp.float32),
    in_specs=[
        pl.BlockSpec(memory_space=pltpu.SMEM),
        pl.BlockSpec(memory_space=pl.ANY),
    ],
    out_specs=pl.BlockSpec(memory_space=pl.ANY),
    scratch_shapes=[pltpu.VMEM((8, ROW), jnp.float32), pltpu.SemaphoreType.DMA],
    input_output_aliases={1: 0},
)


@jax.jit
def kernel(sequence, node_table):
    table2 = node_table.reshape(VOCAB, ROW)
    present0, present1 = _k1(sequence.T.reshape(-1))
    wsums = _k2a(present0, present1, table2)
    out, nfill = _k3(table2, present0, present1, wsums)
    out = _k4(nfill[:1], out)
    return out.reshape(VOCAB, 8, 32)

# --- scband reference (transcript-rebuilt; emitter-appended) ---
"""Pipeline reference for scband-sequence-to-graph-10333691314441 (READ-ONLY COPY).

The authoritative reference and input builder live on the scoring server;
editing this copy changes nothing except your own understanding.
"""

import jax, jax.numpy as jnp
import numpy as np

VOCAB = 100000
N_ATOMS = 8
D_FEAT = 32
BATCH = 4096
SEQ_LEN = 200


def setup_inputs(seed: int = 0) -> dict:
    key = jax.random.key(seed)
    k1, k2 = jax.random.split(key, 2)
    # token indices standing in for tokenized residue tags (post StaticHashTable lookup)
    sequence = jax.random.randint(k1, (BATCH, SEQ_LEN), 0, VOCAB, dtype=jnp.int32)
    # stacked per-residue graph node-feature table (the non-trainable weights built in
    # _build_on_init from the stacked GraphTensor of featurized residues)
    node_table = jax.random.normal(k2, (VOCAB, N_ATOMS, D_FEAT), dtype=jnp.float32)
    return {"sequence": sequence, "node_table": node_table}


def reference(sequence, node_table):
    # Faithful numeric core of SequenceToGraph.call:
    #   indices = tag_to_index.lookup(split(sequence))
    #   indices = tf.sort(tf.unique(tf.reshape(indices, [-1]))[0])[1:]  # drop -1 sentinel
    #   graph = self._graph_tensor[indices]
    flat = jnp.reshape(sequence, (-1,))
    # unique with fixed size for jit-compatibility; fill with -1 sentinel (mirrors the
    # default_value=-1 of the StaticHashTable), sort, then mask the sentinel rows out.
    uniq = jnp.unique(flat, size=VOCAB, fill_value=-1)
    uniq = jnp.sort(uniq)
    valid = uniq >= 0
    safe_idx = jnp.where(valid, uniq, 0)
    # gather the subgraph node features for every unique residue tag present
    gathered = jnp.take(node_table, safe_idx, axis=0)
    gathered = gathered * valid[:, None, None].astype(node_table.dtype)
    return gathered

if __name__ == "__main__":
    import jax
    _d = setup_inputs()
    print(jax.jit(kernel)(*tuple(_d.values())))

</pallas_src>

<mosaic_0001>
#map = affine_map<(d0, d1) -> (0)>
#map1 = affine_map<(d0, d1) -> (0, 0)>
module attributes {stable_mosaic.version = 14 : i64} {
  func.func @_k2a_body(%arg0: i32, %arg1: i32, %arg2: memref<102400xi32, #tpu.memory_space<hbm>>, %arg3: memref<102400xi32, #tpu.memory_space<hbm>>, %arg4: memref<100000x256xf32, #tpu.memory_space<hbm>>, %arg5: memref<32x16xi32, #tpu.memory_space<hbm>>, %arg6: memref<3200xi32, #tpu.memory_space<vmem>>, %arg7: memref<3200xi32, #tpu.memory_space<vmem>>, %arg8: memref<16xi32, #tpu.memory_space<vmem>>) attributes {dimension_semantics = [#tpu.dimension_semantics<core_parallel>, #tpu.dimension_semantics<subcore_parallel>], iteration_bounds = array<i64: 2, 16>, scalar_prefetch = 0 : i64, scratch_operands = 3 : i64, tpu.core_type = #tpu.core_type<sc_vector_subcore>, window_params = [{transform_indices = #map}, {transform_indices = #map}, {transform_indices = #map1}, {transform_indices = #map1}]} {
    %mul3A = arith.constant 16 : i32
    %mul3A_0 = arith.muli %arg0, %mul3A : i32
    %add3A = arith.addi %mul3A_0, %arg1 : i32
    %mul3A_1 = arith.constant 3125 : i32
    %mul3A_2 = arith.muli %mul3A_1, %add3A : i32
    %div3A = arith.constant 8 : i32
    %div3A_3 = arith.divsi %mul3A_2, %div3A : i32
    %mul3A_4 = arith.constant 8 : i32
    %mul3A_5 = arith.muli %div3A_3, %mul3A_4 : i32
    %ge3A = arith.constant 32 : i32
    %ge3A_6 = arith.cmpi sge, %add3A, %ge3A : i32
    %min3A = arith.constant 96800 : i32
    %min3A_7 = arith.minsi %mul3A_5, %min3A : i32
    %jit3A = arith.constant 100000 : i32
    %select_n3A = arith.select %ge3A_6, %jit3A, %min3A_7 : i32
    %multiple_of3A = tpu.assume_multiple %select_n3A, 8 : i32
    %add3A_8 = arith.constant 1 : i32
    %add3A_9 = arith.addi %add3A, %add3A_8 : i32
    %mul3A_10 = arith.constant 3125 : i32
    %mul3A_11 = arith.muli %mul3A_10, %add3A_9 : i32
    %div3A_12 = arith.constant 8 : i32
    %div3A_13 = arith.divsi %mul3A_11, %div3A_12 : i32
    %mul3A_14 = arith.constant 8 : i32
    %mul3A_15 = arith.muli %div3A_13, %mul3A_14 : i32
    %ge3A_16 = arith.constant 32 : i32
    %ge3A_17 = arith.cmpi sge, %add3A_9, %ge3A_16 : i32
    %min3A_18 = arith.constant 96800 : i32
    %min3A_19 = arith.minsi %mul3A_15, %min3A_18 : i32
    %jit3A_20 = arith.constant 100000 : i32
    %select_n3A_21 = arith.select %ge3A_17, %jit3A_20, %min3A_19 : i32
    %sub3A = arith.subi %select_n3A_21, %multiple_of3A : i32
    "tpu.region"() ({
      %run_scoped3A = tpu.sem_alloc : memref<!tpu.dma_semaphore, #tpu.memory_space<semaphore_mem>>
      %dma_start3A = tpu.memref_slice %arg2[%multiple_of3A] : memref<102400xi32, #tpu.memory_space<hbm>> -> memref<3200xi32, #tpu.memory_space<hbm>>
      %dma_start3A_33 = tpu.memref_slice %arg2[%multiple_of3A] : memref<102400xi32, #tpu.memory_space<hbm>> -> memref<3200xi32, #tpu.memory_space<hbm>>
      tpu.enqueue_dma source(%dma_start3A_33 : memref<3200xi32, #tpu.memory_space<hbm>>) target(%arg6 : memref<3200xi32, #tpu.memory_space<vmem>>) target_semaphore(%run_scoped3A : memref<!tpu.dma_semaphore, #tpu.memory_space<semaphore_mem>>)
      %dma_wait3A = tpu.memref_slice %arg2[%multiple_of3A] : memref<102400xi32, #tpu.memory_space<hbm>> -> memref<3200xi32, #tpu.memory_space<hbm>>
      %dma_wait3A_34 = tpu.memref_slice %arg2[%multiple_of3A] : memref<102400xi32, #tpu.memory_space<hbm>> -> memref<3200xi32, #tpu.memory_space<hbm>>
      tpu.wait_dma2 semaphore(%run_scoped3A : memref<!tpu.dma_semaphore, #tpu.memory_space<semaphore_mem>>) src(%dma_wait3A_34 : memref<3200xi32, #tpu.memory_space<hbm>>) dst(%arg6 : memref<3200xi32, #tpu.memory_space<vmem>>)
      tpu.yield
    }) : () -> ()
    "tpu.region"() ({
      %run_scoped3A = tpu.sem_alloc : memref<!tpu.dma_semaphore, #tpu.memory_space<semaphore_mem>>
      %dma_start3A = tpu.memref_slice %arg3[%multiple_of3A] : memref<102400xi32, #tpu.memory_space<hbm>> -> memref<3200xi32, #tpu.memory_space<hbm>>
      %dma_start3A_33 = tpu.memref_slice %arg3[%multiple_of3A] : memref<102400xi32, #tpu.memory_space<hbm>> -> memref<3200xi32, #tpu.memory_space<hbm>>
      tpu.enqueue_dma source(%dma_start3A_33 : memref<3200xi32, #tpu.memory_space<hbm>>) target(%arg7 : memref<3200xi32, #tpu.memory_space<vmem>>) target_semaphore(%run_scoped3A : memref<!tpu.dma_semaphore, #tpu.memory_space<semaphore_mem>>)
      %dma_wait3A = tpu.memref_slice %arg3[%multiple_of3A] : memref<102400xi32, #tpu.memory_space<hbm>> -> memref<3200xi32, #tpu.memory_space<hbm>>
      %dma_wait3A_34 = tpu.memref_slice %arg3[%multiple_of3A] : memref<102400xi32, #tpu.memory_space<hbm>> -> memref<3200xi32, #tpu.memory_space<hbm>>
      tpu.wait_dma2 semaphore(%run_scoped3A : memref<!tpu.dma_semaphore, #tpu.memory_space<semaphore_mem>>) src(%dma_wait3A_34 : memref<3200xi32, #tpu.memory_space<hbm>>) dst(%arg7 : memref<3200xi32, #tpu.memory_space<vmem>>)
      tpu.yield
    }) : () -> ()
    %iota3A = tpu.iota {dimensions = array<i32: 0>} : vector<16xi32>
    %broadcast_in_dim3A = arith.constant 0 : i32
    %broadcast_in_dim3A_22 = vector.broadcast %broadcast_in_dim3A : i32 to vector<16xi32>
    %scan3A = arith.constant 0 : i32
    %scan3A_23 = arith.constant 200 : i32
    %scan3A_24 = arith.addi %scan3A, %scan3A_23 : i32
    %scan3A_25 = arith.constant 1 : i32
    %scan3A_26 = scf.for %scan3A_33 = %scan3A to %scan3A_24 step %scan3A_25 iter_args(%scan3A_34 = %broadcast_in_dim3A_22) -> (vector<16xi32>)  : i32 {
      %mul3A_35 = arith.constant 16 : i32
      %mul3A_36 = arith.muli %scan3A_33, %mul3A_35 : i32
      %get3A = arith.index_cast %mul3A_36 : i32 to index
      %get3A_37 = tpu.vector_load %arg6[%get3A] {strides = array<i32>} : memref<3200xi32, #tpu.memory_space<vmem>>, vector<16xi32>,
      %mul3A_38 = arith.constant 16 : i32
      %mul3A_39 = arith.muli %scan3A_33, %mul3A_38 : i32
      %get3A_40 = arith.index_cast %mul3A_39 : i32 to index
      %get3A_41 = tpu.vector_load %arg7[%get3A_40] {strides = array<i32>} : memref<3200xi32, #tpu.memory_space<vmem>>, vector<16xi32>,
      %add3A_42 = arith.addi %get3A_37, %get3A_41 : vector<16xi32>
      %mul3A_43 = arith.constant 16 : i32
      %mul3A_44 = arith.muli %scan3A_33, %mul3A_43 : i32
      %add3A_45 = vector.broadcast %mul3A_44 : i32 to vector<16xi32>
      %add3A_46 = arith.addi %add3A_45, %iota3A : vector<16xi32>
      %lt3A = vector.broadcast %sub3A : i32 to vector<16xi32>
      %lt3A_47 = arith.cmpi slt, %add3A_46, %lt3A : vector<16xi32>
      %gt3A = arith.constant 0 : i32
      %gt3A_48 = vector.broadcast %gt3A : i32 to vector<16xi32>
      %gt3A_49 = arith.cmpi sgt, %add3A_42, %gt3A_48 : vector<16xi32>
      %and3A = arith.andi %lt3A_47, %gt3A_49 : vector<16xi1>
      %jit3A_50 = arith.constant 1 : i32
      %jit3A_51 = arith.constant 0 : i32
      %broadcast_in_dim3A_52 = vector.broadcast %jit3A_50 : i32 to vector<16xi32>
      %broadcast_in_dim3A_53 = vector.broadcast %jit3A_51 : i32 to vector<16xi32>
      %select_n3A_54 = arith.select %and3A, %broadcast_in_dim3A_52, %broadcast_in_dim3A_53 : vector<16xi1>, vector<16xi32>
      %add3A_55 = arith.addi %scan3A_34, %select_n3A_54 : vector<16xi32>
      scf.yield %add3A_55 : vector<16xi32>
    }
    %scan3A_27 = arith.constant 200 : i32
    %reduce_sum3A = arith.constant true
    %reduce_sum3A_28 = vector.broadcast %reduce_sum3A : i1 to vector<16xi1>
    %reduce_sum3A_29 = tpu.scan <sum>, %scan3A_26 masked %reduce_sum3A_28 : vector<16xi32>, vector<16xi1> -> vector<16xi32>
    %reduce_sum3A_30 = vector.extract %reduce_sum3A_29[15] : i32 from vector<16xi32>
    %broadcast_in_dim3A_31 = vector.broadcast %reduce_sum3A_30 : i32 to vector<16xi32>
    %swap3A = arith.constant 0 : index
    %swap3A_32 = tpu.vector_load %arg8[%swap3A] {strides = array<i32>} : memref<16xi32, #tpu.memory_space<vmem>>, vector<16xi32>,
    tpu.vector_store %arg8[%swap3A], %broadcast_in_dim3A_31 {strides = array<i32>} : memref<16xi32, #tpu.memory_space<vmem>>, vector<16xi32>,
    "tpu.region"() ({
      %run_scoped3A = tpu.sem_alloc : memref<!tpu.dma_semaphore, #tpu.memory_space<semaphore_mem>>
      %dma_start3A = arith.constant 0 : i32
      %dma_start3A_33 = tpu.memref_slice %arg5[%add3A, %dma_start3A] : memref<32x16xi32, #tpu.memory_space<hbm>> -> memref<1x16xi32, #tpu.memory_space<hbm>>
      %dma_start3A_34 = tpu.memref_squeeze %dma_start3A_33 : memref<1x16xi32, #tpu.memory_space<hbm>> -> memref<16xi32, #tpu.memory_space<hbm>>
      %dma_start3A_35 = arith.constant 0 : i32
      %dma_start3A_36 = tpu.memref_slice %arg5[%add3A, %dma_start3A_35] : memref<32x16xi32, #tpu.memory_space<hbm>> -> memref<1x16xi32, #tpu.memory_space<hbm>>
      %dma_start3A_37 = tpu.memref_squeeze %dma_start3A_36 : memref<1x16xi32, #tpu.memory_space<hbm>> -> memref<16xi32, #tpu.memory_space<hbm>>
      tpu.enqueue_dma source(%arg8 : memref<16xi32, #tpu.memory_space<vmem>>) target(%dma_start3A_37 : memref<16xi32, #tpu.memory_space<hbm>>) target_semaphore(%run_scoped3A : memref<!tpu.dma_semaphore, #tpu.memory_space<semaphore_mem>>)
      %dma_wait3A = arith.constant 0 : i32
      %dma_wait3A_38 = tpu.memref_slice %arg5[%add3A, %dma_wait3A] : memref<32x16xi32, #tpu.memory_space<hbm>> -> memref<1x16xi32, #tpu.memory_space<hbm>>
      %dma_wait3A_39 = tpu.memref_squeeze %dma_wait3A_38 : memref<1x16xi32, #tpu.memory_space<hbm>> -> memref<16xi32, #tpu.memory_space<hbm>>
      %dma_wait3A_40 = arith.constant 0 : i32
      %dma_wait3A_41 = tpu.memref_slice %arg5[%add3A, %dma_wait3A_40] : memref<32x16xi32, #tpu.memory_space<hbm>> -> memref<1x16xi32, #tpu.memory_space<hbm>>
      %dma_wait3A_42 = tpu.memref_squeeze %dma_wait3A_41 : memref<1x16xi32, #tpu.memory_space<hbm>> -> memref<16xi32, #tpu.memory_space<hbm>>
      tpu.wait_dma2 semaphore(%run_scoped3A : memref<!tpu.dma_semaphore, #tpu.memory_space<semaphore_mem>>) src(%arg8 : memref<16xi32, #tpu.memory_space<vmem>>) dst(%dma_wait3A_42 : memref<16xi32, #tpu.memory_space<hbm>>)
      tpu.yield
    }) : () -> ()
    return
  }
}

#map = affine_map<(d0, d1) -> (0)>
module attributes {stable_mosaic.version = 14 : i64} {
  func.func @_k1_body(%arg0: i32, %arg1: i32, %arg2: memref<819200xi32, #tpu.memory_space<hbm>>, %arg3: memref<102400xi32, #tpu.memory_space<hbm>>, %arg4: memref<102400xi32, #tpu.memory_space<hbm>>, %arg5: memref<128xi32, #tpu.memory_space<vmem>>, %arg6: memref<128xi32, #tpu.memory_space<vmem>>, %arg7: memref<128xi32, #tpu.memory_space<vmem>>, %arg8: memref<128xi32, #tpu.memory_space<vmem>>, %arg9: memref<128xi32, #tpu.memory_space<vmem>>, %arg10: memref<128xi32, #tpu.memory_space<vmem>>, %arg11: memref<128xi32, #tpu.memory_space<vmem>>, %arg12: memref<128xi32, #tpu.memory_space<vmem>>, %arg13: memref<128xi32, #tpu.memory_space<vmem>>, %arg14: memref<6400xi32, #tpu.memory_space<vmem>>, %arg15: memref<102400xi32, #tpu.memory_space<vmem_shared>>, %arg16: memref<!tpu.dma_semaphore, #tpu.memory_space<semaphore_mem>>, %arg17: memref<!tpu.dma_semaphore, #tpu.memory_space<semaphore_mem>>, %arg18: memref<!tpu.dma_semaphore, #tpu.memory_space<semaphore_mem>>, %arg19: memref<!tpu.dma_semaphore, #tpu.memory_space<semaphore_mem>>, %arg20: memref<!tpu.dma_semaphore, #tpu.memory_space<semaphore_mem>>, %arg21: memref<!tpu.dma_semaphore, #tpu.memory_space<semaphore_mem>>, %arg22: memref<!tpu.dma_semaphore, #tpu.memory_space<semaphore_mem>>, %arg23: memref<!tpu.dma_semaphore, #tpu.memory_space<semaphore_mem>>, %arg24: memref<!tpu.dma_semaphore, #tpu.memory_space<semaphore_mem>>, %arg25: memref<!tpu.dma_semaphore, #tpu.memory_space<semaphore_mem>>, %arg26: memref<!tpu.dma_semaphore, #tpu.memory_space<semaphore_mem>>, %arg27: memref<!tpu.dma_semaphore, #tpu.memory_space<semaphore_mem>>, %arg28: memref<!tpu.dma_semaphore, #tpu.memory_space<semaphore_mem>>, %arg29: memref<!tpu.dma_semaphore, #tpu.memory_space<semaphore_mem>>, %arg30: memref<!tpu.dma_semaphore, #tpu.memory_space<semaphore_mem>>, %arg31: memref<!tpu.dma_semaphore, #tpu.memory_space<semaphore_mem>>) attributes {dimension_semantics = [#tpu.dimension_semantics<core_parallel>, #tpu.dimension_semantics<subcore_parallel>], iteration_bounds = array<i64: 2, 16>, scalar_prefetch = 0 : i64, scratch_operands = 27 : i64, tpu.core_type = #tpu.core_type<sc_vector_subcore>, window_params = [{transform_indices = #map}, {transform_indices = #map}, {transform_indices = #map}]} {
    %mul3A = arith.constant 16 : i32
    %mul3A_0 = arith.muli %arg0, %mul3A : i32
    %add3A = arith.addi %mul3A_0, %arg1 : i32
    %scan3A = arith.constant 0 : i32
    %scan3A_1 = arith.constant 0 : i32
    %scan3A_2 = arith.constant 400 : i32
    %scan3A_3 = arith.addi %scan3A_1, %scan3A_2 : i32
    %scan3A_4 = arith.constant 1 : i32
    %scan3A_5 = scf.for %scan3A_97 = %scan3A_1 to %scan3A_3 step %scan3A_4 iter_args(%scan3A_98 = %scan3A) -> (i32)  : i32 {
      %broadcast_in_dim3A = arith.constant 0 : i32
      %broadcast_in_dim3A_99 = vector.broadcast %broadcast_in_dim3A : i32 to vector<16xi32>
      %mul3A_100 = arith.constant 16 : i32
      %mul3A_101 = arith.muli %scan3A_97, %mul3A_100 : i32
      %swap3A = arith.index_cast %mul3A_101 : i32 to index
      %swap3A_102 = tpu.vector_load %arg14[%swap3A] {strides = array<i32>} : memref<6400xi32, #tpu.memory_space<vmem>>, vector<16xi32>,
      tpu.vector_store %arg14[%swap3A], %broadcast_in_dim3A_99 {strides = array<i32>} : memref<6400xi32, #tpu.memory_space<vmem>>, vector<16xi32>,
      %scan3A_103 = arith.constant 0 : i32
      scf.yield %scan3A_103 : i32
    }
    %scan3A_6 = arith.constant 400 : i32
    %mul3A_7 = arith.constant 6400 : i32
    %mul3A_8 = arith.muli %arg1, %mul3A_7 : i32
    "tpu.region"() ({
      %run_scoped3A = tpu.sem_alloc : memref<!tpu.dma_semaphore, #tpu.memory_space<semaphore_mem>>
      %dma_start3A_97 = tpu.memref_slice %arg15[%mul3A_8] : memref<102400xi32, #tpu.memory_space<vmem_shared>> -> memref<6400xi32, #tpu.memory_space<vmem_shared>>
      %dma_start3A_98 = tpu.memref_slice %arg15[%mul3A_8] : memref<102400xi32, #tpu.memory_space<vmem_shared>> -> memref<6400xi32, #tpu.memory_space<vmem_shared>>
      tpu.enqueue_dma source(%arg14 : memref<6400xi32, #tpu.memory_space<vmem>>) target(%dma_start3A_98 : memref<6400xi32, #tpu.memory_space<vmem_shared>>) target_semaphore(%run_scoped3A : memref<!tpu.dma_semaphore, #tpu.memory_space<semaphore_mem>>)
      %dma_wait3A_99 = tpu.memref_slice %arg15[%mul3A_8] : memref<102400xi32, #tpu.memory_space<vmem_shared>> -> memref<6400xi32, #tpu.memory_space<vmem_shared>>
      %dma_wait3A_100 = tpu.memref_slice %arg15[%mul3A_8] : memref<102400xi32, #tpu.memory_space<vmem_shared>> -> memref<6400xi32, #tpu.memory_space<vmem_shared>>
      tpu.wait_dma2 semaphore(%run_scoped3A : memref<!tpu.dma_semaphore, #tpu.memory_space<semaphore_mem>>) src(%arg14 : memref<6400xi32, #tpu.memory_space<vmem>>) dst(%dma_wait3A_100 : memref<6400xi32, #tpu.memory_space<vmem_shared>>)
      tpu.yield
    }) : () -> ()
    %barrier3A = arith.constant 0 : index
    tpu.barrier barrier_id(%barrier3A)
    %scan3A_9 = arith.constant 0 : i32
    %scan3A_10 = arith.constant 0 : i32
    %scan3A_11 = arith.constant 8 : i32
    %scan3A_12 = arith.addi %scan3A_10, %scan3A_11 : i32
    %scan3A_13 = arith.constant 1 : i32
    %scan3A_14 = scf.for %scan3A_97 = %scan3A_10 to %scan3A_12 step %scan3A_13 iter_args(%scan3A_98 = %scan3A_9) -> (i32)  : i32 {
      %broadcast_in_dim3A = arith.constant 1 : i32
      %broadcast_in_dim3A_99 = vector.broadcast %broadcast_in_dim3A : i32 to vector<16xi32>
      %mul3A_100 = arith.constant 16 : i32
      %mul3A_101 = arith.muli %scan3A_97, %mul3A_100 : i32
      %swap3A = arith.index_cast %mul3A_101 : i32 to index
      %swap3A_102 = tpu.vector_load %arg13[%swap3A] {strides = array<i32>} : memref<128xi32, #tpu.memory_space<vmem>>, vector<16xi32>,
      tpu.vector_store %arg13[%swap3A], %broadcast_in_dim3A_99 {strides = array<i32>} : memref<128xi32, #tpu.memory_space<vmem>>, vector<16xi32>,
      %scan3A_103 = arith.constant 0 : i32
      scf.yield %scan3A_103 : i32
    }
    %scan3A_15 = arith.constant 8 : i32
    %mul3A_16 = arith.constant 25600 : i32
    %mul3A_17 = arith.muli %add3A, %mul3A_16 : i32
    %add3A_18 = arith.constant 0 : i32
    %add3A_19 = arith.addi %mul3A_17, %add3A_18 : i32
    %dma_start3A = tpu.memref_slice %arg2[%add3A_19] : memref<819200xi32, #tpu.memory_space<hbm>> -> memref<128xi32, #tpu.memory_space<hbm>>
    %dma_start3A_20 = tpu.memref_slice %arg2[%add3A_19] : memref<819200xi32, #tpu.memory_space<hbm>> -> memref<128xi32, #tpu.memory_space<hbm>>
    tpu.enqueue_dma source(%dma_start3A_20 : memref<128xi32, #tpu.memory_space<hbm>>) target(%arg5 : memref<128xi32, #tpu.memory_space<vmem>>) target_semaphore(%arg16 : memref<!tpu.dma_semaphore, #tpu.memory_space<semaphore_mem>>)
    %add3A_21 = arith.constant 128 : i32
    %add3A_22 = arith.addi %mul3A_17, %add3A_21 : i32
    %dma_start3A_23 = tpu.memref_slice %arg2[%add3A_22] : memref<819200xi32, #tpu.memory_space<hbm>> -> memref<128xi32, #tpu.memory_space<hbm>>
    %dma_start3A_24 = tpu.memref_slice %arg2[%add3A_22] : memref<819200xi32, #tpu.memory_space<hbm>> -> memref<128xi32, #tpu.memory_space<hbm>>
    tpu.enqueue_dma source(%dma_start3A_24 : memref<128xi32, #tpu.memory_space<hbm>>) target(%arg6 : memref<128xi32, #tpu.memory_space<vmem>>) target_semaphore(%arg17 : memref<!tpu.dma_semaphore, #tpu.memory_space<semaphore_mem>>)
    %add3A_25 = arith.constant 256 : i32
    %add3A_26 = arith.addi %mul3A_17, %add3A_25 : i32
    %dma_start3A_27 = tpu.memref_slice %arg2[%add3A_26] : memref<819200xi32, #tpu.memory_space<hbm>> -> memref<128xi32, #tpu.memory_space<hbm>>
    %dma_start3A_28 = tpu.memref_slice %arg2[%add3A_26] : memref<819200xi32, #tpu.memory_space<hbm>> -> memref<128xi32, #tpu.memory_space<hbm>>
    tpu.enqueue_dma source(%dma_start3A_28 : memref<128xi32, #tpu.memory_space<hbm>>) target(%arg7 : memref<128xi32, #tpu.memory_space<vmem>>) target_semaphore(%arg18 : memref<!tpu.dma_semaphore, #tpu.memory_space<semaphore_mem>>)
    %add3A_29 = arith.constant 384 : i32
    %add3A_30 = arith.addi %mul3A_17, %add3A_29 : i32
    %dma_start3A_31 = tpu.memref_slice %arg2[%add3A_30] : memref<819200xi32, #tpu.memory_space<hbm>> -> memref<128xi32, #tpu.memory_space<hbm>>
    %dma_start3A_32 = tpu.memref_slice %arg2[%add3A_30] : memref<819200xi32, #tpu.memory_space<hbm>> -> memref<128xi32, #tpu.memory_space<hbm>>
    tpu.enqueue_dma source(%dma_start3A_32 : memref<128xi32, #tpu.memory_space<hbm>>) target(%arg8 : memref<128xi32, #tpu.memory_space<vmem>>) target_semaphore(%arg19 : memref<!tpu.dma_semaphore, #tpu.memory_space<semaphore_mem>>)
    %add3A_33 = arith.constant 512 : i32
    %add3A_34 = arith.addi %mul3A_17, %add3A_33 : i32
    %dma_start3A_35 = tpu.memref_slice %arg2[%add3A_34] : memref<819200xi32, #tpu.memory_space<hbm>> -> memref<128xi32, #tpu.memory_space<hbm>>
    %dma_start3A_36 = tpu.memref_slice %arg2[%add3A_34] : memref<819200xi32, #tpu.memory_space<hbm>> -> memref<128xi32, #tpu.memory_space<hbm>>
    tpu.enqueue_dma source(%dma_start3A_36 : memref<128xi32, #tpu.memory_space<hbm>>) target(%arg9 : memref<128xi32, #tpu.memory_space<vmem>>) target_semaphore(%arg20 : memref<!tpu.dma_semaphore, #tpu.memory_space<semaphore_mem>>)
    %add3A_37 = arith.constant 640 : i32
    %add3A_38 = arith.addi %mul3A_17, %add3A_37 : i32
    %dma_start3A_39 = tpu.memref_slice %arg2[%add3A_38] : memref<819200xi32, #tpu.memory_space<hbm>> -> memref<128xi32, #tpu.memory_space<hbm>>
    %dma_start3A_40 = tpu.memref_slice %arg2[%add3A_38] : memref<819200xi32, #tpu.memory_space<hbm>> -> memref<128xi32, #tpu.memory_space<hbm>>
    tpu.enqueue_dma source(%dma_start3A_40 : memref<128xi32, #tpu.memory_space<hbm>>) target(%arg10 : memref<128xi32, #tpu.memory_space<vmem>>) target_semaphore(%arg21 : memref<!tpu.dma_semaphore, #tpu.memory_space<semaphore_mem>>)
    %add3A_41 = arith.constant 768 : i32
    %add3A_42 = arith.addi %mul3A_17, %add3A_41 : i32
    %dma_start3A_43 = tpu.memref_slice %arg2[%add3A_42] : memref<819200xi32, #tpu.memory_space<hbm>> -> memref<128xi32, #tpu.memory_space<hbm>>
    %dma_start3A_44 = tpu.memref_slice %arg2[%add3A_42] : memref<819200xi32, #tpu.memory_space<hbm>> -> memref<128xi32, #tpu.memory_space<hbm>>
    tpu.enqueue_dma source(%dma_start3A_44 : memref<128xi32, #tpu.memory_space<hbm>>) target(%arg11 : memref<128xi32, #tpu.memory_space<vmem>>) target_semaphore(%arg22 : memref<!tpu.dma_semaphore, #tpu.memory_space<semaphore_mem>>)
    %add3A_45 = arith.constant 896 : i32
    %add3A_46 = arith.addi %mul3A_17, %add3A_45 : i32
    %dma_start3A_47 = tpu.memref_slice %arg2[%add3A_46] : memref<819200xi32, #tpu.memory_space<hbm>> -> memref<128xi32, #tpu.memory_space<hbm>>
    %dma_start3A_48 = tpu.memref_slice %arg2[%add3A_46] : memref<819200xi32, #tpu.memory_space<hbm>> -> memref<128xi32, #tpu.memory_space<hbm>>
    tpu.enqueue_dma source(%dma_start3A_48 : memref<128xi32, #tpu.memory_space<hbm>>) target(%arg12 : memref<128xi32, #tpu.memory_space<vmem>>) target_semaphore(%arg23 : memref<!tpu.dma_semaphore, #tpu.memory_space<semaphore_mem>>)
    %scan3A_49 = arith.constant 0 : i32
    %scan3A_50 = arith.constant 0 : i32
    %scan3A_51 = arith.constant 25 : i32
    %scan3A_52 = arith.addi %scan3A_50, %scan3A_51 : i32
    %scan3A_53 = arith.constant 1 : i32
    %scan3A_54 = scf.for %scan3A_97 = %scan3A_50 to %scan3A_52 step %scan3A_53 iter_args(%scan3A_98 = %scan3A_49) -> (i32)  : i32 {
      %mul3A_99 = arith.constant 8 : i32
      %mul3A_100 = arith.muli %mul3A_99, %scan3A_97 : i32
      %add3A_101 = arith.constant 0 : i32
      %add3A_102 = arith.addi %mul3A_100, %add3A_101 : i32
      %dma_wait3A_103 = arith.constant 0 : i32
      %dma_wait3A_104 = tpu.memref_slice %arg2[%dma_wait3A_103] : memref<819200xi32, #tpu.memory_space<hbm>> -> memref<128xi32, #tpu.memory_space<hbm>>
      %dma_wait3A_105 = arith.constant 0 : i32
      %dma_wait3A_106 = tpu.memref_slice %arg2[%dma_wait3A_105] : memref<819200xi32, #tpu.memory_space<hbm>> -> memref<128xi32, #tpu.memory_space<hbm>>
      tpu.wait_dma2 semaphore(%arg16 : memref<!tpu.dma_semaphore, #tpu.memory_space<semaphore_mem>>) src(%dma_wait3A_106 : memref<128xi32, #tpu.memory_space<hbm>>) dst(%arg5 : memref<128xi32, #tpu.memory_space<vmem>>)
      %dma_start3A_107 = arith.constant 0 : i32
      %dma_start3A_108 = tpu.memref_slice %arg15[%dma_start3A_107] : memref<102400xi32, #tpu.memory_space<vmem_shared>> -> memref<102400xi32, #tpu.memory_space<vmem_shared>>
      tpu.enqueue_indirect_dma source(%arg13 : memref<128xi32, #tpu.memory_space<vmem>>) target(%dma_start3A_108 : memref<102400xi32, #tpu.memory_space<vmem_shared>>) offsets(%arg5 : memref<128xi32, #tpu.memory_space<vmem>>) semaphore(%arg24 : memref<!tpu.dma_semaphore, #tpu.memory_space<semaphore_mem>>)
      %add3A_109 = arith.constant 8 : i32
      %add3A_110 = arith.addi %add3A_102, %add3A_109 : i32
      %lt3A = arith.constant 200 : i32
      %lt3A_111 = arith.cmpi slt, %add3A_110, %lt3A : i32
      %convert_element_type3A_112 = arith.extui %lt3A_111 : i1 to i32
      %cond3A_113 = arith.constant 0 : i32
      %cond3A_114 = arith.cmpi ne, %convert_element_type3A_112, %cond3A_113 : i32
      scf.if %cond3A_114 {
        %dma_wait3A_235 = arith.constant 0 : i32
        %dma_wait3A_236 = tpu.memref_slice %arg2[%dma_wait3A_235] : memref<819200xi32, #tpu.memory_space<hbm>> -> memref<128xi32, #tpu.memory_space<hbm>>
        %dma_wait3A_237 = arith.constant 0 : i32
        %dma_wait3A_238 = tpu.memref_slice %arg2[%dma_wait3A_237] : memref<819200xi32, #tpu.memory_space<hbm>> -> memref<128xi32, #tpu.memory_space<hbm>>
        tpu.wait_dma2 semaphore(%arg24 : memref<!tpu.dma_semaphore, #tpu.memory_space<semaphore_mem>>) src(%dma_wait3A_238 : memref<128xi32, #tpu.memory_space<hbm>>) dst(%arg5 : memref<128xi32, #tpu.memory_space<vmem>>)
        %add3A_239 = arith.constant 8 : i32
        %add3A_240 = arith.addi %add3A_102, %add3A_239 : i32
        %mul3A_241 = arith.constant 128 : i32
        %mul3A_242 = arith.muli %add3A_240, %mul3A_241 : i32
        %add3A_243 = arith.addi %mul3A_17, %mul3A_242 : i32
        %dma_start3A_244 = tpu.memref_slice %arg2[%add3A_243] : memref<819200xi32, #tpu.memory_space<hbm>> -> memref<128xi32, #tpu.memory_space<hbm>>
        %dma_start3A_245 = tpu.memref_slice %arg2[%add3A_243] : memref<819200xi32, #tpu.memory_space<hbm>> -> memref<128xi32, #tpu.memory_space<hbm>>
        tpu.enqueue_dma source(%dma_start3A_245 : memref<128xi32, #tpu.memory_space<hbm>>) target(%arg5 : memref<128xi32, #tpu.memory_space<vmem>>) target_semaphore(%arg16 : memref<!tpu.dma_semaphore, #tpu.memory_space<semaphore_mem>>)
      } else {
      }
      %mul3A_115 = arith.constant 8 : i32
      %mul3A_116 = arith.muli %mul3A_115, %scan3A_97 : i32
      %add3A_117 = arith.constant 1 : i32
      %add3A_118 = arith.addi %mul3A_116, %add3A_117 : i32
      %dma_wait3A_119 = arith.constant 0 : i32
      %dma_wait3A_120 = tpu.memref_slice %arg2[%dma_wait3A_119] : memref<819200xi32, #tpu.memory_space<hbm>> -> memref<128xi32, #tpu.memory_space<hbm>>
      %dma_wait3A_121 = arith.constant 0 : i32
      %dma_wait3A_122 = tpu.memref_slice %arg2[%dma_wait3A_121] : memref<819200xi32, #tpu.memory_space<hbm>> -> memref<128xi32, #tpu.memory_space<hbm>>
      tpu.wait_dma2 semaphore(%arg17 : memref<!tpu.dma_semaphore, #tpu.memory_space<semaphore_mem>>) src(%dma_wait3A_122 : memref<128xi32, #tpu.memory_space<hbm>>) dst(%arg6 : memref<128xi32, #tpu.memory_space<vmem>>)
      %dma_start3A_123 = arith.constant 0 : i32
      %dma_start3A_124 = tpu.memref_slice %arg15[%dma_start3A_123] : memref<102400xi32, #tpu.memory_space<vmem_shared>> -> memref<102400xi32, #tpu.memory_space<vmem_shared>>
      tpu.enqueue_indirect_dma source(%arg13 : memref<128xi32, #tpu.memory_space<vmem>>) target(%dma_start3A_124 : memref<102400xi32, #tpu.memory_space<vmem_shared>>) offsets(%arg6 : memref<128xi32, #tpu.memory_space<vmem>>) semaphore(%arg25 : memref<!tpu.dma_semaphore, #tpu.memory_space<semaphore_mem>>)
      %add3A_125 = arith.constant 8 : i32
      %add3A_126 = arith.addi %add3A_118, %add3A_125 : i32
      %lt3A_127 = arith.constant 200 : i32
      %lt3A_128 = arith.cmpi slt, %add3A_126, %lt3A_127 : i32
      %convert_element_type3A_129 = arith.extui %lt3A_128 : i1 to i32
      %cond3A_130 = arith.constant 0 : i32
      %cond3A_131 = arith.cmpi ne, %convert_element_type3A_129, %cond3A_130 : i32
      scf.if %cond3A_131 {
        %dma_wait3A_235 = arith.constant 0 : i32
        %dma_wait3A_236 = tpu.memref_slice %arg2[%dma_wait3A_235] : memref<819200xi32, #tpu.memory_space<hbm>> -> memref<128xi32, #tpu.memory_space<hbm>>
        %dma_wait3A_237 = arith.constant 0 : i32
        %dma_wait3A_238 = tpu.memref_slice %arg2[%dma_wait3A_237] : memref<819200xi32, #tpu.memory_space<hbm>> -> memref<128xi32, #tpu.memory_space<hbm>>
        tpu.wait_dma2 semaphore(%arg25 : memref<!tpu.dma_semaphore, #tpu.memory_space<semaphore_mem>>) src(%dma_wait3A_238 : memref<128xi32, #tpu.memory_space<hbm>>) dst(%arg6 : memref<128xi32, #tpu.memory_space<vmem>>)
        %add3A_239 = arith.constant 8 : i32
        %add3A_240 = arith.addi %add3A_118, %add3A_239 : i32
        %mul3A_241 = arith.constant 128 : i32
        %mul3A_242 = arith.muli %add3A_240, %mul3A_241 : i32
        %add3A_243 = arith.addi %mul3A_17, %mul3A_242 : i32
        %dma_start3A_244 = tpu.memref_slice %arg2[%add3A_243] : memref<819200xi32, #tpu.memory_space<hbm>> -> memref<128xi32, #tpu.memory_space<hbm>>
        %dma_start3A_245 = tpu.memref_slice %arg2[%add3A_243] : memref<819200xi32, #tpu.memory_space<hbm>> -> memref<128xi32, #tpu.memory_space<hbm>>
        tpu.enqueue_dma source(%dma_start3A_245 : memref<128xi32, #tpu.memory_space<hbm>>) target(%arg6 : memref<128xi32, #tpu.memory_space<vmem>>) target_semaphore(%arg17 : memref<!tpu.dma_semaphore, #tpu.memory_space<semaphore_mem>>)
      } else {
      }
      %mul3A_132 = arith.constant 8 : i32
      %mul3A_133 = arith.muli %mul3A_132, %scan3A_97 : i32
      %add3A_134 = arith.constant 2 : i32
      %add3A_135 = arith.addi %mul3A_133, %add3A_134 : i32
      %dma_wait3A_136 = arith.constant 0 : i32
      %dma_wait3A_137 = tpu.memref_slice %arg2[%dma_wait3A_136] : memref<819200xi32, #tpu.memory_space<hbm>> -> memref<128xi32, #tpu.memory_space<hbm>>
      %dma_wait3A_138 = arith.constant 0 : i32
      %dma_wait3A_139 = tpu.memref_slice %arg2[%dma_wait3A_138] : memref<819200xi32, #tpu.memory_space<hbm>> -> memref<128xi32, #tpu.memory_space<hbm>>
      tpu.wait_dma2 semaphore(%arg18 : memref<!tpu.dma_semaphore, #tpu.memory_space<semaphore_mem>>) src(%dma_wait3A_139 : memref<128xi32, #tpu.memory_space<hbm>>) dst(%arg7 : memref<128xi32, #tpu.memory_space<vmem>>)
      %dma_start3A_140 = arith.constant 0 : i32
      %dma_start3A_141 = tpu.memref_slice %arg15[%dma_start3A_140] : memref<102400xi32, #tpu.memory_space<vmem_shared>> -> memref<102400xi32, #tpu.memory_space<vmem_shared>>
      tpu.enqueue_indirect_dma source(%arg13 : memref<128xi32, #tpu.memory_space<vmem>>) target(%dma_start3A_141 : memref<102400xi32, #tpu.memory_space<vmem_shared>>) offsets(%arg7 : memref<128xi32, #tpu.memory_space<vmem>>) semaphore(%arg26 : memref<!tpu.dma_semaphore, #tpu.memory_space<semaphore_mem>>)
      %add3A_142 = arith.constant 8 : i32
      %add3A_143 = arith.addi %add3A_135, %add3A_142 : i32
      %lt3A_144 = arith.constant 200 : i32
      %lt3A_145 = arith.cmpi slt, %add3A_143, %lt3A_144 : i32
      %convert_element_type3A_146 = arith.extui %lt3A_145 : i1 to i32
      %cond3A_147 = arith.constant 0 : i32
      %cond3A_148 = arith.cmpi ne, %convert_element_type3A_146, %cond3A_147 : i32
      scf.if %cond3A_148 {
        %dma_wait3A_235 = arith.constant 0 : i32
        %dma_wait3A_236 = tpu.memref_slice %arg2[%dma_wait3A_235] : memref<819200xi32, #tpu.memory_space<hbm>> -> memref<128xi32, #tpu.memory_space<hbm>>
        %dma_wait3A_237 = arith.constant 0 : i32
        %dma_wait3A_238 = tpu.memref_slice %arg2[%dma_wait3A_237] : memref<819200xi32, #tpu.memory_space<hbm>> -> memref<128xi32, #tpu.memory_space<hbm>>
        tpu.wait_dma2 semaphore(%arg26 : memref<!tpu.dma_semaphore, #tpu.memory_space<semaphore_mem>>) src(%dma_wait3A_238 : memref<128xi32, #tpu.memory_space<hbm>>) dst(%arg7 : memref<128xi32, #tpu.memory_space<vmem>>)
        %add3A_239 = arith.constant 8 : i32
        %add3A_240 = arith.addi %add3A_135, %add3A_239 : i32
        %mul3A_241 = arith.constant 128 : i32
        %mul3A_242 = arith.muli %add3A_240, %mul3A_241 : i32
        %add3A_243 = arith.addi %mul3A_17, %mul3A_242 : i32
        %dma_start3A_244 = tpu.memref_slice %arg2[%add3A_243] : memref<819200xi32, #tpu.memory_space<hbm>> -> memref<128xi32, #tpu.memory_space<hbm>>
        %dma_start3A_245 = tpu.memref_slice %arg2[%add3A_243] : memref<819200xi32, #tpu.memory_space<hbm>> -> memref<128xi32, #tpu.memory_space<hbm>>
        tpu.enqueue_dma source(%dma_start3A_245 : memref<128xi32, #tpu.memory_space<hbm>>) target(%arg7 : memref<128xi32, #tpu.memory_space<vmem>>) target_semaphore(%arg18 : memref<!tpu.dma_semaphore, #tpu.memory_space<semaphore_mem>>)
      } else {
      }
      %mul3A_149 = arith.constant 8 : i32
      %mul3A_150 = arith.muli %mul3A_149, %scan3A_97 : i32
      %add3A_151 = arith.constant 3 : i32
      %add3A_152 = arith.addi %mul3A_150, %add3A_151 : i32
      %dma_wait3A_153 = arith.constant 0 : i32
      %dma_wait3A_154 = tpu.memref_slice %arg2[%dma_wait3A_153] : memref<819200xi32, #tpu.memory_space<hbm>> -> memref<128xi32, #tpu.memory_space<hbm>>
      %dma_wait3A_155 = arith.constant 0 : i32
      %dma_wait3A_156 = tpu.memref_slice %arg2[%dma_wait3A_155] : memref<819200xi32, #tpu.memory_space<hbm>> -> memref<128xi32, #tpu.memory_space<hbm>>
      tpu.wait_dma2 semaphore(%arg19 : memref<!tpu.dma_semaphore, #tpu.memory_space<semaphore_mem>>) src(%dma_wait3A_156 : memref<128xi32, #tpu.memory_space<hbm>>) dst(%arg8 : memref<128xi32, #tpu.memory_space<vmem>>)
      %dma_start3A_157 = arith.constant 0 : i32
      %dma_start3A_158 = tpu.memref_slice %arg15[%dma_start3A_157] : memref<102400xi32, #tpu.memory_space<vmem_shared>> -> memref<102400xi32, #tpu.memory_space<vmem_shared>>
      tpu.enqueue_indirect_dma source(%arg13 : memref<128xi32, #tpu.memory_space<vmem>>) target(%dma_start3A_158 : memref<102400xi32, #tpu.memory_space<vmem_shared>>) offsets(%arg8 : memref<128xi32, #tpu.memory_space<vmem>>) semaphore(%arg27 : memref<!tpu.dma_semaphore, #tpu.memory_space<semaphore_mem>>)
      %add3A_159 = arith.constant 8 : i32
      %add3A_160 = arith.addi %add3A_152, %add3A_159 : i32
      %lt3A_161 = arith.constant 200 : i32
      %lt3A_162 = arith.cmpi slt, %add3A_160, %lt3A_161 : i32
      %convert_element_type3A_163 = arith.extui %lt3A_162 : i1 to i32
      %cond3A_164 = arith.constant 0 : i32
      %cond3A_165 = arith.cmpi ne, %convert_element_type3A_163, %cond3A_164 : i32
      scf.if %cond3A_165 {
        %dma_wait3A_235 = arith.constant 0 : i32
        %dma_wait3A_236 = tpu.memref_slice %arg2[%dma_wait3A_235] : memref<819200xi32, #tpu.memory_space<hbm>> -> memref<128xi32, #tpu.memory_space<hbm>>
        %dma_wait3A_237 = arith.constant 0 : i32
        %dma_wait3A_238 = tpu.memref_slice %arg2[%dma_wait3A_237] : memref<819200xi32, #tpu.memory_space<hbm>> -> memref<128xi32, #tpu.memory_space<hbm>>
        tpu.wait_dma2 semaphore(%arg27 : memref<!tpu.dma_semaphore, #tpu.memory_space<semaphore_mem>>) src(%dma_wait3A_238 : memref<128xi32, #tpu.memory_space<hbm>>) dst(%arg8 : memref<128xi32, #tpu.memory_space<vmem>>)
        %add3A_239 = arith.constant 8 : i32
        %add3A_240 = arith.addi %add3A_152, %add3A_239 : i32
        %mul3A_241 = arith.constant 128 : i32
        %mul3A_242 = arith.muli %add3A_240, %mul3A_241 : i32
        %add3A_243 = arith.addi %mul3A_17, %mul3A_242 : i32
        %dma_start3A_244 = tpu.memref_slice %arg2[%add3A_243] : memref<819200xi32, #tpu.memory_space<hbm>> -> memref<128xi32, #tpu.memory_space<hbm>>
        %dma_start3A_245 = tpu.memref_slice %arg2[%add3A_243] : memref<819200xi32, #tpu.memory_space<hbm>> -> memref<128xi32, #tpu.memory_space<hbm>>
        tpu.enqueue_dma source(%dma_start3A_245 : memref<128xi32, #tpu.memory_space<hbm>>) target(%arg8 : memref<128xi32, #tpu.memory_space<vmem>>) target_semaphore(%arg19 : memref<!tpu.dma_semaphore, #tpu.memory_space<semaphore_mem>>)
      } else {
      }
      %mul3A_166 = arith.constant 8 : i32
      %mul3A_167 = arith.muli %mul3A_166, %scan3A_97 : i32
      %add3A_168 = arith.constant 4 : i32
      %add3A_169 = arith.addi %mul3A_167, %add3A_168 : i32
      %dma_wait3A_170 = arith.constant 0 : i32
      %dma_wait3A_171 = tpu.memref_slice %arg2[%dma_wait3A_170] : memref<819200xi32, #tpu.memory_space<hbm>> -> memref<128xi32, #tpu.memory_space<hbm>>
      %dma_wait3A_172 = arith.constant 0 : i32
      %dma_wait3A_173 = tpu.memref_slice %arg2[%dma_wait3A_172] : memref<819200xi32, #tpu.memory_space<hbm>> -> memref<128xi32, #tpu.memory_space<hbm>>
      tpu.wait_dma2 semaphore(%arg20 : memref<!tpu.dma_semaphore, #tpu.memory_space<semaphore_mem>>) src(%dma_wait3A_173 : memref<128xi32, #tpu.memory_space<hbm>>) dst(%arg9 : memref<128xi32, #tpu.memory_space<vmem>>)
      %dma_start3A_174 = arith.constant 0 : i32
      %dma_start3A_175 = tpu.memref_slice %arg15[%dma_start3A_174] : memref<102400xi32, #tpu.memory_space<vmem_shared>> -> memref<102400xi32, #tpu.memory_space<vmem_shared>>
      tpu.enqueue_indirect_dma source(%arg13 : memref<128xi32, #tpu.memory_space<vmem>>) target(%dma_start3A_175 : memref<102400xi32, #tpu.memory_space<vmem_shared>>) offsets(%arg9 : memref<128xi32, #tpu.memory_space<vmem>>) semaphore(%arg28 : memref<!tpu.dma_semaphore, #tpu.memory_space<semaphore_mem>>)
      %add3A_176 = arith.constant 8 : i32
      %add3A_177 = arith.addi %add3A_169, %add3A_176 : i32
      %lt3A_178 = arith.constant 200 : i32
      %lt3A_179 = arith.cmpi slt, %add3A_177, %lt3A_178 : i32
      %convert_element_type3A_180 = arith.extui %lt3A_179 : i1 to i32
      %cond3A_181 = arith.constant 0 : i32
      %cond3A_182 = arith.cmpi ne, %convert_element_type3A_180, %cond3A_181 : i32
      scf.if %cond3A_182 {
        %dma_wait3A_235 = arith.constant 0 : i32
        %dma_wait3A_236 = tpu.memref_slice %arg2[%dma_wait3A_235] : memref<819200xi32, #tpu.memory_space<hbm>> -> memref<128xi32, #tpu.memory_space<hbm>>
        %dma_wait3A_237 = arith.constant 0 : i32
        %dma_wait3A_238 = tpu.memref_slice %arg2[%dma_wait3A_237] : memref<819200xi32, #tpu.memory_space<hbm>> -> memref<128xi32, #tpu.memory_space<hbm>>
        tpu.wait_dma2 semaphore(%arg28 : memref<!tpu.dma_semaphore, #tpu.memory_space<semaphore_mem>>) src(%dma_wait3A_238 : memref<128xi32, #tpu.memory_space<hbm>>) dst(%arg9 : memref<128xi32, #tpu.memory_space<vmem>>)
        %add3A_239 = arith.constant 8 : i32
        %add3A_240 = arith.addi %add3A_169, %add3A_239 : i32
        %mul3A_241 = arith.constant 128 : i32
        %mul3A_242 = arith.muli %add3A_240, %mul3A_241 : i32
        %add3A_243 = arith.addi %mul3A_17, %mul3A_242 : i32
        %dma_start3A_244 = tpu.memref_slice %arg2[%add3A_243] : memref<819200xi32, #tpu.memory_space<hbm>> -> memref<128xi32, #tpu.memory_space<hbm>>
        %dma_start3A_245 = tpu.memref_slice %arg2[%add3A_243] : memref<819200xi32, #tpu.memory_space<hbm>> -> memref<128xi32, #tpu.memory_space<hbm>>
        tpu.enqueue_dma source(%dma_start3A_245 : memref<128xi32, #tpu.memory_space<hbm>>) target(%arg9 : memref<128xi32, #tpu.memory_space<vmem>>) target_semaphore(%arg20 : memref<!tpu.dma_semaphore, #tpu.memory_space<semaphore_mem>>)
      } else {
      }
      %mul3A_183 = arith.constant 8 : i32
      %mul3A_184 = arith.muli %mul3A_183, %scan3A_97 : i32
      %add3A_185 = arith.constant 5 : i32
      %add3A_186 = arith.addi %mul3A_184, %add3A_185 : i32
      %dma_wait3A_187 = arith.constant 0 : i32
      %dma_wait3A_188 = tpu.memref_slice %arg2[%dma_wait3A_187] : memref<819200xi32, #tpu.memory_space<hbm>> -> memref<128xi32, #tpu.memory_space<hbm>>
      %dma_wait3A_189 = arith.constant 0 : i32
      %dma_wait3A_190 = tpu.memref_slice %arg2[%dma_wait3A_189] : memref<819200xi32, #tpu.memory_space<hbm>> -> memref<128xi32, #tpu.memory_space<hbm>>
      tpu.wait_dma2 semaphore(%arg21 : memref<!tpu.dma_semaphore, #tpu.memory_space<semaphore_mem>>) src(%dma_wait3A_190 : memref<128xi32, #tpu.memory_space<hbm>>) dst(%arg10 : memref<128xi32, #tpu.memory_space<vmem>>)
      %dma_start3A_191 = arith.constant 0 : i32
      %dma_start3A_192 = tpu.memref_slice %arg15[%dma_start3A_191] : memref<102400xi32, #tpu.memory_space<vmem_shared>> -> memref<102400xi32, #tpu.memory_space<vmem_shared>>
      tpu.enqueue_indirect_dma source(%arg13 : memref<128xi32, #tpu.memory_space<vmem>>) target(%dma_start3A_192 : memref<102400xi32, #tpu.memory_space<vmem_shared>>) offsets(%arg10 : memref<128xi32, #tpu.memory_space<vmem>>) semaphore(%arg29 : memref<!tpu.dma_semaphore, #tpu.memory_space<semaphore_mem>>)
      %add3A_193 = arith.constant 8 : i32
      %add3A_194 = arith.addi %add3A_186, %add3A_193 : i32
      %lt3A_195 = arith.constant 200 : i32
      %lt3A_196 = arith.cmpi slt, %add3A_194, %lt3A_195 : i32
      %convert_element_type3A_197 = arith.extui %lt3A_196 : i1 to i32
      %cond3A_198 = arith.constant 0 : i32
      %cond3A_199 = arith.cmpi ne, %convert_element_type3A_197, %cond3A_198 : i32
      scf.if %cond3A_199 {
        %dma_wait3A_235 = arith.constant 0 : i32
        %dma_wait3A_236 = tpu.memref_slice %arg2[%dma_wait3A_235] : memref<819200xi32, #tpu.memory_space<hbm>> -> memref<128xi32, #tpu.memory_space<hbm>>
        %dma_wait3A_237 = arith.constant 0 : i32
        %dma_wait3A_238 = tpu.memref_slice %arg2[%dma_wait3A_237] : memref<819200xi32, #tpu.memory_space<hbm>> -> memref<128xi32, #tpu.memory_space<hbm>>
        tpu.wait_dma2 semaphore(%arg29 : memref<!tpu.dma_semaphore, #tpu.memory_space<semaphore_mem>>) src(%dma_wait3A_238 : memref<128xi32, #tpu.memory_space<hbm>>) dst(%arg10 : memref<128xi32, #tpu.memory_space<vmem>>)
        %add3A_239 = arith.constant 8 : i32
        %add3A_240 = arith.addi %add3A_186, %add3A_239 : i32
        %mul3A_241 = arith.constant 128 : i32
        %mul3A_242 = arith.muli %add3A_240, %mul3A_241 : i32
        %add3A_243 = arith.addi %mul3A_17, %mul3A_242 : i32
        %dma_start3A_244 = tpu.memref_slice %arg2[%add3A_243] : memref<819200xi32, #tpu.memory_space<hbm>> -> memref<128xi32, #tpu.memory_space<hbm>>
        %dma_start3A_245 = tpu.memref_slice %arg2[%add3A_243] : memref<819200xi32, #tpu.memory_space<hbm>> -> memref<128xi32, #tpu.memory_space<hbm>>
        tpu.enqueue_dma source(%dma_start3A_245 : memref<128xi32, #tpu.memory_space<hbm>>) target(%arg10 : memref<128xi32, #tpu.memory_space<vmem>>) target_semaphore(%arg21 : memref<!tpu.dma_semaphore, #tpu.memory_space<semaphore_mem>>)
      } else {
      }
      %mul3A_200 = arith.constant 8 : i32
      %mul3A_201 = arith.muli %mul3A_200, %scan3A_97 : i32
      %add3A_202 = arith.constant 6 : i32
      %add3A_203 = arith.addi %mul3A_201, %add3A_202 : i32
      %dma_wait3A_204 = arith.constant 0 : i32
      %dma_wait3A_205 = tpu.memref_slice %arg2[%dma_wait3A_204] : memref<819200xi32, #tpu.memory_space<hbm>> -> memref<128xi32, #tpu.memory_space<hbm>>
      %dma_wait3A_206 = arith.constant 0 : i32
      %dma_wait3A_207 = tpu.memref_slice %arg2[%dma_wait3A_206] : memref<819200xi32, #tpu.memory_space<hbm>> -> memref<128xi32, #tpu.memory_space<hbm>>
      tpu.wait_dma2 semaphore(%arg22 : memref<!tpu.dma_semaphore, #tpu.memory_space<semaphore_mem>>) src(%dma_wait3A_207 : memref<128xi32, #tpu.memory_space<hbm>>) dst(%arg11 : memref<128xi32, #tpu.memory_space<vmem>>)
      %dma_start3A_208 = arith.constant 0 : i32
      %dma_start3A_209 = tpu.memref_slice %arg15[%dma_start3A_208] : memref<102400xi32, #tpu.memory_space<vmem_shared>> -> memref<102400xi32, #tpu.memory_space<vmem_shared>>
      tpu.enqueue_indirect_dma source(%arg13 : memref<128xi32, #tpu.memory_space<vmem>>) target(%dma_start3A_209 : memref<102400xi32, #tpu.memory_space<vmem_shared>>) offsets(%arg11 : memref<128xi32, #tpu.memory_space<vmem>>) semaphore(%arg30 : memref<!tpu.dma_semaphore, #tpu.memory_space<semaphore_mem>>)
      %add3A_210 = arith.constant 8 : i32
      %add3A_211 = arith.addi %add3A_203, %add3A_210 : i32
      %lt3A_212 = arith.constant 200 : i32
      %lt3A_213 = arith.cmpi slt, %add3A_211, %lt3A_212 : i32
      %convert_element_type3A_214 = arith.extui %lt3A_213 : i1 to i32
      %cond3A_215 = arith.constant 0 : i32
      %cond3A_216 = arith.cmpi ne, %convert_element_type3A_214, %cond3A_215 : i32
      scf.if %cond3A_216 {
        %dma_wait3A_235 = arith.constant 0 : i32
        %dma_wait3A_236 = tpu.memref_slice %arg2[%dma_wait3A_235] : memref<819200xi32, #tpu.memory_space<hbm>> -> memref<128xi32, #tpu.memory_space<hbm>>
        %dma_wait3A_237 = arith.constant 0 : i32
        %dma_wait3A_238 = tpu.memref_slice %arg2[%dma_wait3A_237] : memref<819200xi32, #tpu.memory_space<hbm>> -> memref<128xi32, #tpu.memory_space<hbm>>
        tpu.wait_dma2 semaphore(%arg30 : memref<!tpu.dma_semaphore, #tpu.memory_space<semaphore_mem>>) src(%dma_wait3A_238 : memref<128xi32, #tpu.memory_space<hbm>>) dst(%arg11 : memref<128xi32, #tpu.memory_space<vmem>>)
        %add3A_239 = arith.constant 8 : i32
        %add3A_240 = arith.addi %add3A_203, %add3A_239 : i32
        %mul3A_241 = arith.constant 128 : i32
        %mul3A_242 = arith.muli %add3A_240, %mul3A_241 : i32
        %add3A_243 = arith.addi %mul3A_17, %mul3A_242 : i32
        %dma_start3A_244 = tpu.memref_slice %arg2[%add3A_243] : memref<819200xi32, #tpu.memory_space<hbm>> -> memref<128xi32, #tpu.memory_space<hbm>>
        %dma_start3A_245 = tpu.memref_slice %arg2[%add3A_243] : memref<819200xi32, #tpu.memory_space<hbm>> -> memref<128xi32, #tpu.memory_space<hbm>>
        tpu.enqueue_dma source(%dma_start3A_245 : memref<128xi32, #tpu.memory_space<hbm>>) target(%arg11 : memref<128xi32, #tpu.memory_space<vmem>>) target_semaphore(%arg22 : memref<!tpu.dma_semaphore, #tpu.memory_space<semaphore_mem>>)
      } else {
      }
      %mul3A_217 = arith.constant 8 : i32
      %mul3A_218 = arith.muli %mul3A_217, %scan3A_97 : i32
      %add3A_219 = arith.constant 7 : i32
      %add3A_220 = arith.addi %mul3A_218, %add3A_219 : i32
      %dma_wait3A_221 = arith.constant 0 : i32
      %dma_wait3A_222 = tpu.memref_slice %arg2[%dma_wait3A_221] : memref<819200xi32, #tpu.memory_space<hbm>> -> memref<128xi32, #tpu.memory_space<hbm>>
      %dma_wait3A_223 = arith.constant 0 : i32
      %dma_wait3A_224 = tpu.memref_slice %arg2[%dma_wait3A_223] : memref<819200xi32, #tpu.memory_space<hbm>> -> memref<128xi32, #tpu.memory_space<hbm>>
      tpu.wait_dma2 semaphore(%arg23 : memref<!tpu.dma_semaphore, #tpu.memory_space<semaphore_mem>>) src(%dma_wait3A_224 : memref<128xi32, #tpu.memory_space<hbm>>) dst(%arg12 : memref<128xi32, #tpu.memory_space<vmem>>)
      %dma_start3A_225 = arith.constant 0 : i32
      %dma_start3A_226 = tpu.memref_slice %arg15[%dma_start3A_225] : memref<102400xi32, #tpu.memory_space<vmem_shared>> -> memref<102400xi32, #tpu.memory_space<vmem_shared>>
      tpu.enqueue_indirect_dma source(%arg13 : memref<128xi32, #tpu.memory_space<vmem>>) target(%dma_start3A_226 : memref<102400xi32, #tpu.memory_space<vmem_shared>>) offsets(%arg12 : memref<128xi32, #tpu.memory_space<vmem>>) semaphore(%arg31 : memref<!tpu.dma_semaphore, #tpu.memory_space<semaphore_mem>>)
      %add3A_227 = arith.constant 8 : i32
      %add3A_228 = arith.addi %add3A_220, %add3A_227 : i32
      %lt3A_229 = arith.constant 200 : i32
      %lt3A_230 = arith.cmpi slt, %add3A_228, %lt3A_229 : i32
      %convert_element_type3A_231 = arith.extui %lt3A_230 : i1 to i32
      %cond3A_232 = arith.constant 0 : i32
      %cond3A_233 = arith.cmpi ne, %convert_element_type3A_231, %cond3A_232 : i32
      scf.if %cond3A_233 {
        %dma_wait3A_235 = arith.constant 0 : i32
        %dma_wait3A_236 = tpu.memref_slice %arg2[%dma_wait3A_235] : memref<819200xi32, #tpu.memory_space<hbm>> -> memref<128xi32, #tpu.memory_space<hbm>>
        %dma_wait3A_237 = arith.constant 0 : i32
        %dma_wait3A_238 = tpu.memref_slice %arg2[%dma_wait3A_237] : memref<819200xi32, #tpu.memory_space<hbm>> -> memref<128xi32, #tpu.memory_space<hbm>>
        tpu.wait_dma2 semaphore(%arg31 : memref<!tpu.dma_semaphore, #tpu.memory_space<semaphore_mem>>) src(%dma_wait3A_238 : memref<128xi32, #tpu.memory_space<hbm>>) dst(%arg12 : memref<128xi32, #tpu.memory_space<vmem>>)
        %add3A_239 = arith.constant 8 : i32
        %add3A_240 = arith.addi %add3A_220, %add3A_239 : i32
        %mul3A_241 = arith.constant 128 : i32
        %mul3A_242 = arith.muli %add3A_240, %mul3A_241 : i32
        %add3A_243 = arith.addi %mul3A_17, %mul3A_242 : i32
        %dma_start3A_244 = tpu.memref_slice %arg2[%add3A_243] : memref<819200xi32, #tpu.memory_space<hbm>> -> memref<128xi32, #tpu.memory_space<hbm>>
        %dma_start3A_245 = tpu.memref_slice %arg2[%add3A_243] : memref<819200xi32, #tpu.memory_space<hbm>> -> memref<128xi32, #tpu.memory_space<hbm>>
        tpu.enqueue_dma source(%dma_start3A_245 : memref<128xi32, #tpu.memory_space<hbm>>) target(%arg12 : memref<128xi32, #tpu.memory_space<vmem>>) target_semaphore(%arg23 : memref<!tpu.dma_semaphore, #tpu.memory_space<semaphore_mem>>)
      } else {
      }
      %scan3A_234 = arith.constant 0 : i32
      scf.yield %scan3A_234 : i32
    }
    %scan3A_55 = arith.constant 25 : i32
    %dma_wait3A = arith.constant 0 : i32
    %dma_wait3A_56 = tpu.memref_slice %arg2[%dma_wait3A] : memref<819200xi32, #tpu.memory_space<hbm>> -> memref<128xi32, #tpu.memory_space<hbm>>
    %dma_wait3A_57 = arith.constant 0 : i32
    %dma_wait3A_58 = tpu.memref_slice %arg2[%dma_wait3A_57] : memref<819200xi32, #tpu.memory_space<hbm>> -> memref<128xi32, #tpu.memory_space<hbm>>
    tpu.wait_dma2 semaphore(%arg24 : memref<!tpu.dma_semaphore, #tpu.memory_space<semaphore_mem>>) src(%dma_wait3A_58 : memref<128xi32, #tpu.memory_space<hbm>>) dst(%arg5 : memref<128xi32, #tpu.memory_space<vmem>>)
    %dma_wait3A_59 = arith.constant 0 : i32
    %dma_wait3A_60 = tpu.memref_slice %arg2[%dma_wait3A_59] : memref<819200xi32, #tpu.memory_space<hbm>> -> memref<128xi32, #tpu.memory_space<hbm>>
    %dma_wait3A_61 = arith.constant 0 : i32
    %dma_wait3A_62 = tpu.memref_slice %arg2[%dma_wait3A_61] : memref<819200xi32, #tpu.memory_space<hbm>> -> memref<128xi32, #tpu.memory_space<hbm>>
    tpu.wait_dma2 semaphore(%arg25 : memref<!tpu.dma_semaphore, #tpu.memory_space<semaphore_mem>>) src(%dma_wait3A_62 : memref<128xi32, #tpu.memory_space<hbm>>) dst(%arg6 : memref<128xi32, #tpu.memory_space<vmem>>)
    %dma_wait3A_63 = arith.constant 0 : i32
    %dma_wait3A_64 = tpu.memref_slice %arg2[%dma_wait3A_63] : memref<819200xi32, #tpu.memory_space<hbm>> -> memref<128xi32, #tpu.memory_space<hbm>>
    %dma_wait3A_65 = arith.constant 0 : i32
    %dma_wait3A_66 = tpu.memref_slice %arg2[%dma_wait3A_65] : memref<819200xi32, #tpu.memory_space<hbm>> -> memref<128xi32, #tpu.memory_space<hbm>>
    tpu.wait_dma2 semaphore(%arg26 : memref<!tpu.dma_semaphore, #tpu.memory_space<semaphore_mem>>) src(%dma_wait3A_66 : memref<128xi32, #tpu.memory_space<hbm>>) dst(%arg7 : memref<128xi32, #tpu.memory_space<vmem>>)
    %dma_wait3A_67 = arith.constant 0 : i32
    %dma_wait3A_68 = tpu.memref_slice %arg2[%dma_wait3A_67] : memref<819200xi32, #tpu.memory_space<hbm>> -> memref<128xi32, #tpu.memory_space<hbm>>
    %dma_wait3A_69 = arith.constant 0 : i32
    %dma_wait3A_70 = tpu.memref_slice %arg2[%dma_wait3A_69] : memref<819200xi32, #tpu.memory_space<hbm>> -> memref<128xi32, #tpu.memory_space<hbm>>
    tpu.wait_dma2 semaphore(%arg27 : memref<!tpu.dma_semaphore, #tpu.memory_space<semaphore_mem>>) src(%dma_wait3A_70 : memref<128xi32, #tpu.memory_space<hbm>>) dst(%arg8 : memref<128xi32, #tpu.memory_space<vmem>>)
    %dma_wait3A_71 = arith.constant 0 : i32
    %dma_wait3A_72 = tpu.memref_slice %arg2[%dma_wait3A_71] : memref<819200xi32, #tpu.memory_space<hbm>> -> memref<128xi32, #tpu.memory_space<hbm>>
    %dma_wait3A_73 = arith.constant 0 : i32
    %dma_wait3A_74 = tpu.memref_slice %arg2[%dma_wait3A_73] : memref<819200xi32, #tpu.memory_space<hbm>> -> memref<128xi32, #tpu.memory_space<hbm>>
    tpu.wait_dma2 semaphore(%arg28 : memref<!tpu.dma_semaphore, #tpu.memory_space<semaphore_mem>>) src(%dma_wait3A_74 : memref<128xi32, #tpu.memory_space<hbm>>) dst(%arg9 : memref<128xi32, #tpu.memory_space<vmem>>)
    %dma_wait3A_75 = arith.constant 0 : i32
    %dma_wait3A_76 = tpu.memref_slice %arg2[%dma_wait3A_75] : memref<819200xi32, #tpu.memory_space<hbm>> -> memref<128xi32, #tpu.memory_space<hbm>>
    %dma_wait3A_77 = arith.constant 0 : i32
    %dma_wait3A_78 = tpu.memref_slice %arg2[%dma_wait3A_77] : memref<819200xi32, #tpu.memory_space<hbm>> -> memref<128xi32, #tpu.memory_space<hbm>>
    tpu.wait_dma2 semaphore(%arg29 : memref<!tpu.dma_semaphore, #tpu.memory_space<semaphore_mem>>) src(%dma_wait3A_78 : memref<128xi32, #tpu.memory_space<hbm>>) dst(%arg10 : memref<128xi32, #tpu.memory_space<vmem>>)
    %dma_wait3A_79 = arith.constant 0 : i32
    %dma_wait3A_80 = tpu.memref_slice %arg2[%dma_wait3A_79] : memref<819200xi32, #tpu.memory_space<hbm>> -> memref<128xi32, #tpu.memory_space<hbm>>
    %dma_wait3A_81 = arith.constant 0 : i32
    %dma_wait3A_82 = tpu.memref_slice %arg2[%dma_wait3A_81] : memref<819200xi32, #tpu.memory_space<hbm>> -> memref<128xi32, #tpu.memory_space<hbm>>
    tpu.wait_dma2 semaphore(%arg30 : memref<!tpu.dma_semaphore, #tpu.memory_space<semaphore_mem>>) src(%dma_wait3A_82 : memref<128xi32, #tpu.memory_space<hbm>>) dst(%arg11 : memref<128xi32, #tpu.memory_space<vmem>>)
    %dma_wait3A_83 = arith.constant 0 : i32
    %dma_wait3A_84 = tpu.memref_slice %arg2[%dma_wait3A_83] : memref<819200xi32, #tpu.memory_space<hbm>> -> memref<128xi32, #tpu.memory_space<hbm>>
    %dma_wait3A_85 = arith.constant 0 : i32
    %dma_wait3A_86 = tpu.memref_slice %arg2[%dma_wait3A_85] : memref<819200xi32, #tpu.memory_space<hbm>> -> memref<128xi32, #tpu.memory_space<hbm>>
    tpu.wait_dma2 semaphore(%arg31 : memref<!tpu.dma_semaphore, #tpu.memory_space<semaphore_mem>>) src(%dma_wait3A_86 : memref<128xi32, #tpu.memory_space<hbm>>) dst(%arg12 : memref<128xi32, #tpu.memory_space<vmem>>)
    %barrier3A_87 = arith.constant 0 : index
    tpu.barrier barrier_id(%barrier3A_87)
    %mul3A_88 = arith.constant 6400 : i32
    %mul3A_89 = arith.muli %arg1, %mul3A_88 : i32
    %eq3A = arith.constant 0 : i32
    %eq3A_90 = arith.cmpi eq, %arg0, %eq3A : i32
    %convert_element_type3A = arith.extui %eq3A_90 : i1 to i32
    %cond3A = arith.constant 0 : i32
    %cond3A_91 = arith.cmpi ne, %convert_element_type3A, %cond3A : i32
    scf.if %cond3A_91 {
      "tpu.region"() ({
        %run_scoped3A = tpu.sem_alloc : memref<!tpu.dma_semaphore, #tpu.memory_space<semaphore_mem>>
        %dma_start3A_97 = tpu.memref_slice %arg3[%mul3A_89] : memref<102400xi32, #tpu.memory_space<hbm>> -> memref<6400xi32, #tpu.memory_space<hbm>>
        %dma_start3A_98 = tpu.memref_slice %arg15[%mul3A_89] : memref<102400xi32, #tpu.memory_space<vmem_shared>> -> memref<6400xi32, #tpu.memory_space<vmem_shared>>
        tpu.enqueue_dma source(%dma_start3A_98 : memref<6400xi32, #tpu.memory_space<vmem_shared>>) target(%dma_start3A_97 : memref<6400xi32, #tpu.memory_space<hbm>>) target_semaphore(%run_scoped3A : memref<!tpu.dma_semaphore, #tpu.memory_space<semaphore_mem>>)
        %dma_wait3A_99 = tpu.memref_slice %arg3[%mul3A_89] : memref<102400xi32, #tpu.memory_space<hbm>> -> memref<6400xi32, #tpu.memory_space<hbm>>
        %dma_wait3A_100 = tpu.memref_slice %arg15[%mul3A_89] : memref<102400xi32, #tpu.memory_space<vmem_shared>> -> memref<6400xi32, #tpu.memory_space<vmem_shared>>
        tpu.wait_dma2 semaphore(%run_scoped3A : memref<!tpu.dma_semaphore, #tpu.memory_space<semaphore_mem>>) src(%dma_wait3A_100 : memref<6400xi32, #tpu.memory_space<vmem_shared>>) dst(%dma_wait3A_99 : memref<6400xi32, #tpu.memory_space<hbm>>)
        tpu.yield
      }) : () -> ()
    } else {
    }
    %eq3A_92 = arith.constant 1 : i32
    %eq3A_93 = arith.cmpi eq, %arg0, %eq3A_92 : i32
    %convert_element_type3A_94 = arith.extui %eq3A_93 : i1 to i32
    %cond3A_95 = arith.constant 0 : i32
    %cond3A_96 = arith.cmpi ne, %convert_element_type3A_94, %cond3A_95 : i32
    scf.if %cond3A_96 {
      "tpu.region"() ({
        %run_scoped3A = tpu.sem_alloc : memref<!tpu.dma_semaphore, #tpu.memory_space<semaphore_mem>>
        %dma_start3A_97 = tpu.memref_slice %arg4[%mul3A_89] : memref<102400xi32, #tpu.memory_space<hbm>> -> memref<6400xi32, #tpu.memory_space<hbm>>
        %dma_start3A_98 = tpu.memref_slice %arg15[%mul3A_89] : memref<102400xi32, #tpu.memory_space<vmem_shared>> -> memref<6400xi32, #tpu.memory_space<vmem_shared>>
        tpu.enqueue_dma source(%dma_start3A_98 : memref<6400xi32, #tpu.memory_space<vmem_shared>>) target(%dma_start3A_97 : memref<6400xi32, #tpu.memory_space<hbm>>) target_semaphore(%run_scoped3A : memref<!tpu.dma_semaphore, #tpu.memory_space<semaphore_mem>>)
        %dma_wait3A_99 = tpu.memref_slice %arg4[%mul3A_89] : memref<102400xi32, #tpu.memory_space<hbm>> -> memref<6400xi32, #tpu.memory_space<hbm>>
        %dma_wait3A_100 = tpu.memref_slice %arg15[%mul3A_89] : memref<102400xi32, #tpu.memory_space<vmem_shared>> -> memref<6400xi32, #tpu.memory_space<vmem_shared>>
        tpu.wait_dma2 semaphore(%run_scoped3A : memref<!tpu.dma_semaphore, #tpu.memory_space<semaphore_mem>>) src(%dma_wait3A_100 : memref<6400xi32, #tpu.memory_space<vmem_shared>>) dst(%dma_wait3A_99 : memref<6400xi32, #tpu.memory_space<hbm>>)
        tpu.yield
      }) : () -> ()
    } else {
    }
    return
  }
}

#map = affine_map<(d0, d1) -> (0, 0)>
#map1 = affine_map<(d0, d1) -> (0)>
module attributes {stable_mosaic.version = 14 : i64} {
  func.func @_k3_body(%arg0: i32, %arg1: i32, %arg2: memref<100000x256xf32, #tpu.memory_space<hbm>>, %arg3: memref<102400xi32, #tpu.memory_space<hbm>>, %arg4: memref<102400xi32, #tpu.memory_space<hbm>>, %arg5: memref<32x16xi32, #tpu.memory_space<hbm>>, %arg6: memref<100000x256xf32, #tpu.memory_space<hbm>>, %arg7: memref<16xi32, #tpu.memory_space<hbm>>, %arg8: memref<128x256xf32, #tpu.memory_space<vmem>>, %arg9: memref<128x256xf32, #tpu.memory_space<vmem>>, %arg10: memref<128x256xf32, #tpu.memory_space<vmem>>, %arg11: memref<128xi32, #tpu.memory_space<vmem>>, %arg12: memref<128xi32, #tpu.memory_space<vmem>>, %arg13: memref<128xi32, #tpu.memory_space<vmem>>, %arg14: memref<3200xi32, #tpu.memory_space<vmem>>, %arg15: memref<3200xi32, #tpu.memory_space<vmem>>, %arg16: memref<32x16xi32, #tpu.memory_space<vmem>>, %arg17: memref<16xi32, #tpu.memory_space<vmem>>, %arg18: memref<!tpu.dma_semaphore, #tpu.memory_space<semaphore_mem>>, %arg19: memref<!tpu.dma_semaphore, #tpu.memory_space<semaphore_mem>>, %arg20: memref<!tpu.dma_semaphore, #tpu.memory_space<semaphore_mem>>, %arg21: memref<!tpu.dma_semaphore, #tpu.memory_space<semaphore_mem>>, %arg22: memref<!tpu.dma_semaphore, #tpu.memory_space<semaphore_mem>>, %arg23: memref<!tpu.dma_semaphore, #tpu.memory_space<semaphore_mem>>) attributes {dimension_semantics = [#tpu.dimension_semantics<core_parallel>, #tpu.dimension_semantics<subcore_parallel>], iteration_bounds = array<i64: 2, 16>, scalar_prefetch = 0 : i64, scratch_operands = 16 : i64, tpu.core_type = #tpu.core_type<sc_vector_subcore>, window_params = [{transform_indices = #map}, {transform_indices = #map1}, {transform_indices = #map1}, {transform_indices = #map}, {transform_indices = #map}, {transform_indices = #map1}]} {
    %mul3A = arith.constant 16 : i32
    %mul3A_0 = arith.muli %arg0, %mul3A : i32
    %add3A = arith.addi %mul3A_0, %arg1 : i32
    %mul3A_1 = arith.constant 3125 : i32
    %mul3A_2 = arith.muli %mul3A_1, %add3A : i32
    %div3A = arith.constant 8 : i32
    %div3A_3 = arith.divsi %mul3A_2, %div3A : i32
    %mul3A_4 = arith.constant 8 : i32
    %mul3A_5 = arith.muli %div3A_3, %mul3A_4 : i32
    %ge3A = arith.constant 32 : i32
    %ge3A_6 = arith.cmpi sge, %add3A, %ge3A : i32
    %min3A = arith.constant 96800 : i32
    %min3A_7 = arith.minsi %mul3A_5, %min3A : i32
    %jit3A = arith.constant 100000 : i32
    %select_n3A = arith.select %ge3A_6, %jit3A, %min3A_7 : i32
    %multiple_of3A = tpu.assume_multiple %select_n3A, 8 : i32
    "tpu.region"() ({
      %run_scoped3A = tpu.sem_alloc : memref<!tpu.dma_semaphore, #tpu.memory_space<semaphore_mem>>
      tpu.enqueue_dma source(%arg5 : memref<32x16xi32, #tpu.memory_space<hbm>>) target(%arg16 : memref<32x16xi32, #tpu.memory_space<vmem>>) target_semaphore(%run_scoped3A : memref<!tpu.dma_semaphore, #tpu.memory_space<semaphore_mem>>)
      tpu.wait_dma2 semaphore(%run_scoped3A : memref<!tpu.dma_semaphore, #tpu.memory_space<semaphore_mem>>) src(%arg5 : memref<32x16xi32, #tpu.memory_space<hbm>>) dst(%arg16 : memref<32x16xi32, #tpu.memory_space<vmem>>)
      tpu.yield
    }) : () -> ()
    %scan3A = arith.constant 0 : i32
    %scan3A_8 = arith.constant 0 : i32
    %scan3A_9 = arith.constant 0 : i32
    %scan3A_10 = arith.constant 32 : i32
    %scan3A_11 = arith.addi %scan3A_9, %scan3A_10 : i32
    %scan3A_12 = arith.constant 1 : i32
    %scan3A_13:2 = scf.for %scan3A_314 = %scan3A_9 to %scan3A_11 step %scan3A_12 iter_args(%scan3A_315 = %scan3A, %scan3A_316 = %scan3A_8) -> (i32, i32)  : i32 {
      %get3A_317 = arith.index_cast %scan3A_314 : i32 to index
      %get3A_318 = arith.constant 0 : index
      %get3A_319 = tpu.vector_load %arg16[%get3A_317, %get3A_318] {strides = array<i32>} : memref<32x16xi32, #tpu.memory_space<vmem>>, vector<16xi32>,
      %reduce_max3A = arith.constant true
      %reduce_max3A_320 = vector.broadcast %reduce_max3A : i1 to vector<16xi1>
      %reduce_max3A_321 = arith.constant -2147483648 : i32
      %reduce_max3A_322 = vector.broadcast %reduce_max3A_321 : i32 to vector<16xi32>
      %reduce_max3A_323 = arith.xori %get3A_319, %reduce_max3A_322 : vector<16xi32>
      %reduce_max3A_324 = tpu.scan <max>, %reduce_max3A_323 masked %reduce_max3A_320 : vector<16xi32>, vector<16xi1> -> vector<16xi32>
      %reduce_max3A_325 = arith.xori %reduce_max3A_324, %reduce_max3A_322 : vector<16xi32>
      %reduce_max3A_326 = vector.extract %reduce_max3A_325[15] : i32 from vector<16xi32>
      %add3A_327 = arith.addi %scan3A_315, %reduce_max3A_326 : i32
      %lt3A = arith.cmpi slt, %scan3A_314, %add3A : i32
      %jit3A_328 = arith.constant 0 : i32
      %select_n3A_329 = arith.select %lt3A, %reduce_max3A_326, %jit3A_328 : i32
      %add3A_330 = arith.addi %scan3A_316, %select_n3A_329 : i32
      scf.yield %add3A_327, %add3A_330 : i32, i32
    }
    %scan3A_14 = arith.constant 32 : i32
    %sub3A = arith.constant 100000 : i32
    %sub3A_15 = arith.subi %sub3A, %scan3A_13#0 : i32
    %eq3A = arith.constant 0 : i32
    %eq3A_16 = arith.cmpi eq, %add3A, %eq3A : i32
    %convert_element_type3A = arith.extui %eq3A_16 : i1 to i32
    %cond3A = arith.constant 0 : i32
    %cond3A_17 = arith.cmpi ne, %convert_element_type3A, %cond3A : i32
    scf.if %cond3A_17 {
      %broadcast_in_dim3A_314 = vector.broadcast %sub3A_15 : i32 to vector<16xi32>
      %swap3A_315 = arith.constant 0 : index
      %swap3A_316 = tpu.vector_load %arg17[%swap3A_315] {strides = array<i32>} : memref<16xi32, #tpu.memory_space<vmem>>, vector<16xi32>,
      tpu.vector_store %arg17[%swap3A_315], %broadcast_in_dim3A_314 {strides = array<i32>} : memref<16xi32, #tpu.memory_space<vmem>>, vector<16xi32>,
      "tpu.region"() ({
        %run_scoped3A = tpu.sem_alloc : memref<!tpu.dma_semaphore, #tpu.memory_space<semaphore_mem>>
        tpu.enqueue_dma source(%arg17 : memref<16xi32, #tpu.memory_space<vmem>>) target(%arg7 : memref<16xi32, #tpu.memory_space<hbm>>) target_semaphore(%run_scoped3A : memref<!tpu.dma_semaphore, #tpu.memory_space<semaphore_mem>>)
        tpu.wait_dma2 semaphore(%run_scoped3A : memref<!tpu.dma_semaphore, #tpu.memory_space<semaphore_mem>>) src(%arg17 : memref<16xi32, #tpu.memory_space<vmem>>) dst(%arg7 : memref<16xi32, #tpu.memory_space<hbm>>)
        tpu.yield
      }) : () -> ()
    } else {
    }
    "tpu.region"() ({
      %run_scoped3A = tpu.sem_alloc : memref<!tpu.dma_semaphore, #tpu.memory_space<semaphore_mem>>
      %dma_start3A_314 = tpu.memref_slice %arg3[%multiple_of3A] : memref<102400xi32, #tpu.memory_space<hbm>> -> memref<3200xi32, #tpu.memory_space<hbm>>
      %dma_start3A_315 = tpu.memref_slice %arg3[%multiple_of3A] : memref<102400xi32, #tpu.memory_space<hbm>> -> memref<3200xi32, #tpu.memory_space<hbm>>
      tpu.enqueue_dma source(%dma_start3A_315 : memref<3200xi32, #tpu.memory_space<hbm>>) target(%arg14 : memref<3200xi32, #tpu.memory_space<vmem>>) target_semaphore(%run_scoped3A : memref<!tpu.dma_semaphore, #tpu.memory_space<semaphore_mem>>)
      %dma_wait3A_316 = tpu.memref_slice %arg3[%multiple_of3A] : memref<102400xi32, #tpu.memory_space<hbm>> -> memref<3200xi32, #tpu.memory_space<hbm>>
      %dma_wait3A_317 = tpu.memref_slice %arg3[%multiple_of3A] : memref<102400xi32, #tpu.memory_space<hbm>> -> memref<3200xi32, #tpu.memory_space<hbm>>
      tpu.wait_dma2 semaphore(%run_scoped3A : memref<!tpu.dma_semaphore, #tpu.memory_space<semaphore_mem>>) src(%dma_wait3A_317 : memref<3200xi32, #tpu.memory_space<hbm>>) dst(%arg14 : memref<3200xi32, #tpu.memory_space<vmem>>)
      tpu.yield
    }) : () -> ()
    "tpu.region"() ({
      %run_scoped3A = tpu.sem_alloc : memref<!tpu.dma_semaphore, #tpu.memory_space<semaphore_mem>>
      %dma_start3A_314 = tpu.memref_slice %arg4[%multiple_of3A] : memref<102400xi32, #tpu.memory_space<hbm>> -> memref<3200xi32, #tpu.memory_space<hbm>>
      %dma_start3A_315 = tpu.memref_slice %arg4[%multiple_of3A] : memref<102400xi32, #tpu.memory_space<hbm>> -> memref<3200xi32, #tpu.memory_space<hbm>>
      tpu.enqueue_dma source(%dma_start3A_315 : memref<3200xi32, #tpu.memory_space<hbm>>) target(%arg15 : memref<3200xi32, #tpu.memory_space<vmem>>) target_semaphore(%run_scoped3A : memref<!tpu.dma_semaphore, #tpu.memory_space<semaphore_mem>>)
      %dma_wait3A_316 = tpu.memref_slice %arg4[%multiple_of3A] : memref<102400xi32, #tpu.memory_space<hbm>> -> memref<3200xi32, #tpu.memory_space<hbm>>
      %dma_wait3A_317 = tpu.memref_slice %arg4[%multiple_of3A] : memref<102400xi32, #tpu.memory_space<hbm>> -> memref<3200xi32, #tpu.memory_space<hbm>>
      tpu.wait_dma2 semaphore(%run_scoped3A : memref<!tpu.dma_semaphore, #tpu.memory_space<semaphore_mem>>) src(%dma_wait3A_317 : memref<3200xi32, #tpu.memory_space<hbm>>) dst(%arg15 : memref<3200xi32, #tpu.memory_space<vmem>>)
      tpu.yield
    }) : () -> ()
    %get3A = arith.constant 0 : index
    %get3A_18 = tpu.vector_load %arg14[%get3A] {strides = array<i32>} : memref<3200xi32, #tpu.memory_space<vmem>>, vector<16xi32>,
    %get3A_19 = arith.constant 0 : index
    %get3A_20 = tpu.vector_load %arg15[%get3A_19] {strides = array<i32>} : memref<3200xi32, #tpu.memory_space<vmem>>, vector<16xi32>,
    %add3A_21 = arith.addi %get3A_18, %get3A_20 : vector<16xi32>
    %gt3A = arith.constant 0 : i32
    %gt3A_22 = vector.broadcast %gt3A : i32 to vector<16xi32>
    %gt3A_23 = arith.cmpi sgt, %add3A_21, %gt3A_22 : vector<16xi32>
    %jit3A_24 = arith.constant 1 : i32
    %jit3A_25 = arith.constant 0 : i32
    %broadcast_in_dim3A = vector.broadcast %jit3A_24 : i32 to vector<16xi32>
    %broadcast_in_dim3A_26 = vector.broadcast %jit3A_25 : i32 to vector<16xi32>
    %select_n3A_27 = arith.select %gt3A_23, %broadcast_in_dim3A, %broadcast_in_dim3A_26 : vector<16xi1>, vector<16xi32>
    %broadcast_in_dim3A_28 = arith.constant true
    %broadcast_in_dim3A_29 = vector.broadcast %broadcast_in_dim3A_28 : i1 to vector<16xi1>
    %masked_cumsum3A = tpu.scan <sum>, %select_n3A_27 masked %broadcast_in_dim3A_29 : vector<16xi32>, vector<16xi1> -> vector<16xi32>
    %gt3A_30 = arith.constant 0 : i32
    %gt3A_31 = vector.broadcast %gt3A_30 : i32 to vector<16xi32>
    %gt3A_32 = arith.cmpi sgt, %select_n3A_27, %gt3A_31 : vector<16xi32>
    %add3A_33 = arith.addi %sub3A_15, %scan3A_13#1 : i32
    %sub3A_34 = arith.subi %masked_cumsum3A, %select_n3A_27 : vector<16xi32>
    %add3A_35 = vector.broadcast %add3A_33 : i32 to vector<16xi32>
    %add3A_36 = arith.addi %add3A_35, %sub3A_34 : vector<16xi32>
    %jit3A_37 = arith.constant 0 : i32
    %broadcast_in_dim3A_38 = vector.broadcast %jit3A_37 : i32 to vector<16xi32>
    %select_n3A_39 = arith.select %gt3A_32, %add3A_36, %broadcast_in_dim3A_38 : vector<16xi1>, vector<16xi32>
    %swap3A = arith.constant 0 : index
    %swap3A_40 = tpu.vector_load %arg11[%swap3A] {strides = array<i32>} : memref<128xi32, #tpu.memory_space<vmem>>, vector<16xi32>,
    tpu.vector_store %arg11[%swap3A], %select_n3A_39 {strides = array<i32>} : memref<128xi32, #tpu.memory_space<vmem>>, vector<16xi32>,
    %reduce_sum3A = arith.constant true
    %reduce_sum3A_41 = vector.broadcast %reduce_sum3A : i1 to vector<16xi1>
    %reduce_sum3A_42 = tpu.scan <sum>, %select_n3A_27 masked %reduce_sum3A_41 : vector<16xi32>, vector<16xi1> -> vector<16xi32>
    %reduce_sum3A_43 = vector.extract %reduce_sum3A_42[15] : i32 from vector<16xi32>
    %add3A_44 = arith.addi %scan3A_13#1, %reduce_sum3A_43 : i32
    %get3A_45 = arith.constant 16 : index
    %get3A_46 = tpu.vector_load %arg14[%get3A_45] {strides = array<i32>} : memref<3200xi32, #tpu.memory_space<vmem>>, vector<16xi32>,
    %get3A_47 = arith.constant 16 : index
    %get3A_48 = tpu.vector_load %arg15[%get3A_47] {strides = array<i32>} : memref<3200xi32, #tpu.memory_space<vmem>>, vector<16xi32>,
    %add3A_49 = arith.addi %get3A_46, %get3A_48 : vector<16xi32>
    %gt3A_50 = arith.constant 0 : i32
    %gt3A_51 = vector.broadcast %gt3A_50 : i32 to vector<16xi32>
    %gt3A_52 = arith.cmpi sgt, %add3A_49, %gt3A_51 : vector<16xi32>
    %jit3A_53 = arith.constant 1 : i32
    %jit3A_54 = arith.constant 0 : i32
    %broadcast_in_dim3A_55 = vector.broadcast %jit3A_53 : i32 to vector<16xi32>
    %broadcast_in_dim3A_56 = vector.broadcast %jit3A_54 : i32 to vector<16xi32>
    %select_n3A_57 = arith.select %gt3A_52, %broadcast_in_dim3A_55, %broadcast_in_dim3A_56 : vector<16xi1>, vector<16xi32>
    %broadcast_in_dim3A_58 = arith.constant true
    %broadcast_in_dim3A_59 = vector.broadcast %broadcast_in_dim3A_58 : i1 to vector<16xi1>
    %masked_cumsum3A_60 = tpu.scan <sum>, %select_n3A_57 masked %broadcast_in_dim3A_59 : vector<16xi32>, vector<16xi1> -> vector<16xi32>
    %gt3A_61 = arith.constant 0 : i32
    %gt3A_62 = vector.broadcast %gt3A_61 : i32 to vector<16xi32>
    %gt3A_63 = arith.cmpi sgt, %select_n3A_57, %gt3A_62 : vector<16xi32>
    %add3A_64 = arith.addi %sub3A_15, %add3A_44 : i32
    %sub3A_65 = arith.subi %masked_cumsum3A_60, %select_n3A_57 : vector<16xi32>
    %add3A_66 = vector.broadcast %add3A_64 : i32 to vector<16xi32>
    %add3A_67 = arith.addi %add3A_66, %sub3A_65 : vector<16xi32>
    %jit3A_68 = arith.constant 0 : i32
    %broadcast_in_dim3A_69 = vector.broadcast %jit3A_68 : i32 to vector<16xi32>
    %select_n3A_70 = arith.select %gt3A_63, %add3A_67, %broadcast_in_dim3A_69 : vector<16xi1>, vector<16xi32>
    %swap3A_71 = arith.constant 16 : index
    %swap3A_72 = tpu.vector_load %arg11[%swap3A_71] {strides = array<i32>} : memref<128xi32, #tpu.memory_space<vmem>>, vector<16xi32>,
    tpu.vector_store %arg11[%swap3A_71], %select_n3A_70 {strides = array<i32>} : memref<128xi32, #tpu.memory_space<vmem>>, vector<16xi32>,
    %reduce_sum3A_73 = arith.constant true
    %reduce_sum3A_74 = vector.broadcast %reduce_sum3A_73 : i1 to vector<16xi1>
    %reduce_sum3A_75 = tpu.scan <sum>, %select_n3A_57 masked %reduce_sum3A_74 : vector<16xi32>, vector<16xi1> -> vector<16xi32>
    %reduce_sum3A_76 = vector.extract %reduce_sum3A_75[15] : i32 from vector<16xi32>
    %add3A_77 = arith.addi %add3A_44, %reduce_sum3A_76 : i32
    %get3A_78 = arith.constant 32 : index
    %get3A_79 = tpu.vector_load %arg14[%get3A_78] {strides = array<i32>} : memref<3200xi32, #tpu.memory_space<vmem>>, vector<16xi32>,
    %get3A_80 = arith.constant 32 : index
    %get3A_81 = tpu.vector_load %arg15[%get3A_80] {strides = array<i32>} : memref<3200xi32, #tpu.memory_space<vmem>>, vector<16xi32>,
    %add3A_82 = arith.addi %get3A_79, %get3A_81 : vector<16xi32>
    %gt3A_83 = arith.constant 0 : i32
    %gt3A_84 = vector.broadcast %gt3A_83 : i32 to vector<16xi32>
    %gt3A_85 = arith.cmpi sgt, %add3A_82, %gt3A_84 : vector<16xi32>
    %jit3A_86 = arith.constant 1 : i32
    %jit3A_87 = arith.constant 0 : i32
    %broadcast_in_dim3A_88 = vector.broadcast %jit3A_86 : i32 to vector<16xi32>
    %broadcast_in_dim3A_89 = vector.broadcast %jit3A_87 : i32 to vector<16xi32>
    %select_n3A_90 = arith.select %gt3A_85, %broadcast_in_dim3A_88, %broadcast_in_dim3A_89 : vector<16xi1>, vector<16xi32>
    %broadcast_in_dim3A_91 = arith.constant true
    %broadcast_in_dim3A_92 = vector.broadcast %broadcast_in_dim3A_91 : i1 to vector<16xi1>
    %masked_cumsum3A_93 = tpu.scan <sum>, %select_n3A_90 masked %broadcast_in_dim3A_92 : vector<16xi32>, vector<16xi1> -> vector<16xi32>
    %gt3A_94 = arith.constant 0 : i32
    %gt3A_95 = vector.broadcast %gt3A_94 : i32 to vector<16xi32>
    %gt3A_96 = arith.cmpi sgt, %select_n3A_90, %gt3A_95 : vector<16xi32>
    %add3A_97 = arith.addi %sub3A_15, %add3A_77 : i32
    %sub3A_98 = arith.subi %masked_cumsum3A_93, %select_n3A_90 : vector<16xi32>
    %add3A_99 = vector.broadcast %add3A_97 : i32 to vector<16xi32>
    %add3A_100 = arith.addi %add3A_99, %sub3A_98 : vector<16xi32>
    %jit3A_101 = arith.constant 0 : i32
    %broadcast_in_dim3A_102 = vector.broadcast %jit3A_101 : i32 to vector<16xi32>
    %select_n3A_103 = arith.select %gt3A_96, %add3A_100, %broadcast_in_dim3A_102 : vector<16xi1>, vector<16xi32>
    %swap3A_104 = arith.constant 32 : index
    %swap3A_105 = tpu.vector_load %arg11[%swap3A_104] {strides = array<i32>} : memref<128xi32, #tpu.memory_space<vmem>>, vector<16xi32>,
    tpu.vector_store %arg11[%swap3A_104], %select_n3A_103 {strides = array<i32>} : memref<128xi32, #tpu.memory_space<vmem>>, vector<16xi32>,
    %reduce_sum3A_106 = arith.constant true
    %reduce_sum3A_107 = vector.broadcast %reduce_sum3A_106 : i1 to vector<16xi1>
    %reduce_sum3A_108 = tpu.scan <sum>, %select_n3A_90 masked %reduce_sum3A_107 : vector<16xi32>, vector<16xi1> -> vector<16xi32>
    %reduce_sum3A_109 = vector.extract %reduce_sum3A_108[15] : i32 from vector<16xi32>
    %add3A_110 = arith.addi %add3A_77, %reduce_sum3A_109 : i32
    %get3A_111 = arith.constant 48 : index
    %get3A_112 = tpu.vector_load %arg14[%get3A_111] {strides = array<i32>} : memref<3200xi32, #tpu.memory_space<vmem>>, vector<16xi32>,
    %get3A_113 = arith.constant 48 : index
    %get3A_114 = tpu.vector_load %arg15[%get3A_113] {strides = array<i32>} : memref<3200xi32, #tpu.memory_space<vmem>>, vector<16xi32>,
    %add3A_115 = arith.addi %get3A_112, %get3A_114 : vector<16xi32>
    %gt3A_116 = arith.constant 0 : i32
    %gt3A_117 = vector.broadcast %gt3A_116 : i32 to vector<16xi32>
    %gt3A_118 = arith.cmpi sgt, %add3A_115, %gt3A_117 : vector<16xi32>
    %jit3A_119 = arith.constant 1 : i32
    %jit3A_120 = arith.constant 0 : i32
    %broadcast_in_dim3A_121 = vector.broadcast %jit3A_119 : i32 to vector<16xi32>
    %broadcast_in_dim3A_122 = vector.broadcast %jit3A_120 : i32 to vector<16xi32>
    %select_n3A_123 = arith.select %gt3A_118, %broadcast_in_dim3A_121, %broadcast_in_dim3A_122 : vector<16xi1>, vector<16xi32>
    %broadcast_in_dim3A_124 = arith.constant true
    %broadcast_in_dim3A_125 = vector.broadcast %broadcast_in_dim3A_124 : i1 to vector<16xi1>
    %masked_cumsum3A_126 = tpu.scan <sum>, %select_n3A_123 masked %broadcast_in_dim3A_125 : vector<16xi32>, vector<16xi1> -> vector<16xi32>
    %gt3A_127 = arith.constant 0 : i32
    %gt3A_128 = vector.broadcast %gt3A_127 : i32 to vector<16xi32>
    %gt3A_129 = arith.cmpi sgt, %select_n3A_123, %gt3A_128 : vector<16xi32>
    %add3A_130 = arith.addi %sub3A_15, %add3A_110 : i32
    %sub3A_131 = arith.subi %masked_cumsum3A_126, %select_n3A_123 : vector<16xi32>
    %add3A_132 = vector.broadcast %add3A_130 : i32 to vector<16xi32>
    %add3A_133 = arith.addi %add3A_132, %sub3A_131 : vector<16xi32>
    %jit3A_134 = arith.constant 0 : i32
    %broadcast_in_dim3A_135 = vector.broadcast %jit3A_134 : i32 to vector<16xi32>
    %select_n3A_136 = arith.select %gt3A_129, %add3A_133, %broadcast_in_dim3A_135 : vector<16xi1>, vector<16xi32>
    %swap3A_137 = arith.constant 48 : index
    %swap3A_138 = tpu.vector_load %arg11[%swap3A_137] {strides = array<i32>} : memref<128xi32, #tpu.memory_space<vmem>>, vector<16xi32>,
    tpu.vector_store %arg11[%swap3A_137], %select_n3A_136 {strides = array<i32>} : memref<128xi32, #tpu.memory_space<vmem>>, vector<16xi32>,
    %reduce_sum3A_139 = arith.constant true
    %reduce_sum3A_140 = vector.broadcast %reduce_sum3A_139 : i1 to vector<16xi1>
    %reduce_sum3A_141 = tpu.scan <sum>, %select_n3A_123 masked %reduce_sum3A_140 : vector<16xi32>, vector<16xi1> -> vector<16xi32>
    %reduce_sum3A_142 = vector.extract %reduce_sum3A_141[15] : i32 from vector<16xi32>
    %add3A_143 = arith.addi %add3A_110, %reduce_sum3A_142 : i32
    %get3A_144 = arith.constant 64 : index
    %get3A_145 = tpu.vector_load %arg14[%get3A_144] {strides = array<i32>} : memref<3200xi32, #tpu.memory_space<vmem>>, vector<16xi32>,
    %get3A_146 = arith.constant 64 : index
    %get3A_147 = tpu.vector_load %arg15[%get3A_146] {strides = array<i32>} : memref<3200xi32, #tpu.memory_space<vmem>>, vector<16xi32>,
    %add3A_148 = arith.addi %get3A_145, %get3A_147 : vector<16xi32>
    %gt3A_149 = arith.constant 0 : i32
    %gt3A_150 = vector.broadcast %gt3A_149 : i32 to vector<16xi32>
    %gt3A_151 = arith.cmpi sgt, %add3A_148, %gt3A_150 : vector<16xi32>
    %jit3A_152 = arith.constant 1 : i32
    %jit3A_153 = arith.constant 0 : i32
    %broadcast_in_dim3A_154 = vector.broadcast %jit3A_152 : i32 to vector<16xi32>
    %broadcast_in_dim3A_155 = vector.broadcast %jit3A_153 : i32 to vector<16xi32>
    %select_n3A_156 = arith.select %gt3A_151, %broadcast_in_dim3A_154, %broadcast_in_dim3A_155 : vector<16xi1>, vector<16xi32>
    %broadcast_in_dim3A_157 = arith.constant true
    %broadcast_in_dim3A_158 = vector.broadcast %broadcast_in_dim3A_157 : i1 to vector<16xi1>
    %masked_cumsum3A_159 = tpu.scan <sum>, %select_n3A_156 masked %broadcast_in_dim3A_158 : vector<16xi32>, vector<16xi1> -> vector<16xi32>
    %gt3A_160 = arith.constant 0 : i32
    %gt3A_161 = vector.broadcast %gt3A_160 : i32 to vector<16xi32>
    %gt3A_162 = arith.cmpi sgt, %select_n3A_156, %gt3A_161 : vector<16xi32>
    %add3A_163 = arith.addi %sub3A_15, %add3A_143 : i32
    %sub3A_164 = arith.subi %masked_cumsum3A_159, %select_n3A_156 : vector<16xi32>
    %add3A_165 = vector.broadcast %add3A_163 : i32 to vector<16xi32>
    %add3A_166 = arith.addi %add3A_165, %sub3A_164 : vector<16xi32>
    %jit3A_167 = arith.constant 0 : i32
    %broadcast_in_dim3A_168 = vector.broadcast %jit3A_167 : i32 to vector<16xi32>
    %select_n3A_169 = arith.select %gt3A_162, %add3A_166, %broadcast_in_dim3A_168 : vector<16xi1>, vector<16xi32>
    %swap3A_170 = arith.constant 64 : index
    %swap3A_171 = tpu.vector_load %arg11[%swap3A_170] {strides = array<i32>} : memref<128xi32, #tpu.memory_space<vmem>>, vector<16xi32>,
    tpu.vector_store %arg11[%swap3A_170], %select_n3A_169 {strides = array<i32>} : memref<128xi32, #tpu.memory_space<vmem>>, vector<16xi32>,
    %reduce_sum3A_172 = arith.constant true
    %reduce_sum3A_173 = vector.broadcast %reduce_sum3A_172 : i1 to vector<16xi1>
    %reduce_sum3A_174 = tpu.scan <sum>, %select_n3A_156 masked %reduce_sum3A_173 : vector<16xi32>, vector<16xi1> -> vector<16xi32>
    %reduce_sum3A_175 = vector.extract %reduce_sum3A_174[15] : i32 from vector<16xi32>
    %add3A_176 = arith.addi %add3A_143, %reduce_sum3A_175 : i32
    %get3A_177 = arith.constant 80 : index
    %get3A_178 = tpu.vector_load %arg14[%get3A_177] {strides = array<i32>} : memref<3200xi32, #tpu.memory_space<vmem>>, vector<16xi32>,
    %get3A_179 = arith.constant 80 : index
    %get3A_180 = tpu.vector_load %arg15[%get3A_179] {strides = array<i32>} : memref<3200xi32, #tpu.memory_space<vmem>>, vector<16xi32>,
    %add3A_181 = arith.addi %get3A_178, %get3A_180 : vector<16xi32>
    %gt3A_182 = arith.constant 0 : i32
    %gt3A_183 = vector.broadcast %gt3A_182 : i32 to vector<16xi32>
    %gt3A_184 = arith.cmpi sgt, %add3A_181, %gt3A_183 : vector<16xi32>
    %jit3A_185 = arith.constant 1 : i32
    %jit3A_186 = arith.constant 0 : i32
    %broadcast_in_dim3A_187 = vector.broadcast %jit3A_185 : i32 to vector<16xi32>
    %broadcast_in_dim3A_188 = vector.broadcast %jit3A_186 : i32 to vector<16xi32>
    %select_n3A_189 = arith.select %gt3A_184, %broadcast_in_dim3A_187, %broadcast_in_dim3A_188 : vector<16xi1>, vector<16xi32>
    %broadcast_in_dim3A_190 = arith.constant true
    %broadcast_in_dim3A_191 = vector.broadcast %broadcast_in_dim3A_190 : i1 to vector<16xi1>
    %masked_cumsum3A_192 = tpu.scan <sum>, %select_n3A_189 masked %broadcast_in_dim3A_191 : vector<16xi32>, vector<16xi1> -> vector<16xi32>
    %gt3A_193 = arith.constant 0 : i32
    %gt3A_194 = vector.broadcast %gt3A_193 : i32 to vector<16xi32>
    %gt3A_195 = arith.cmpi sgt, %select_n3A_189, %gt3A_194 : vector<16xi32>
    %add3A_196 = arith.addi %sub3A_15, %add3A_176 : i32
    %sub3A_197 = arith.subi %masked_cumsum3A_192, %select_n3A_189 : vector<16xi32>
    %add3A_198 = vector.broadcast %add3A_196 : i32 to vector<16xi32>
    %add3A_199 = arith.addi %add3A_198, %sub3A_197 : vector<16xi32>
    %jit3A_200 = arith.constant 0 : i32
    %broadcast_in_dim3A_201 = vector.broadcast %jit3A_200 : i32 to vector<16xi32>
    %select_n3A_202 = arith.select %gt3A_195, %add3A_199, %broadcast_in_dim3A_201 : vector<16xi1>, vector<16xi32>
    %swap3A_203 = arith.constant 80 : index
    %swap3A_204 = tpu.vector_load %arg11[%swap3A_203] {strides = array<i32>} : memref<128xi32, #tpu.memory_space<vmem>>, vector<16xi32>,
    tpu.vector_store %arg11[%swap3A_203], %select_n3A_202 {strides = array<i32>} : memref<128xi32, #tpu.memory_space<vmem>>, vector<16xi32>,
    %reduce_sum3A_205 = arith.constant true
    %reduce_sum3A_206 = vector.broadcast %reduce_sum3A_205 : i1 to vector<16xi1>
    %reduce_sum3A_207 = tpu.scan <sum>, %select_n3A_189 masked %reduce_sum3A_206 : vector<16xi32>, vector<16xi1> -> vector<16xi32>
    %reduce_sum3A_208 = vector.extract %reduce_sum3A_207[15] : i32 from vector<16xi32>
    %add3A_209 = arith.addi %add3A_176, %reduce_sum3A_208 : i32
    %get3A_210 = arith.constant 96 : index
    %get3A_211 = tpu.vector_load %arg14[%get3A_210] {strides = array<i32>} : memref<3200xi32, #tpu.memory_space<vmem>>, vector<16xi32>,
    %get3A_212 = arith.constant 96 : index
    %get3A_213 = tpu.vector_load %arg15[%get3A_212] {strides = array<i32>} : memref<3200xi32, #tpu.memory_space<vmem>>, vector<16xi32>,
    %add3A_214 = arith.addi %get3A_211, %get3A_213 : vector<16xi32>
    %gt3A_215 = arith.constant 0 : i32
    %gt3A_216 = vector.broadcast %gt3A_215 : i32 to vector<16xi32>
    %gt3A_217 = arith.cmpi sgt, %add3A_214, %gt3A_216 : vector<16xi32>
    %jit3A_218 = arith.constant 1 : i32
    %jit3A_219 = arith.constant 0 : i32
    %broadcast_in_dim3A_220 = vector.broadcast %jit3A_218 : i32 to vector<16xi32>
    %broadcast_in_dim3A_221 = vector.broadcast %jit3A_219 : i32 to vector<16xi32>
    %select_n3A_222 = arith.select %gt3A_217, %broadcast_in_dim3A_220, %broadcast_in_dim3A_221 : vector<16xi1>, vector<16xi32>
    %broadcast_in_dim3A_223 = arith.constant true
    %broadcast_in_dim3A_224 = vector.broadcast %broadcast_in_dim3A_223 : i1 to vector<16xi1>
    %masked_cumsum3A_225 = tpu.scan <sum>, %select_n3A_222 masked %broadcast_in_dim3A_224 : vector<16xi32>, vector<16xi1> -> vector<16xi32>
    %gt3A_226 = arith.constant 0 : i32
    %gt3A_227 = vector.broadcast %gt3A_226 : i32 to vector<16xi32>
    %gt3A_228 = arith.cmpi sgt, %select_n3A_222, %gt3A_227 : vector<16xi32>
    %add3A_229 = arith.addi %sub3A_15, %add3A_209 : i32
    %sub3A_230 = arith.subi %masked_cumsum3A_225, %select_n3A_222 : vector<16xi32>
    %add3A_231 = vector.broadcast %add3A_229 : i32 to vector<16xi32>
    %add3A_232 = arith.addi %add3A_231, %sub3A_230 : vector<16xi32>
    %jit3A_233 = arith.constant 0 : i32
    %broadcast_in_dim3A_234 = vector.broadcast %jit3A_233 : i32 to vector<16xi32>
    %select_n3A_235 = arith.select %gt3A_228, %add3A_232, %broadcast_in_dim3A_234 : vector<16xi1>, vector<16xi32>
    %swap3A_236 = arith.constant 96 : index
    %swap3A_237 = tpu.vector_load %arg11[%swap3A_236] {strides = array<i32>} : memref<128xi32, #tpu.memory_space<vmem>>, vector<16xi32>,
    tpu.vector_store %arg11[%swap3A_236], %select_n3A_235 {strides = array<i32>} : memref<128xi32, #tpu.memory_space<vmem>>, vector<16xi32>,
    %reduce_sum3A_238 = arith.constant true
    %reduce_sum3A_239 = vector.broadcast %reduce_sum3A_238 : i1 to vector<16xi1>
    %reduce_sum3A_240 = tpu.scan <sum>, %select_n3A_222 masked %reduce_sum3A_239 : vector<16xi32>, vector<16xi1> -> vector<16xi32>
    %reduce_sum3A_241 = vector.extract %reduce_sum3A_240[15] : i32 from vector<16xi32>
    %add3A_242 = arith.addi %add3A_209, %reduce_sum3A_241 : i32
    %get3A_243 = arith.constant 112 : index
    %get3A_244 = tpu.vector_load %arg14[%get3A_243] {strides = array<i32>} : memref<3200xi32, #tpu.memory_space<vmem>>, vector<16xi32>,
    %get3A_245 = arith.constant 112 : index
    %get3A_246 = tpu.vector_load %arg15[%get3A_245] {strides = array<i32>} : memref<3200xi32, #tpu.memory_space<vmem>>, vector<16xi32>,
    %add3A_247 = arith.addi %get3A_244, %get3A_246 : vector<16xi32>
    %gt3A_248 = arith.constant 0 : i32
    %gt3A_249 = vector.broadcast %gt3A_248 : i32 to vector<16xi32>
    %gt3A_250 = arith.cmpi sgt, %add3A_247, %gt3A_249 : vector<16xi32>
    %jit3A_251 = arith.constant 1 : i32
    %jit3A_252 = arith.constant 0 : i32
    %broadcast_in_dim3A_253 = vector.broadcast %jit3A_251 : i32 to vector<16xi32>
    %broadcast_in_dim3A_254 = vector.broadcast %jit3A_252 : i32 to vector<16xi32>
    %select_n3A_255 = arith.select %gt3A_250, %broadcast_in_dim3A_253, %broadcast_in_dim3A_254 : vector<16xi1>, vector<16xi32>
    %broadcast_in_dim3A_256 = arith.constant true
    %broadcast_in_dim3A_257 = vector.broadcast %broadcast_in_dim3A_256 : i1 to vector<16xi1>
    %masked_cumsum3A_258 = tpu.scan <sum>, %select_n3A_255 masked %broadcast_in_dim3A_257 : vector<16xi32>, vector<16xi1> -> vector<16xi32>
    %gt3A_259 = arith.constant 0 : i32
    %gt3A_260 = vector.broadcast %gt3A_259 : i32 to vector<16xi32>
    %gt3A_261 = arith.cmpi sgt, %select_n3A_255, %gt3A_260 : vector<16xi32>
    %add3A_262 = arith.addi %sub3A_15, %add3A_242 : i32
    %sub3A_263 = arith.subi %masked_cumsum3A_258, %select_n3A_255 : vector<16xi32>
    %add3A_264 = vector.broadcast %add3A_262 : i32 to vector<16xi32>
    %add3A_265 = arith.addi %add3A_264, %sub3A_263 : vector<16xi32>
    %jit3A_266 = arith.constant 0 : i32
    %broadcast_in_dim3A_267 = vector.broadcast %jit3A_266 : i32 to vector<16xi32>
    %select_n3A_268 = arith.select %gt3A_261, %add3A_265, %broadcast_in_dim3A_267 : vector<16xi1>, vector<16xi32>
    %swap3A_269 = arith.constant 112 : index
    %swap3A_270 = tpu.vector_load %arg11[%swap3A_269] {strides = array<i32>} : memref<128xi32, #tpu.memory_space<vmem>>, vector<16xi32>,
    tpu.vector_store %arg11[%swap3A_269], %select_n3A_268 {strides = array<i32>} : memref<128xi32, #tpu.memory_space<vmem>>, vector<16xi32>,
    %reduce_sum3A_271 = arith.constant true
    %reduce_sum3A_272 = vector.broadcast %reduce_sum3A_271 : i1 to vector<16xi1>
    %reduce_sum3A_273 = tpu.scan <sum>, %select_n3A_255 masked %reduce_sum3A_272 : vector<16xi32>, vector<16xi1> -> vector<16xi32>
    %reduce_sum3A_274 = vector.extract %reduce_sum3A_273[15] : i32 from vector<16xi32>
    %add3A_275 = arith.addi %add3A_242, %reduce_sum3A_274 : i32
    %add3A_276 = arith.constant 0 : i32
    %add3A_277 = arith.addi %multiple_of3A, %add3A_276 : i32
    %multiple_of3A_278 = tpu.assume_multiple %add3A_277, 8 : i32
    %dma_start3A = arith.constant 0 : i32
    %dma_start3A_279 = tpu.memref_slice %arg2[%multiple_of3A_278, %dma_start3A] : memref<100000x256xf32, #tpu.memory_space<hbm>> -> memref<128x256xf32, #tpu.memory_space<hbm>>
    %dma_start3A_280 = arith.constant 0 : i32
    %dma_start3A_281 = tpu.memref_slice %arg2[%multiple_of3A_278, %dma_start3A_280] : memref<100000x256xf32, #tpu.memory_space<hbm>> -> memref<128x256xf32, #tpu.memory_space<hbm>>
    tpu.enqueue_dma source(%dma_start3A_281 : memref<128x256xf32, #tpu.memory_space<hbm>>) target(%arg8 : memref<128x256xf32, #tpu.memory_space<vmem>>) target_semaphore(%arg18 : memref<!tpu.dma_semaphore, #tpu.memory_space<semaphore_mem>>)
    %scan3A_282 = arith.constant 0 : i32
    %scan3A_283 = arith.constant 8 : i32
    %scan3A_284 = arith.addi %scan3A_282, %scan3A_283 : i32
    %scan3A_285 = arith.constant 1 : i32
    %scan3A_286 = scf.for %scan3A_314 = %scan3A_282 to %scan3A_284 step %scan3A_285 iter_args(%scan3A_315 = %add3A_275) -> (i32)  : i32 {
      %mul3A_316 = arith.constant 3 : i32
      %mul3A_317 = arith.muli %mul3A_316, %scan3A_314 : i32
      %add3A_318 = arith.constant 0 : i32
      %add3A_319 = arith.addi %mul3A_317, %add3A_318 : i32
      %ge3A_320 = arith.constant 2 : i32
      %ge3A_321 = arith.cmpi sge, %add3A_319, %ge3A_320 : i32
      %convert_element_type3A_322 = arith.extui %ge3A_321 : i1 to i32
      %cond3A_323 = arith.constant 0 : i32
      %cond3A_324 = arith.cmpi ne, %convert_element_type3A_322, %cond3A_323 : i32
      scf.if %cond3A_324 {
        %dma_wait3A_1294 = arith.constant 0 : i32
        %dma_wait3A_1295 = arith.constant 0 : i32
        %dma_wait3A_1296 = tpu.memref_slice %arg2[%dma_wait3A_1294, %dma_wait3A_1295] : memref<100000x256xf32, #tpu.memory_space<hbm>> -> memref<128x256xf32, #tpu.memory_space<hbm>>
        %dma_wait3A_1297 = arith.constant 0 : i32
        %dma_wait3A_1298 = arith.constant 0 : i32
        %dma_wait3A_1299 = tpu.memref_slice %arg2[%dma_wait3A_1297, %dma_wait3A_1298] : memref<100000x256xf32, #tpu.memory_space<hbm>> -> memref<128x256xf32, #tpu.memory_space<hbm>>
        tpu.wait_dma2 semaphore(%arg22 : memref<!tpu.dma_semaphore, #tpu.memory_space<semaphore_mem>>) src(%dma_wait3A_1299 : memref<128x256xf32, #tpu.memory_space<hbm>>) dst(%arg9 : memref<128x256xf32, #tpu.memory_space<vmem>>)
      } else {
      }
      %add3A_325 = arith.constant 1 : i32
      %add3A_326 = arith.addi %add3A_319, %add3A_325 : i32
      %mul3A_327 = arith.constant 128 : i32
      %mul3A_328 = arith.muli %add3A_326, %mul3A_327 : i32
      %add3A_329 = arith.addi %multiple_of3A, %mul3A_328 : i32
      %multiple_of3A_330 = tpu.assume_multiple %add3A_329, 8 : i32
      %dma_start3A_331 = arith.constant 0 : i32
      %dma_start3A_332 = tpu.memref_slice %arg2[%multiple_of3A_330, %dma_start3A_331] : memref<100000x256xf32, #tpu.memory_space<hbm>> -> memref<128x256xf32, #tpu.memory_space<hbm>>
      %dma_start3A_333 = arith.constant 0 : i32
      %dma_start3A_334 = tpu.memref_slice %arg2[%multiple_of3A_330, %dma_start3A_333] : memref<100000x256xf32, #tpu.memory_space<hbm>> -> memref<128x256xf32, #tpu.memory_space<hbm>>
      tpu.enqueue_dma source(%dma_start3A_334 : memref<128x256xf32, #tpu.memory_space<hbm>>) target(%arg9 : memref<128x256xf32, #tpu.memory_space<vmem>>) target_semaphore(%arg19 : memref<!tpu.dma_semaphore, #tpu.memory_space<semaphore_mem>>)
      %add3A_335 = arith.constant 1 : i32
      %add3A_336 = arith.addi %add3A_319, %add3A_335 : i32
      %mul3A_337 = arith.constant 128 : i32
      %mul3A_338 = arith.muli %add3A_336, %mul3A_337 : i32
      %add3A_339 = arith.constant 0 : i32
      %add3A_340 = arith.addi %mul3A_338, %add3A_339 : i32
      %get3A_341 = arith.index_cast %add3A_340 : i32 to index
      %get3A_342 = tpu.vector_load %arg14[%get3A_341] {strides = array<i32>} : memref<3200xi32, #tpu.memory_space<vmem>>, vector<16xi32>,
      %get3A_343 = arith.index_cast %add3A_340 : i32 to index
      %get3A_344 = tpu.vector_load %arg15[%get3A_343] {strides = array<i32>} : memref<3200xi32, #tpu.memory_space<vmem>>, vector<16xi32>,
      %add3A_345 = arith.addi %get3A_342, %get3A_344 : vector<16xi32>
      %gt3A_346 = arith.constant 0 : i32
      %gt3A_347 = vector.broadcast %gt3A_346 : i32 to vector<16xi32>
      %gt3A_348 = arith.cmpi sgt, %add3A_345, %gt3A_347 : vector<16xi32>
      %jit3A_349 = arith.constant 1 : i32
      %jit3A_350 = arith.constant 0 : i32
      %broadcast_in_dim3A_351 = vector.broadcast %jit3A_349 : i32 to vector<16xi32>
      %broadcast_in_dim3A_352 = vector.broadcast %jit3A_350 : i32 to vector<16xi32>
      %select_n3A_353 = arith.select %gt3A_348, %broadcast_in_dim3A_351, %broadcast_in_dim3A_352 : vector<16xi1>, vector<16xi32>
      %broadcast_in_dim3A_354 = arith.constant true
      %broadcast_in_dim3A_355 = vector.broadcast %broadcast_in_dim3A_354 : i1 to vector<16xi1>
      %masked_cumsum3A_356 = tpu.scan <sum>, %select_n3A_353 masked %broadcast_in_dim3A_355 : vector<16xi32>, vector<16xi1> -> vector<16xi32>
      %gt3A_357 = arith.constant 0 : i32
      %gt3A_358 = vector.broadcast %gt3A_357 : i32 to vector<16xi32>
      %gt3A_359 = arith.cmpi sgt, %select_n3A_353, %gt3A_358 : vector<16xi32>
      %add3A_360 = arith.addi %sub3A_15, %scan3A_315 : i32
      %sub3A_361 = arith.subi %masked_cumsum3A_356, %select_n3A_353 : vector<16xi32>
      %add3A_362 = vector.broadcast %add3A_360 : i32 to vector<16xi32>
      %add3A_363 = arith.addi %add3A_362, %sub3A_361 : vector<16xi32>
      %jit3A_364 = arith.constant 0 : i32
      %broadcast_in_dim3A_365 = vector.broadcast %jit3A_364 : i32 to vector<16xi32>
      %select_n3A_366 = arith.select %gt3A_359, %add3A_363, %broadcast_in_dim3A_365 : vector<16xi1>, vector<16xi32>
      %swap3A_367 = arith.constant 0 : index
      %swap3A_368 = tpu.vector_load %arg12[%swap3A_367] {strides = array<i32>} : memref<128xi32, #tpu.memory_space<vmem>>, vector<16xi32>,
      tpu.vector_store %arg12[%swap3A_367], %select_n3A_366 {strides = array<i32>} : memref<128xi32, #tpu.memory_space<vmem>>, vector<16xi32>,
      %reduce_sum3A_369 = arith.constant true
      %reduce_sum3A_370 = vector.broadcast %reduce_sum3A_369 : i1 to vector<16xi1>
      %reduce_sum3A_371 = tpu.scan <sum>, %select_n3A_353 masked %reduce_sum3A_370 : vector<16xi32>, vector<16xi1> -> vector<16xi32>
      %reduce_sum3A_372 = vector.extract %reduce_sum3A_371[15] : i32 from vector<16xi32>
      %add3A_373 = arith.addi %scan3A_315, %reduce_sum3A_372 : i32
      %mul3A_374 = arith.constant 128 : i32
      %mul3A_375 = arith.muli %add3A_336, %mul3A_374 : i32
      %add3A_376 = arith.constant 16 : i32
      %add3A_377 = arith.addi %mul3A_375, %add3A_376 : i32
      %get3A_378 = arith.index_cast %add3A_377 : i32 to index
      %get3A_379 = tpu.vector_load %arg14[%get3A_378] {strides = array<i32>} : memref<3200xi32, #tpu.memory_space<vmem>>, vector<16xi32>,
      %get3A_380 = arith.index_cast %add3A_377 : i32 to index
      %get3A_381 = tpu.vector_load %arg15[%get3A_380] {strides = array<i32>} : memref<3200xi32, #tpu.memory_space<vmem>>, vector<16xi32>,
      %add3A_382 = arith.addi %get3A_379, %get3A_381 : vector<16xi32>
      %gt3A_383 = arith.constant 0 : i32
      %gt3A_384 = vector.broadcast %gt3A_383 : i32 to vector<16xi32>
      %gt3A_385 = arith.cmpi sgt, %add3A_382, %gt3A_384 : vector<16xi32>
      %jit3A_386 = arith.constant 1 : i32
      %jit3A_387 = arith.constant 0 : i32
      %broadcast_in_dim3A_388 = vector.broadcast %jit3A_386 : i32 to vector<16xi32>
      %broadcast_in_dim3A_389 = vector.broadcast %jit3A_387 : i32 to vector<16xi32>
      %select_n3A_390 = arith.select %gt3A_385, %broadcast_in_dim3A_388, %broadcast_in_dim3A_389 : vector<16xi1>, vector<16xi32>
      %broadcast_in_dim3A_391 = arith.constant true
      %broadcast_in_dim3A_392 = vector.broadcast %broadcast_in_dim3A_391 : i1 to vector<16xi1>
      %masked_cumsum3A_393 = tpu.scan <sum>, %select_n3A_390 masked %broadcast_in_dim3A_392 : vector<16xi32>, vector<16xi1> -> vector<16xi32>
      %gt3A_394 = arith.constant 0 : i32
      %gt3A_395 = vector.broadcast %gt3A_394 : i32 to vector<16xi32>
      %gt3A_396 = arith.cmpi sgt, %select_n3A_390, %gt3A_395 : vector<16xi32>
      %add3A_397 = arith.addi %sub3A_15, %add3A_373 : i32
      %sub3A_398 = arith.subi %masked_cumsum3A_393, %select_n3A_390 : vector<16xi32>
      %add3A_399 = vector.broadcast %add3A_397 : i32 to vector<16xi32>
      %add3A_400 = arith.addi %add3A_399, %sub3A_398 : vector<16xi32>
      %jit3A_401 = arith.constant 0 : i32
      %broadcast_in_dim3A_402 = vector.broadcast %jit3A_401 : i32 to vector<16xi32>
      %select_n3A_403 = arith.select %gt3A_396, %add3A_400, %broadcast_in_dim3A_402 : vector<16xi1>, vector<16xi32>
      %swap3A_404 = arith.constant 16 : index
      %swap3A_405 = tpu.vector_load %arg12[%swap3A_404] {strides = array<i32>} : memref<128xi32, #tpu.memory_space<vmem>>, vector<16xi32>,
      tpu.vector_store %arg12[%swap3A_404], %select_n3A_403 {strides = array<i32>} : memref<128xi32, #tpu.memory_space<vmem>>, vector<16xi32>,
      %reduce_sum3A_406 = arith.constant true
      %reduce_sum3A_407 = vector.broadcast %reduce_sum3A_406 : i1 to vector<16xi1>
      %reduce_sum3A_408 = tpu.scan <sum>, %select_n3A_390 masked %reduce_sum3A_407 : vector<16xi32>, vector<16xi1> -> vector<16xi32>
      %reduce_sum3A_409 = vector.extract %reduce_sum3A_408[15] : i32 from vector<16xi32>
      %add3A_410 = arith.addi %add3A_373, %reduce_sum3A_409 : i32
      %mul3A_411 = arith.constant 128 : i32
      %mul3A_412 = arith.muli %add3A_336, %mul3A_411 : i32
      %add3A_413 = arith.constant 32 : i32
      %add3A_414 = arith.addi %mul3A_412, %add3A_413 : i32
      %get3A_415 = arith.index_cast %add3A_414 : i32 to index
      %get3A_416 = tpu.vector_load %arg14[%get3A_415] {strides = array<i32>} : memref<3200xi32, #tpu.memory_space<vmem>>, vector<16xi32>,
      %get3A_417 = arith.index_cast %add3A_414 : i32 to index
      %get3A_418 = tpu.vector_load %arg15[%get3A_417] {strides = array<i32>} : memref<3200xi32, #tpu.memory_space<vmem>>, vector<16xi32>,
      %add3A_419 = arith.addi %get3A_416, %get3A_418 : vector<16xi32>
      %gt3A_420 = arith.constant 0 : i32
      %gt3A_421 = vector.broadcast %gt3A_420 : i32 to vector<16xi32>
      %gt3A_422 = arith.cmpi sgt, %add3A_419, %gt3A_421 : vector<16xi32>
      %jit3A_423 = arith.constant 1 : i32
      %jit3A_424 = arith.constant 0 : i32
      %broadcast_in_dim3A_425 = vector.broadcast %jit3A_423 : i32 to vector<16xi32>
      %broadcast_in_dim3A_426 = vector.broadcast %jit3A_424 : i32 to vector<16xi32>
      %select_n3A_427 = arith.select %gt3A_422, %broadcast_in_dim3A_425, %broadcast_in_dim3A_426 : vector<16xi1>, vector<16xi32>
      %broadcast_in_dim3A_428 = arith.constant true
      %broadcast_in_dim3A_429 = vector.broadcast %broadcast_in_dim3A_428 : i1 to vector<16xi1>
      %masked_cumsum3A_430 = tpu.scan <sum>, %select_n3A_427 masked %broadcast_in_dim3A_429 : vector<16xi32>, vector<16xi1> -> vector<16xi32>
      %gt3A_431 = arith.constant 0 : i32
      %gt3A_432 = vector.broadcast %gt3A_431 : i32 to vector<16xi32>
      %gt3A_433 = arith.cmpi sgt, %select_n3A_427, %gt3A_432 : vector<16xi32>
      %add3A_434 = arith.addi %sub3A_15, %add3A_410 : i32
      %sub3A_435 = arith.subi %masked_cumsum3A_430, %select_n3A_427 : vector<16xi32>
      %add3A_436 = vector.broadcast %add3A_434 : i32 to vector<16xi32>
      %add3A_437 = arith.addi %add3A_436, %sub3A_435 : vector<16xi32>
      %jit3A_438 = arith.constant 0 : i32
      %broadcast_in_dim3A_439 = vector.broadcast %jit3A_438 : i32 to vector<16xi32>
      %select_n3A_440 = arith.select %gt3A_433, %add3A_437, %broadcast_in_dim3A_439 : vector<16xi1>, vector<16xi32>
      %swap3A_441 = arith.constant 32 : index
      %swap3A_442 = tpu.vector_load %arg12[%swap3A_441] {strides = array<i32>} : memref<128xi32, #tpu.memory_space<vmem>>, vector<16xi32>,
      tpu.vector_store %arg12[%swap3A_441], %select_n3A_440 {strides = array<i32>} : memref<128xi32, #tpu.memory_space<vmem>>, vector<16xi32>,
      %reduce_sum3A_443 = arith.constant true
      %reduce_sum3A_444 = vector.broadcast %reduce_sum3A_443 : i1 to vector<16xi1>
      %reduce_sum3A_445 = tpu.scan <sum>, %select_n3A_427 masked %reduce_sum3A_444 : vector<16xi32>, vector<16xi1> -> vector<16xi32>
      %reduce_sum3A_446 = vector.extract %reduce_sum3A_445[15] : i32 from vector<16xi32>
      %add3A_447 = arith.addi %add3A_410, %reduce_sum3A_446 : i32
      %mul3A_448 = arith.constant 128 : i32
      %mul3A_449 = arith.muli %add3A_336, %mul3A_448 : i32
      %add3A_450 = arith.constant 48 : i32
      %add3A_451 = arith.addi %mul3A_449, %add3A_450 : i32
      %get3A_452 = arith.index_cast %add3A_451 : i32 to index
      %get3A_453 = tpu.vector_load %arg14[%get3A_452] {strides = array<i32>} : memref<3200xi32, #tpu.memory_space<vmem>>, vector<16xi32>,
      %get3A_454 = arith.index_cast %add3A_451 : i32 to index
      %get3A_455 = tpu.vector_load %arg15[%get3A_454] {strides = array<i32>} : memref<3200xi32, #tpu.memory_space<vmem>>, vector<16xi32>,
      %add3A_456 = arith.addi %get3A_453, %get3A_455 : vector<16xi32>
      %gt3A_457 = arith.constant 0 : i32
      %gt3A_458 = vector.broadcast %gt3A_457 : i32 to vector<16xi32>
      %gt3A_459 = arith.cmpi sgt, %add3A_456, %gt3A_458 : vector<16xi32>
      %jit3A_460 = arith.constant 1 : i32
      %jit3A_461 = arith.constant 0 : i32
      %broadcast_in_dim3A_462 = vector.broadcast %jit3A_460 : i32 to vector<16xi32>
      %broadcast_in_dim3A_463 = vector.broadcast %jit3A_461 : i32 to vector<16xi32>
      %select_n3A_464 = arith.select %gt3A_459, %broadcast_in_dim3A_462, %broadcast_in_dim3A_463 : vector<16xi1>, vector<16xi32>
      %broadcast_in_dim3A_465 = arith.constant true
      %broadcast_in_dim3A_466 = vector.broadcast %broadcast_in_dim3A_465 : i1 to vector<16xi1>
      %masked_cumsum3A_467 = tpu.scan <sum>, %select_n3A_464 masked %broadcast_in_dim3A_466 : vector<16xi32>, vector<16xi1> -> vector<16xi32>
      %gt3A_468 = arith.constant 0 : i32
      %gt3A_469 = vector.broadcast %gt3A_468 : i32 to vector<16xi32>
      %gt3A_470 = arith.cmpi sgt, %select_n3A_464, %gt3A_469 : vector<16xi32>
      %add3A_471 = arith.addi %sub3A_15, %add3A_447 : i32
      %sub3A_472 = arith.subi %masked_cumsum3A_467, %select_n3A_464 : vector<16xi32>
      %add3A_473 = vector.broadcast %add3A_471 : i32 to vector<16xi32>
      %add3A_474 = arith.addi %add3A_473, %sub3A_472 : vector<16xi32>
      %jit3A_475 = arith.constant 0 : i32
      %broadcast_in_dim3A_476 = vector.broadcast %jit3A_475 : i32 to vector<16xi32>
      %select_n3A_477 = arith.select %gt3A_470, %add3A_474, %broadcast_in_dim3A_476 : vector<16xi1>, vector<16xi32>
      %swap3A_478 = arith.constant 48 : index
      %swap3A_479 = tpu.vector_load %arg12[%swap3A_478] {strides = array<i32>} : memref<128xi32, #tpu.memory_space<vmem>>, vector<16xi32>,
      tpu.vector_store %arg12[%swap3A_478], %select_n3A_477 {strides = array<i32>} : memref<128xi32, #tpu.memory_space<vmem>>, vector<16xi32>,
      %reduce_sum3A_480 = arith.constant true
      %reduce_sum3A_481 = vector.broadcast %reduce_sum3A_480 : i1 to vector<16xi1>
      %reduce_sum3A_482 = tpu.scan <sum>, %select_n3A_464 masked %reduce_sum3A_481 : vector<16xi32>, vector<16xi1> -> vector<16xi32>
      %reduce_sum3A_483 = vector.extract %reduce_sum3A_482[15] : i32 from vector<16xi32>
      %add3A_484 = arith.addi %add3A_447, %reduce_sum3A_483 : i32
      %mul3A_485 = arith.constant 128 : i32
      %mul3A_486 = arith.muli %add3A_336, %mul3A_485 : i32
      %add3A_487 = arith.constant 64 : i32
      %add3A_488 = arith.addi %mul3A_486, %add3A_487 : i32
      %get3A_489 = arith.index_cast %add3A_488 : i32 to index
      %get3A_490 = tpu.vector_load %arg14[%get3A_489] {strides = array<i32>} : memref<3200xi32, #tpu.memory_space<vmem>>, vector<16xi32>,
      %get3A_491 = arith.index_cast %add3A_488 : i32 to index
      %get3A_492 = tpu.vector_load %arg15[%get3A_491] {strides = array<i32>} : memref<3200xi32, #tpu.memory_space<vmem>>, vector<16xi32>,
      %add3A_493 = arith.addi %get3A_490, %get3A_492 : vector<16xi32>
      %gt3A_494 = arith.constant 0 : i32
      %gt3A_495 = vector.broadcast %gt3A_494 : i32 to vector<16xi32>
      %gt3A_496 = arith.cmpi sgt, %add3A_493, %gt3A_495 : vector<16xi32>
      %jit3A_497 = arith.constant 1 : i32
      %jit3A_498 = arith.constant 0 : i32
      %broadcast_in_dim3A_499 = vector.broadcast %jit3A_497 : i32 to vector<16xi32>
      %broadcast_in_dim3A_500 = vector.broadcast %jit3A_498 : i32 to vector<16xi32>
      %select_n3A_501 = arith.select %gt3A_496, %broadcast_in_dim3A_499, %broadcast_in_dim3A_500 : vector<16xi1>, vector<16xi32>
      %broadcast_in_dim3A_502 = arith.constant true
      %broadcast_in_dim3A_503 = vector.broadcast %broadcast_in_dim3A_502 : i1 to vector<16xi1>
      %masked_cumsum3A_504 = tpu.scan <sum>, %select_n3A_501 masked %broadcast_in_dim3A_503 : vector<16xi32>, vector<16xi1> -> vector<16xi32>
      %gt3A_505 = arith.constant 0 : i32
      %gt3A_506 = vector.broadcast %gt3A_505 : i32 to vector<16xi32>
      %gt3A_507 = arith.cmpi sgt, %select_n3A_501, %gt3A_506 : vector<16xi32>
      %add3A_508 = arith.addi %sub3A_15, %add3A_484 : i32
      %sub3A_509 = arith.subi %masked_cumsum3A_504, %select_n3A_501 : vector<16xi32>
      %add3A_510 = vector.broadcast %add3A_508 : i32 to vector<16xi32>
      %add3A_511 = arith.addi %add3A_510, %sub3A_509 : vector<16xi32>
      %jit3A_512 = arith.constant 0 : i32
      %broadcast_in_dim3A_513 = vector.broadcast %jit3A_512 : i32 to vector<16xi32>
      %select_n3A_514 = arith.select %gt3A_507, %add3A_511, %broadcast_in_dim3A_513 : vector<16xi1>, vector<16xi32>
      %swap3A_515 = arith.constant 64 : index
      %swap3A_516 = tpu.vector_load %arg12[%swap3A_515] {strides = array<i32>} : memref<128xi32, #tpu.memory_space<vmem>>, vector<16xi32>,
      tpu.vector_store %arg12[%swap3A_515], %select_n3A_514 {strides = array<i32>} : memref<128xi32, #tpu.memory_space<vmem>>, vector<16xi32>,
      %reduce_sum3A_517 = arith.constant true
      %reduce_sum3A_518 = vector.broadcast %reduce_sum3A_517 : i1 to vector<16xi1>
      %reduce_sum3A_519 = tpu.scan <sum>, %select_n3A_501 masked %reduce_sum3A_518 : vector<16xi32>, vector<16xi1> -> vector<16xi32>
      %reduce_sum3A_520 = vector.extract %reduce_sum3A_519[15] : i32 from vector<16xi32>
      %add3A_521 = arith.addi %add3A_484, %reduce_sum3A_520 : i32
      %mul3A_522 = arith.constant 128 : i32
      %mul3A_523 = arith.muli %add3A_336, %mul3A_522 : i32
      %add3A_524 = arith.constant 80 : i32
      %add3A_525 = arith.addi %mul3A_523, %add3A_524 : i32
      %get3A_526 = arith.index_cast %add3A_525 : i32 to index
      %get3A_527 = tpu.vector_load %arg14[%get3A_526] {strides = array<i32>} : memref<3200xi32, #tpu.memory_space<vmem>>, vector<16xi32>,
      %get3A_528 = arith.index_cast %add3A_525 : i32 to index
      %get3A_529 = tpu.vector_load %arg15[%get3A_528] {strides = array<i32>} : memref<3200xi32, #tpu.memory_space<vmem>>, vector<16xi32>,
      %add3A_530 = arith.addi %get3A_527, %get3A_529 : vector<16xi32>
      %gt3A_531 = arith.constant 0 : i32
      %gt3A_532 = vector.broadcast %gt3A_531 : i32 to vector<16xi32>
      %gt3A_533 = arith.cmpi sgt, %add3A_530, %gt3A_532 : vector<16xi32>
      %jit3A_534 = arith.constant 1 : i32
      %jit3A_535 = arith.constant 0 : i32
      %broadcast_in_dim3A_536 = vector.broadcast %jit3A_534 : i32 to vector<16xi32>
      %broadcast_in_dim3A_537 = vector.broadcast %jit3A_535 : i32 to vector<16xi32>
      %select_n3A_538 = arith.select %gt3A_533, %broadcast_in_dim3A_536, %broadcast_in_dim3A_537 : vector<16xi1>, vector<16xi32>
      %broadcast_in_dim3A_539 = arith.constant true
      %broadcast_in_dim3A_540 = vector.broadcast %broadcast_in_dim3A_539 : i1 to vector<16xi1>
      %masked_cumsum3A_541 = tpu.scan <sum>, %select_n3A_538 masked %broadcast_in_dim3A_540 : vector<16xi32>, vector<16xi1> -> vector<16xi32>
      %gt3A_542 = arith.constant 0 : i32
      %gt3A_543 = vector.broadcast %gt3A_542 : i32 to vector<16xi32>
      %gt3A_544 = arith.cmpi sgt, %select_n3A_538, %gt3A_543 : vector<16xi32>
      %add3A_545 = arith.addi %sub3A_15, %add3A_521 : i32
      %sub3A_546 = arith.subi %masked_cumsum3A_541, %select_n3A_538 : vector<16xi32>
      %add3A_547 = vector.broadcast %add3A_545 : i32 to vector<16xi32>
      %add3A_548 = arith.addi %add3A_547, %sub3A_546 : vector<16xi32>
      %jit3A_549 = arith.constant 0 : i32
      %broadcast_in_dim3A_550 = vector.broadcast %jit3A_549 : i32 to vector<16xi32>
      %select_n3A_551 = arith.select %gt3A_544, %add3A_548, %broadcast_in_dim3A_550 : vector<16xi1>, vector<16xi32>
      %swap3A_552 = arith.constant 80 : index
      %swap3A_553 = tpu.vector_load %arg12[%swap3A_552] {strides = array<i32>} : memref<128xi32, #tpu.memory_space<vmem>>, vector<16xi32>,
      tpu.vector_store %arg12[%swap3A_552], %select_n3A_551 {strides = array<i32>} : memref<128xi32, #tpu.memory_space<vmem>>, vector<16xi32>,
      %reduce_sum3A_554 = arith.constant true
      %reduce_sum3A_555 = vector.broadcast %reduce_sum3A_554 : i1 to vector<16xi1>
      %reduce_sum3A_556 = tpu.scan <sum>, %select_n3A_538 masked %reduce_sum3A_555 : vector<16xi32>, vector<16xi1> -> vector<16xi32>
      %reduce_sum3A_557 = vector.extract %reduce_sum3A_556[15] : i32 from vector<16xi32>
      %add3A_558 = arith.addi %add3A_521, %reduce_sum3A_557 : i32
      %mul3A_559 = arith.constant 128 : i32
      %mul3A_560 = arith.muli %add3A_336, %mul3A_559 : i32
      %add3A_561 = arith.constant 96 : i32
      %add3A_562 = arith.addi %mul3A_560, %add3A_561 : i32
      %get3A_563 = arith.index_cast %add3A_562 : i32 to index
      %get3A_564 = tpu.vector_load %arg14[%get3A_563] {strides = array<i32>} : memref<3200xi32, #tpu.memory_space<vmem>>, vector<16xi32>,
      %get3A_565 = arith.index_cast %add3A_562 : i32 to index
      %get3A_566 = tpu.vector_load %arg15[%get3A_565] {strides = array<i32>} : memref<3200xi32, #tpu.memory_space<vmem>>, vector<16xi32>,
      %add3A_567 = arith.addi %get3A_564, %get3A_566 : vector<16xi32>
      %gt3A_568 = arith.constant 0 : i32
      %gt3A_569 = vector.broadcast %gt3A_568 : i32 to vector<16xi32>
      %gt3A_570 = arith.cmpi sgt, %add3A_567, %gt3A_569 : vector<16xi32>
      %jit3A_571 = arith.constant 1 : i32
      %jit3A_572 = arith.constant 0 : i32
      %broadcast_in_dim3A_573 = vector.broadcast %jit3A_571 : i32 to vector<16xi32>
      %broadcast_in_dim3A_574 = vector.broadcast %jit3A_572 : i32 to vector<16xi32>
      %select_n3A_575 = arith.select %gt3A_570, %broadcast_in_dim3A_573, %broadcast_in_dim3A_574 : vector<16xi1>, vector<16xi32>
      %broadcast_in_dim3A_576 = arith.constant true
      %broadcast_in_dim3A_577 = vector.broadcast %broadcast_in_dim3A_576 : i1 to vector<16xi1>
      %masked_cumsum3A_578 = tpu.scan <sum>, %select_n3A_575 masked %broadcast_in_dim3A_577 : vector<16xi32>, vector<16xi1> -> vector<16xi32>
      %gt3A_579 = arith.constant 0 : i32
      %gt3A_580 = vector.broadcast %gt3A_579 : i32 to vector<16xi32>
      %gt3A_581 = arith.cmpi sgt, %select_n3A_575, %gt3A_580 : vector<16xi32>
      %add3A_582 = arith.addi %sub3A_15, %add3A_558 : i32
      %sub3A_583 = arith.subi %masked_cumsum3A_578, %select_n3A_575 : vector<16xi32>
      %add3A_584 = vector.broadcast %add3A_582 : i32 to vector<16xi32>
      %add3A_585 = arith.addi %add3A_584, %sub3A_583 : vector<16xi32>
      %jit3A_586 = arith.constant 0 : i32
      %broadcast_in_dim3A_587 = vector.broadcast %jit3A_586 : i32 to vector<16xi32>
      %select_n3A_588 = arith.select %gt3A_581, %add3A_585, %broadcast_in_dim3A_587 : vector<16xi1>, vector<16xi32>
      %swap3A_589 = arith.constant 96 : index
      %swap3A_590 = tpu.vector_load %arg12[%swap3A_589] {strides = array<i32>} : memref<128xi32, #tpu.memory_space<vmem>>, vector<16xi32>,
      tpu.vector_store %arg12[%swap3A_589], %select_n3A_588 {strides = array<i32>} : memref<128xi32, #tpu.memory_space<vmem>>, vector<16xi32>,
      %reduce_sum3A_591 = arith.constant true
      %reduce_sum3A_592 = vector.broadcast %reduce_sum3A_591 : i1 to vector<16xi1>
      %reduce_sum3A_593 = tpu.scan <sum>, %select_n3A_575 masked %reduce_sum3A_592 : vector<16xi32>, vector<16xi1> -> vector<16xi32>
      %reduce_sum3A_594 = vector.extract %reduce_sum3A_593[15] : i32 from vector<16xi32>
      %add3A_595 = arith.addi %add3A_558, %reduce_sum3A_594 : i32
      %mul3A_596 = arith.constant 128 : i32
      %mul3A_597 = arith.muli %add3A_336, %mul3A_596 : i32
      %add3A_598 = arith.constant 112 : i32
      %add3A_599 = arith.addi %mul3A_597, %add3A_598 : i32
      %get3A_600 = arith.index_cast %add3A_599 : i32 to index
      %get3A_601 = tpu.vector_load %arg14[%get3A_600] {strides = array<i32>} : memref<3200xi32, #tpu.memory_space<vmem>>, vector<16xi32>,
      %get3A_602 = arith.index_cast %add3A_599 : i32 to index
      %get3A_603 = tpu.vector_load %arg15[%get3A_602] {strides = array<i32>} : memref<3200xi32, #tpu.memory_space<vmem>>, vector<16xi32>,
      %add3A_604 = arith.addi %get3A_601, %get3A_603 : vector<16xi32>
      %gt3A_605 = arith.constant 0 : i32
      %gt3A_606 = vector.broadcast %gt3A_605 : i32 to vector<16xi32>
      %gt3A_607 = arith.cmpi sgt, %add3A_604, %gt3A_606 : vector<16xi32>
      %jit3A_608 = arith.constant 1 : i32
      %jit3A_609 = arith.constant 0 : i32
      %broadcast_in_dim3A_610 = vector.broadcast %jit3A_608 : i32 to vector<16xi32>
      %broadcast_in_dim3A_611 = vector.broadcast %jit3A_609 : i32 to vector<16xi32>
      %select_n3A_612 = arith.select %gt3A_607, %broadcast_in_dim3A_610, %broadcast_in_dim3A_611 : vector<16xi1>, vector<16xi32>
      %broadcast_in_dim3A_613 = arith.constant true
      %broadcast_in_dim3A_614 = vector.broadcast %broadcast_in_dim3A_613 : i1 to vector<16xi1>
      %masked_cumsum3A_615 = tpu.scan <sum>, %select_n3A_612 masked %broadcast_in_dim3A_614 : vector<16xi32>, vector<16xi1> -> vector<16xi32>
      %gt3A_616 = arith.constant 0 : i32
      %gt3A_617 = vector.broadcast %gt3A_616 : i32 to vector<16xi32>
      %gt3A_618 = arith.cmpi sgt, %select_n3A_612, %gt3A_617 : vector<16xi32>
      %add3A_619 = arith.addi %sub3A_15, %add3A_595 : i32
      %sub3A_620 = arith.subi %masked_cumsum3A_615, %select_n3A_612 : vector<16xi32>
      %add3A_621 = vector.broadcast %add3A_619 : i32 to vector<16xi32>
      %add3A_622 = arith.addi %add3A_621, %sub3A_620 : vector<16xi32>
      %jit3A_623 = arith.constant 0 : i32
      %broadcast_in_dim3A_624 = vector.broadcast %jit3A_623 : i32 to vector<16xi32>
      %select_n3A_625 = arith.select %gt3A_618, %add3A_622, %broadcast_in_dim3A_624 : vector<16xi1>, vector<16xi32>
      %swap3A_626 = arith.constant 112 : index
      %swap3A_627 = tpu.vector_load %arg12[%swap3A_626] {strides = array<i32>} : memref<128xi32, #tpu.memory_space<vmem>>, vector<16xi32>,
      tpu.vector_store %arg12[%swap3A_626], %select_n3A_625 {strides = array<i32>} : memref<128xi32, #tpu.memory_space<vmem>>, vector<16xi32>,
      %reduce_sum3A_628 = arith.constant true
      %reduce_sum3A_629 = vector.broadcast %reduce_sum3A_628 : i1 to vector<16xi1>
      %reduce_sum3A_630 = tpu.scan <sum>, %select_n3A_612 masked %reduce_sum3A_629 : vector<16xi32>, vector<16xi1> -> vector<16xi32>
      %reduce_sum3A_631 = vector.extract %reduce_sum3A_630[15] : i32 from vector<16xi32>
      %add3A_632 = arith.addi %add3A_595, %reduce_sum3A_631 : i32
      %dma_wait3A_633 = arith.constant 0 : i32
      %dma_wait3A_634 = arith.constant 0 : i32
      %dma_wait3A_635 = tpu.memref_slice %arg2[%dma_wait3A_633, %dma_wait3A_634] : memref<100000x256xf32, #tpu.memory_space<hbm>> -> memref<128x256xf32, #tpu.memory_space<hbm>>
      %dma_wait3A_636 = arith.constant 0 : i32
      %dma_wait3A_637 = arith.constant 0 : i32
      %dma_wait3A_638 = tpu.memref_slice %arg2[%dma_wait3A_636, %dma_wait3A_637] : memref<100000x256xf32, #tpu.memory_space<hbm>> -> memref<128x256xf32, #tpu.memory_space<hbm>>
      tpu.wait_dma2 semaphore(%arg18 : memref<!tpu.dma_semaphore, #tpu.memory_space<semaphore_mem>>) src(%dma_wait3A_638 : memref<128x256xf32, #tpu.memory_space<hbm>>) dst(%arg8 : memref<128x256xf32, #tpu.memory_space<vmem>>)
      %dma_start3A_639 = arith.constant 0 : i32
      %dma_start3A_640 = arith.constant 0 : i32
      %dma_start3A_641 = tpu.memref_slice %arg6[%dma_start3A_639, %dma_start3A_640] : memref<100000x256xf32, #tpu.memory_space<hbm>> -> memref<100000x256xf32, #tpu.memory_space<hbm>>
      tpu.enqueue_indirect_dma source(%arg8 : memref<128x256xf32, #tpu.memory_space<vmem>>) target(%dma_start3A_641 : memref<100000x256xf32, #tpu.memory_space<hbm>>) offsets(%arg11 : memref<128xi32, #tpu.memory_space<vmem>>) semaphore(%arg21 : memref<!tpu.dma_semaphore, #tpu.memory_space<semaphore_mem>>)
      %mul3A_642 = arith.constant 3 : i32
      %mul3A_643 = arith.muli %mul3A_642, %scan3A_314 : i32
      %add3A_644 = arith.constant 1 : i32
      %add3A_645 = arith.addi %mul3A_643, %add3A_644 : i32
      %ge3A_646 = arith.constant 2 : i32
      %ge3A_647 = arith.cmpi sge, %add3A_645, %ge3A_646 : i32
      %convert_element_type3A_648 = arith.extui %ge3A_647 : i1 to i32
      %cond3A_649 = arith.constant 0 : i32
      %cond3A_650 = arith.cmpi ne, %convert_element_type3A_648, %cond3A_649 : i32
      scf.if %cond3A_650 {
        %dma_wait3A_1294 = arith.constant 0 : i32
        %dma_wait3A_1295 = arith.constant 0 : i32
        %dma_wait3A_1296 = tpu.memref_slice %arg2[%dma_wait3A_1294, %dma_wait3A_1295] : memref<100000x256xf32, #tpu.memory_space<hbm>> -> memref<128x256xf32, #tpu.memory_space<hbm>>
        %dma_wait3A_1297 = arith.constant 0 : i32
        %dma_wait3A_1298 = arith.constant 0 : i32
        %dma_wait3A_1299 = tpu.memref_slice %arg2[%dma_wait3A_1297, %dma_wait3A_1298] : memref<100000x256xf32, #tpu.memory_space<hbm>> -> memref<128x256xf32, #tpu.memory_space<hbm>>
        tpu.wait_dma2 semaphore(%arg23 : memref<!tpu.dma_semaphore, #tpu.memory_space<semaphore_mem>>) src(%dma_wait3A_1299 : memref<128x256xf32, #tpu.memory_space<hbm>>) dst(%arg10 : memref<128x256xf32, #tpu.memory_space<vmem>>)
      } else {
      }
      %add3A_651 = arith.constant 1 : i32
      %add3A_652 = arith.addi %add3A_645, %add3A_651 : i32
      %mul3A_653 = arith.constant 128 : i32
      %mul3A_654 = arith.muli %add3A_652, %mul3A_653 : i32
      %add3A_655 = arith.addi %multiple_of3A, %mul3A_654 : i32
      %multiple_of3A_656 = tpu.assume_multiple %add3A_655, 8 : i32
      %dma_start3A_657 = arith.constant 0 : i32
      %dma_start3A_658 = tpu.memref_slice %arg2[%multiple_of3A_656, %dma_start3A_657] : memref<100000x256xf32, #tpu.memory_space<hbm>> -> memref<128x256xf32, #tpu.memory_space<hbm>>
      %dma_start3A_659 = arith.constant 0 : i32
      %dma_start3A_660 = tpu.memref_slice %arg2[%multiple_of3A_656, %dma_start3A_659] : memref<100000x256xf32, #tpu.memory_space<hbm>> -> memref<128x256xf32, #tpu.memory_space<hbm>>
      tpu.enqueue_dma source(%dma_start3A_660 : memref<128x256xf32, #tpu.memory_space<hbm>>) target(%arg10 : memref<128x256xf32, #tpu.memory_space<vmem>>) target_semaphore(%arg20 : memref<!tpu.dma_semaphore, #tpu.memory_space<semaphore_mem>>)
      %add3A_661 = arith.constant 1 : i32
      %add3A_662 = arith.addi %add3A_645, %add3A_661 : i32
      %mul3A_663 = arith.constant 128 : i32
      %mul3A_664 = arith.muli %add3A_662, %mul3A_663 : i32
      %add3A_665 = arith.constant 0 : i32
      %add3A_666 = arith.addi %mul3A_664, %add3A_665 : i32
      %get3A_667 = arith.index_cast %add3A_666 : i32 to index
      %get3A_668 = tpu.vector_load %arg14[%get3A_667] {strides = array<i32>} : memref<3200xi32, #tpu.memory_space<vmem>>, vector<16xi32>,
      %get3A_669 = arith.index_cast %add3A_666 : i32 to index
      %get3A_670 = tpu.vector_load %arg15[%get3A_669] {strides = array<i32>} : memref<3200xi32, #tpu.memory_space<vmem>>, vector<16xi32>,
      %add3A_671 = arith.addi %get3A_668, %get3A_670 : vector<16xi32>
      %gt3A_672 = arith.constant 0 : i32
      %gt3A_673 = vector.broadcast %gt3A_672 : i32 to vector<16xi32>
      %gt3A_674 = arith.cmpi sgt, %add3A_671, %gt3A_673 : vector<16xi32>
      %jit3A_675 = arith.constant 1 : i32
      %jit3A_676 = arith.constant 0 : i32
      %broadcast_in_dim3A_677 = vector.broadcast %jit3A_675 : i32 to vector<16xi32>
      %broadcast_in_dim3A_678 = vector.broadcast %jit3A_676 : i32 to vector<16xi32>
      %select_n3A_679 = arith.select %gt3A_674, %broadcast_in_dim3A_677, %broadcast_in_dim3A_678 : vector<16xi1>, vector<16xi32>
      %broadcast_in_dim3A_680 = arith.constant true
      %broadcast_in_dim3A_681 = vector.broadcast %broadcast_in_dim3A_680 : i1 to vector<16xi1>
      %masked_cumsum3A_682 = tpu.scan <sum>, %select_n3A_679 masked %broadcast_in_dim3A_681 : vector<16xi32>, vector<16xi1> -> vector<16xi32>
      %gt3A_683 = arith.constant 0 : i32
      %gt3A_684 = vector.broadcast %gt3A_683 : i32 to vector<16xi32>
      %gt3A_685 = arith.cmpi sgt, %select_n3A_679, %gt3A_684 : vector<16xi32>
      %add3A_686 = arith.addi %sub3A_15, %add3A_632 : i32
      %sub3A_687 = arith.subi %masked_cumsum3A_682, %select_n3A_679 : vector<16xi32>
      %add3A_688 = vector.broadcast %add3A_686 : i32 to vector<16xi32>
      %add3A_689 = arith.addi %add3A_688, %sub3A_687 : vector<16xi32>
      %jit3A_690 = arith.constant 0 : i32
      %broadcast_in_dim3A_691 = vector.broadcast %jit3A_690 : i32 to vector<16xi32>
      %select_n3A_692 = arith.select %gt3A_685, %add3A_689, %broadcast_in_dim3A_691 : vector<16xi1>, vector<16xi32>
      %swap3A_693 = arith.constant 0 : index
      %swap3A_694 = tpu.vector_load %arg13[%swap3A_693] {strides = array<i32>} : memref<128xi32, #tpu.memory_space<vmem>>, vector<16xi32>,
      tpu.vector_store %arg13[%swap3A_693], %select_n3A_692 {strides = array<i32>} : memref<128xi32, #tpu.memory_space<vmem>>, vector<16xi32>,
      %reduce_sum3A_695 = arith.constant true
      %reduce_sum3A_696 = vector.broadcast %reduce_sum3A_695 : i1 to vector<16xi1>
      %reduce_sum3A_697 = tpu.scan <sum>, %select_n3A_679 masked %reduce_sum3A_696 : vector<16xi32>, vector<16xi1> -> vector<16xi32>
      %reduce_sum3A_698 = vector.extract %reduce_sum3A_697[15] : i32 from vector<16xi32>
      %add3A_699 = arith.addi %add3A_632, %reduce_sum3A_698 : i32
      %mul3A_700 = arith.constant 128 : i32
      %mul3A_701 = arith.muli %add3A_662, %mul3A_700 : i32
      %add3A_702 = arith.constant 16 : i32
      %add3A_703 = arith.addi %mul3A_701, %add3A_702 : i32
      %get3A_704 = arith.index_cast %add3A_703 : i32 to index
      %get3A_705 = tpu.vector_load %arg14[%get3A_704] {strides = array<i32>} : memref<3200xi32, #tpu.memory_space<vmem>>, vector<16xi32>,
      %get3A_706 = arith.index_cast %add3A_703 : i32 to index
      %get3A_707 = tpu.vector_load %arg15[%get3A_706] {strides = array<i32>} : memref<3200xi32, #tpu.memory_space<vmem>>, vector<16xi32>,
      %add3A_708 = arith.addi %get3A_705, %get3A_707 : vector<16xi32>
      %gt3A_709 = arith.constant 0 : i32
      %gt3A_710 = vector.broadcast %gt3A_709 : i32 to vector<16xi32>
      %gt3A_711 = arith.cmpi sgt, %add3A_708, %gt3A_710 : vector<16xi32>
      %jit3A_712 = arith.constant 1 : i32
      %jit3A_713 = arith.constant 0 : i32
      %broadcast_in_dim3A_714 = vector.broadcast %jit3A_712 : i32 to vector<16xi32>
      %broadcast_in_dim3A_715 = vector.broadcast %jit3A_713 : i32 to vector<16xi32>
      %select_n3A_716 = arith.select %gt3A_711, %broadcast_in_dim3A_714, %broadcast_in_dim3A_715 : vector<16xi1>, vector<16xi32>
      %broadcast_in_dim3A_717 = arith.constant true
      %broadcast_in_dim3A_718 = vector.broadcast %broadcast_in_dim3A_717 : i1 to vector<16xi1>
      %masked_cumsum3A_719 = tpu.scan <sum>, %select_n3A_716 masked %broadcast_in_dim3A_718 : vector<16xi32>, vector<16xi1> -> vector<16xi32>
      %gt3A_720 = arith.constant 0 : i32
      %gt3A_721 = vector.broadcast %gt3A_720 : i32 to vector<16xi32>
      %gt3A_722 = arith.cmpi sgt, %select_n3A_716, %gt3A_721 : vector<16xi32>
      %add3A_723 = arith.addi %sub3A_15, %add3A_699 : i32
      %sub3A_724 = arith.subi %masked_cumsum3A_719, %select_n3A_716 : vector<16xi32>
      %add3A_725 = vector.broadcast %add3A_723 : i32 to vector<16xi32>
      %add3A_726 = arith.addi %add3A_725, %sub3A_724 : vector<16xi32>
      %jit3A_727 = arith.constant 0 : i32
      %broadcast_in_dim3A_728 = vector.broadcast %jit3A_727 : i32 to vector<16xi32>
      %select_n3A_729 = arith.select %gt3A_722, %add3A_726, %broadcast_in_dim3A_728 : vector<16xi1>, vector<16xi32>
      %swap3A_730 = arith.constant 16 : index
      %swap3A_731 = tpu.vector_load %arg13[%swap3A_730] {strides = array<i32>} : memref<128xi32, #tpu.memory_space<vmem>>, vector<16xi32>,
      tpu.vector_store %arg13[%swap3A_730], %select_n3A_729 {strides = array<i32>} : memref<128xi32, #tpu.memory_space<vmem>>, vector<16xi32>,
      %reduce_sum3A_732 = arith.constant true
      %reduce_sum3A_733 = vector.broadcast %reduce_sum3A_732 : i1 to vector<16xi1>
      %reduce_sum3A_734 = tpu.scan <sum>, %select_n3A_716 masked %reduce_sum3A_733 : vector<16xi32>, vector<16xi1> -> vector<16xi32>
      %reduce_sum3A_735 = vector.extract %reduce_sum3A_734[15] : i32 from vector<16xi32>
      %add3A_736 = arith.addi %add3A_699, %reduce_sum3A_735 : i32
      %mul3A_737 = arith.constant 128 : i32
      %mul3A_738 = arith.muli %add3A_662, %mul3A_737 : i32
      %add3A_739 = arith.constant 32 : i32
      %add3A_740 = arith.addi %mul3A_738, %add3A_739 : i32
      %get3A_741 = arith.index_cast %add3A_740 : i32 to index
      %get3A_742 = tpu.vector_load %arg14[%get3A_741] {strides = array<i32>} : memref<3200xi32, #tpu.memory_space<vmem>>, vector<16xi32>,
      %get3A_743 = arith.index_cast %add3A_740 : i32 to index
      %get3A_744 = tpu.vector_load %arg15[%get3A_743] {strides = array<i32>} : memref<3200xi32, #tpu.memory_space<vmem>>, vector<16xi32>,
      %add3A_745 = arith.addi %get3A_742, %get3A_744 : vector<16xi32>
      %gt3A_746 = arith.constant 0 : i32
      %gt3A_747 = vector.broadcast %gt3A_746 : i32 to vector<16xi32>
      %gt3A_748 = arith.cmpi sgt, %add3A_745, %gt3A_747 : vector<16xi32>
      %jit3A_749 = arith.constant 1 : i32
      %jit3A_750 = arith.constant 0 : i32
      %broadcast_in_dim3A_751 = vector.broadcast %jit3A_749 : i32 to vector<16xi32>
      %broadcast_in_dim3A_752 = vector.broadcast %jit3A_750 : i32 to vector<16xi32>
      %select_n3A_753 = arith.select %gt3A_748, %broadcast_in_dim3A_751, %broadcast_in_dim3A_752 : vector<16xi1>, vector<16xi32>
      %broadcast_in_dim3A_754 = arith.constant true
      %broadcast_in_dim3A_755 = vector.broadcast %broadcast_in_dim3A_754 : i1 to vector<16xi1>
      %masked_cumsum3A_756 = tpu.scan <sum>, %select_n3A_753 masked %broadcast_in_dim3A_755 : vector<16xi32>, vector<16xi1> -> vector<16xi32>
      %gt3A_757 = arith.constant 0 : i32
      %gt3A_758 = vector.broadcast %gt3A_757 : i32 to vector<16xi32>
      %gt3A_759 = arith.cmpi sgt, %select_n3A_753, %gt3A_758 : vector<16xi32>
      %add3A_760 = arith.addi %sub3A_15, %add3A_736 : i32
      %sub3A_761 = arith.subi %masked_cumsum3A_756, %select_n3A_753 : vector<16xi32>
      %add3A_762 = vector.broadcast %add3A_760 : i32 to vector<16xi32>
      %add3A_763 = arith.addi %add3A_762, %sub3A_761 : vector<16xi32>
      %jit3A_764 = arith.constant 0 : i32
      %broadcast_in_dim3A_765 = vector.broadcast %jit3A_764 : i32 to vector<16xi32>
      %select_n3A_766 = arith.select %gt3A_759, %add3A_763, %broadcast_in_dim3A_765 : vector<16xi1>, vector<16xi32>
      %swap3A_767 = arith.constant 32 : index
      %swap3A_768 = tpu.vector_load %arg13[%swap3A_767] {strides = array<i32>} : memref<128xi32, #tpu.memory_space<vmem>>, vector<16xi32>,
      tpu.vector_store %arg13[%swap3A_767], %select_n3A_766 {strides = array<i32>} : memref<128xi32, #tpu.memory_space<vmem>>, vector<16xi32>,
      %reduce_sum3A_769 = arith.constant true
      %reduce_sum3A_770 = vector.broadcast %reduce_sum3A_769 : i1 to vector<16xi1>
      %reduce_sum3A_771 = tpu.scan <sum>, %select_n3A_753 masked %reduce_sum3A_770 : vector<16xi32>, vector<16xi1> -> vector<16xi32>
      %reduce_sum3A_772 = vector.extract %reduce_sum3A_771[15] : i32 from vector<16xi32>
      %add3A_773 = arith.addi %add3A_736, %reduce_sum3A_772 : i32
      %mul3A_774 = arith.constant 128 : i32
      %mul3A_775 = arith.muli %add3A_662, %mul3A_774 : i32
      %add3A_776 = arith.constant 48 : i32
      %add3A_777 = arith.addi %mul3A_775, %add3A_776 : i32
      %get3A_778 = arith.index_cast %add3A_777 : i32 to index
      %get3A_779 = tpu.vector_load %arg14[%get3A_778] {strides = array<i32>} : memref<3200xi32, #tpu.memory_space<vmem>>, vector<16xi32>,
      %get3A_780 = arith.index_cast %add3A_777 : i32 to index
      %get3A_781 = tpu.vector_load %arg15[%get3A_780] {strides = array<i32>} : memref<3200xi32, #tpu.memory_space<vmem>>, vector<16xi32>,
      %add3A_782 = arith.addi %get3A_779, %get3A_781 : vector<16xi32>
      %gt3A_783 = arith.constant 0 : i32
      %gt3A_784 = vector.broadcast %gt3A_783 : i32 to vector<16xi32>
      %gt3A_785 = arith.cmpi sgt, %add3A_782, %gt3A_784 : vector<16xi32>
      %jit3A_786 = arith.constant 1 : i32
      %jit3A_787 = arith.constant 0 : i32
      %broadcast_in_dim3A_788 = vector.broadcast %jit3A_786 : i32 to vector<16xi32>
      %broadcast_in_dim3A_789 = vector.broadcast %jit3A_787 : i32 to vector<16xi32>
      %select_n3A_790 = arith.select %gt3A_785, %broadcast_in_dim3A_788, %broadcast_in_dim3A_789 : vector<16xi1>, vector<16xi32>
      %broadcast_in_dim3A_791 = arith.constant true
      %broadcast_in_dim3A_792 = vector.broadcast %broadcast_in_dim3A_791 : i1 to vector<16xi1>
      %masked_cumsum3A_793 = tpu.scan <sum>, %select_n3A_790 masked %broadcast_in_dim3A_792 : vector<16xi32>, vector<16xi1> -> vector<16xi32>
      %gt3A_794 = arith.constant 0 : i32
      %gt3A_795 = vector.broadcast %gt3A_794 : i32 to vector<16xi32>
      %gt3A_796 = arith.cmpi sgt, %select_n3A_790, %gt3A_795 : vector<16xi32>
      %add3A_797 = arith.addi %sub3A_15, %add3A_773 : i32
      %sub3A_798 = arith.subi %masked_cumsum3A_793, %select_n3A_790 : vector<16xi32>
      %add3A_799 = vector.broadcast %add3A_797 : i32 to vector<16xi32>
      %add3A_800 = arith.addi %add3A_799, %sub3A_798 : vector<16xi32>
      %jit3A_801 = arith.constant 0 : i32
      %broadcast_in_dim3A_802 = vector.broadcast %jit3A_801 : i32 to vector<16xi32>
      %select_n3A_803 = arith.select %gt3A_796, %add3A_800, %broadcast_in_dim3A_802 : vector<16xi1>, vector<16xi32>
      %swap3A_804 = arith.constant 48 : index
      %swap3A_805 = tpu.vector_load %arg13[%swap3A_804] {strides = array<i32>} : memref<128xi32, #tpu.memory_space<vmem>>, vector<16xi32>,
      tpu.vector_store %arg13[%swap3A_804], %select_n3A_803 {strides = array<i32>} : memref<128xi32, #tpu.memory_space<vmem>>, vector<16xi32>,
      %reduce_sum3A_806 = arith.constant true
      %reduce_sum3A_807 = vector.broadcast %reduce_sum3A_806 : i1 to vector<16xi1>
      %reduce_sum3A_808 = tpu.scan <sum>, %select_n3A_790 masked %reduce_sum3A_807 : vector<16xi32>, vector<16xi1> -> vector<16xi32>
      %reduce_sum3A_809 = vector.extract %reduce_sum3A_808[15] : i32 from vector<16xi32>
      %add3A_810 = arith.addi %add3A_773, %reduce_sum3A_809 : i32
      %mul3A_811 = arith.constant 128 : i32
      %mul3A_812 = arith.muli %add3A_662, %mul3A_811 : i32
      %add3A_813 = arith.constant 64 : i32
      %add3A_814 = arith.addi %mul3A_812, %add3A_813 : i32
      %get3A_815 = arith.index_cast %add3A_814 : i32 to index
      %get3A_816 = tpu.vector_load %arg14[%get3A_815] {strides = array<i32>} : memref<3200xi32, #tpu.memory_space<vmem>>, vector<16xi32>,
      %get3A_817 = arith.index_cast %add3A_814 : i32 to index
      %get3A_818 = tpu.vector_load %arg15[%get3A_817] {strides = array<i32>} : memref<3200xi32, #tpu.memory_space<vmem>>, vector<16xi32>,
      %add3A_819 = arith.addi %get3A_816, %get3A_818 : vector<16xi32>
      %gt3A_820 = arith.constant 0 : i32
      %gt3A_821 = vector.broadcast %gt3A_820 : i32 to vector<16xi32>
      %gt3A_822 = arith.cmpi sgt, %add3A_819, %gt3A_821 : vector<16xi32>
      %jit3A_823 = arith.constant 1 : i32
      %jit3A_824 = arith.constant 0 : i32
      %broadcast_in_dim3A_825 = vector.broadcast %jit3A_823 : i32 to vector<16xi32>
      %broadcast_in_dim3A_826 = vector.broadcast %jit3A_824 : i32 to vector<16xi32>
      %select_n3A_827 = arith.select %gt3A_822, %broadcast_in_dim3A_825, %broadcast_in_dim3A_826 : vector<16xi1>, vector<16xi32>
      %broadcast_in_dim3A_828 = arith.constant true
      %broadcast_in_dim3A_829 = vector.broadcast %broadcast_in_dim3A_828 : i1 to vector<16xi1>
      %masked_cumsum3A_830 = tpu.scan <sum>, %select_n3A_827 masked %broadcast_in_dim3A_829 : vector<16xi32>, vector<16xi1> -> vector<16xi32>
      %gt3A_831 = arith.constant 0 : i32
      %gt3A_832 = vector.broadcast %gt3A_831 : i32 to vector<16xi32>
      %gt3A_833 = arith.cmpi sgt, %select_n3A_827, %gt3A_832 : vector<16xi32>
      %add3A_834 = arith.addi %sub3A_15, %add3A_810 : i32
      %sub3A_835 = arith.subi %masked_cumsum3A_830, %select_n3A_827 : vector<16xi32>
      %add3A_836 = vector.broadcast %add3A_834 : i32 to vector<16xi32>
      %add3A_837 = arith.addi %add3A_836, %sub3A_835 : vector<16xi32>
      %jit3A_838 = arith.constant 0 : i32
      %broadcast_in_dim3A_839 = vector.broadcast %jit3A_838 : i32 to vector<16xi32>
      %select_n3A_840 = arith.select %gt3A_833, %add3A_837, %broadcast_in_dim3A_839 : vector<16xi1>, vector<16xi32>
      %swap3A_841 = arith.constant 64 : index
      %swap3A_842 = tpu.vector_load %arg13[%swap3A_841] {strides = array<i32>} : memref<128xi32, #tpu.memory_space<vmem>>, vector<16xi32>,
      tpu.vector_store %arg13[%swap3A_841], %select_n3A_840 {strides = array<i32>} : memref<128xi32, #tpu.memory_space<vmem>>, vector<16xi32>,
      %reduce_sum3A_843 = arith.constant true
      %reduce_sum3A_844 = vector.broadcast %reduce_sum3A_843 : i1 to vector<16xi1>
      %reduce_sum3A_845 = tpu.scan <sum>, %select_n3A_827 masked %reduce_sum3A_844 : vector<16xi32>, vector<16xi1> -> vector<16xi32>
      %reduce_sum3A_846 = vector.extract %reduce_sum3A_845[15] : i32 from vector<16xi32>
      %add3A_847 = arith.addi %add3A_810, %reduce_sum3A_846 : i32
      %mul3A_848 = arith.constant 128 : i32
      %mul3A_849 = arith.muli %add3A_662, %mul3A_848 : i32
      %add3A_850 = arith.constant 80 : i32
      %add3A_851 = arith.addi %mul3A_849, %add3A_850 : i32
      %get3A_852 = arith.index_cast %add3A_851 : i32 to index
      %get3A_853 = tpu.vector_load %arg14[%get3A_852] {strides = array<i32>} : memref<3200xi32, #tpu.memory_space<vmem>>, vector<16xi32>,
      %get3A_854 = arith.index_cast %add3A_851 : i32 to index
      %get3A_855 = tpu.vector_load %arg15[%get3A_854] {strides = array<i32>} : memref<3200xi32, #tpu.memory_space<vmem>>, vector<16xi32>,
      %add3A_856 = arith.addi %get3A_853, %get3A_855 : vector<16xi32>
      %gt3A_857 = arith.constant 0 : i32
      %gt3A_858 = vector.broadcast %gt3A_857 : i32 to vector<16xi32>
      %gt3A_859 = arith.cmpi sgt, %add3A_856, %gt3A_858 : vector<16xi32>
      %jit3A_860 = arith.constant 1 : i32
      %jit3A_861 = arith.constant 0 : i32
      %broadcast_in_dim3A_862 = vector.broadcast %jit3A_860 : i32 to vector<16xi32>
      %broadcast_in_dim3A_863 = vector.broadcast %jit3A_861 : i32 to vector<16xi32>
      %select_n3A_864 = arith.select %gt3A_859, %broadcast_in_dim3A_862, %broadcast_in_dim3A_863 : vector<16xi1>, vector<16xi32>
      %broadcast_in_dim3A_865 = arith.constant true
      %broadcast_in_dim3A_866 = vector.broadcast %broadcast_in_dim3A_865 : i1 to vector<16xi1>
      %masked_cumsum3A_867 = tpu.scan <sum>, %select_n3A_864 masked %broadcast_in_dim3A_866 : vector<16xi32>, vector<16xi1> -> vector<16xi32>
      %gt3A_868 = arith.constant 0 : i32
      %gt3A_869 = vector.broadcast %gt3A_868 : i32 to vector<16xi32>
      %gt3A_870 = arith.cmpi sgt, %select_n3A_864, %gt3A_869 : vector<16xi32>
      %add3A_871 = arith.addi %sub3A_15, %add3A_847 : i32
      %sub3A_872 = arith.subi %masked_cumsum3A_867, %select_n3A_864 : vector<16xi32>
      %add3A_873 = vector.broadcast %add3A_871 : i32 to vector<16xi32>
      %add3A_874 = arith.addi %add3A_873, %sub3A_872 : vector<16xi32>
      %jit3A_875 = arith.constant 0 : i32
      %broadcast_in_dim3A_876 = vector.broadcast %jit3A_875 : i32 to vector<16xi32>
      %select_n3A_877 = arith.select %gt3A_870, %add3A_874, %broadcast_in_dim3A_876 : vector<16xi1>, vector<16xi32>
      %swap3A_878 = arith.constant 80 : index
      %swap3A_879 = tpu.vector_load %arg13[%swap3A_878] {strides = array<i32>} : memref<128xi32, #tpu.memory_space<vmem>>, vector<16xi32>,
      tpu.vector_store %arg13[%swap3A_878], %select_n3A_877 {strides = array<i32>} : memref<128xi32, #tpu.memory_space<vmem>>, vector<16xi32>,
      %reduce_sum3A_880 = arith.constant true
      %reduce_sum3A_881 = vector.broadcast %reduce_sum3A_880 : i1 to vector<16xi1>
      %reduce_sum3A_882 = tpu.scan <sum>, %select_n3A_864 masked %reduce_sum3A_881 : vector<16xi32>, vector<16xi1> -> vector<16xi32>
      %reduce_sum3A_883 = vector.extract %reduce_sum3A_882[15] : i32 from vector<16xi32>
      %add3A_884 = arith.addi %add3A_847, %reduce_sum3A_883 : i32
      %mul3A_885 = arith.constant 128 : i32
      %mul3A_886 = arith.muli %add3A_662, %mul3A_885 : i32
      %add3A_887 = arith.constant 96 : i32
      %add3A_888 = arith.addi %mul3A_886, %add3A_887 : i32
      %get3A_889 = arith.index_cast %add3A_888 : i32 to index
      %get3A_890 = tpu.vector_load %arg14[%get3A_889] {strides = array<i32>} : memref<3200xi32, #tpu.memory_space<vmem>>, vector<16xi32>,
      %get3A_891 = arith.index_cast %add3A_888 : i32 to index
      %get3A_892 = tpu.vector_load %arg15[%get3A_891] {strides = array<i32>} : memref<3200xi32, #tpu.memory_space<vmem>>, vector<16xi32>,
      %add3A_893 = arith.addi %get3A_890, %get3A_892 : vector<16xi32>
      %gt3A_894 = arith.constant 0 : i32
      %gt3A_895 = vector.broadcast %gt3A_894 : i32 to vector<16xi32>
      %gt3A_896 = arith.cmpi sgt, %add3A_893, %gt3A_895 : vector<16xi32>
      %jit3A_897 = arith.constant 1 : i32
      %jit3A_898 = arith.constant 0 : i32
      %broadcast_in_dim3A_899 = vector.broadcast %jit3A_897 : i32 to vector<16xi32>
      %broadcast_in_dim3A_900 = vector.broadcast %jit3A_898 : i32 to vector<16xi32>
      %select_n3A_901 = arith.select %gt3A_896, %broadcast_in_dim3A_899, %broadcast_in_dim3A_900 : vector<16xi1>, vector<16xi32>
      %broadcast_in_dim3A_902 = arith.constant true
      %broadcast_in_dim3A_903 = vector.broadcast %broadcast_in_dim3A_902 : i1 to vector<16xi1>
      %masked_cumsum3A_904 = tpu.scan <sum>, %select_n3A_901 masked %broadcast_in_dim3A_903 : vector<16xi32>, vector<16xi1> -> vector<16xi32>
      %gt3A_905 = arith.constant 0 : i32
      %gt3A_906 = vector.broadcast %gt3A_905 : i32 to vector<16xi32>
      %gt3A_907 = arith.cmpi sgt, %select_n3A_901, %gt3A_906 : vector<16xi32>
      %add3A_908 = arith.addi %sub3A_15, %add3A_884 : i32
      %sub3A_909 = arith.subi %masked_cumsum3A_904, %select_n3A_901 : vector<16xi32>
      %add3A_910 = vector.broadcast %add3A_908 : i32 to vector<16xi32>
      %add3A_911 = arith.addi %add3A_910, %sub3A_909 : vector<16xi32>
      %jit3A_912 = arith.constant 0 : i32
      %broadcast_in_dim3A_913 = vector.broadcast %jit3A_912 : i32 to vector<16xi32>
      %select_n3A_914 = arith.select %gt3A_907, %add3A_911, %broadcast_in_dim3A_913 : vector<16xi1>, vector<16xi32>
      %swap3A_915 = arith.constant 96 : index
      %swap3A_916 = tpu.vector_load %arg13[%swap3A_915] {strides = array<i32>} : memref<128xi32, #tpu.memory_space<vmem>>, vector<16xi32>,
      tpu.vector_store %arg13[%swap3A_915], %select_n3A_914 {strides = array<i32>} : memref<128xi32, #tpu.memory_space<vmem>>, vector<16xi32>,
      %reduce_sum3A_917 = arith.constant true
      %reduce_sum3A_918 = vector.broadcast %reduce_sum3A_917 : i1 to vector<16xi1>
      %reduce_sum3A_919 = tpu.scan <sum>, %select_n3A_901 masked %reduce_sum3A_918 : vector<16xi32>, vector<16xi1> -> vector<16xi32>
      %reduce_sum3A_920 = vector.extract %reduce_sum3A_919[15] : i32 from vector<16xi32>
      %add3A_921 = arith.addi %add3A_884, %reduce_sum3A_920 : i32
      %mul3A_922 = arith.constant 128 : i32
      %mul3A_923 = arith.muli %add3A_662, %mul3A_922 : i32
      %add3A_924 = arith.constant 112 : i32
      %add3A_925 = arith.addi %mul3A_923, %add3A_924 : i32
      %get3A_926 = arith.index_cast %add3A_925 : i32 to index
      %get3A_927 = tpu.vector_load %arg14[%get3A_926] {strides = array<i32>} : memref<3200xi32, #tpu.memory_space<vmem>>, vector<16xi32>,
      %get3A_928 = arith.index_cast %add3A_925 : i32 to index
      %get3A_929 = tpu.vector_load %arg15[%get3A_928] {strides = array<i32>} : memref<3200xi32, #tpu.memory_space<vmem>>, vector<16xi32>,
      %add3A_930 = arith.addi %get3A_927, %get3A_929 : vector<16xi32>
      %gt3A_931 = arith.constant 0 : i32
      %gt3A_932 = vector.broadcast %gt3A_931 : i32 to vector<16xi32>
      %gt3A_933 = arith.cmpi sgt, %add3A_930, %gt3A_932 : vector<16xi32>
      %jit3A_934 = arith.constant 1 : i32
      %jit3A_935 = arith.constant 0 : i32
      %broadcast_in_dim3A_936 = vector.broadcast %jit3A_934 : i32 to vector<16xi32>
      %broadcast_in_dim3A_937 = vector.broadcast %jit3A_935 : i32 to vector<16xi32>
      %select_n3A_938 = arith.select %gt3A_933, %broadcast_in_dim3A_936, %broadcast_in_dim3A_937 : vector<16xi1>, vector<16xi32>
      %broadcast_in_dim3A_939 = arith.constant true
      %broadcast_in_dim3A_940 = vector.broadcast %broadcast_in_dim3A_939 : i1 to vector<16xi1>
      %masked_cumsum3A_941 = tpu.scan <sum>, %select_n3A_938 masked %broadcast_in_dim3A_940 : vector<16xi32>, vector<16xi1> -> vector<16xi32>
      %gt3A_942 = arith.constant 0 : i32
      %gt3A_943 = vector.broadcast %gt3A_942 : i32 to vector<16xi32>
      %gt3A_944 = arith.cmpi sgt, %select_n3A_938, %gt3A_943 : vector<16xi32>
      %add3A_945 = arith.addi %sub3A_15, %add3A_921 : i32
      %sub3A_946 = arith.subi %masked_cumsum3A_941, %select_n3A_938 : vector<16xi32>
      %add3A_947 = vector.broadcast %add3A_945 : i32 to vector<16xi32>
      %add3A_948 = arith.addi %add3A_947, %sub3A_946 : vector<16xi32>
      %jit3A_949 = arith.constant 0 : i32
      %broadcast_in_dim3A_950 = vector.broadcast %jit3A_949 : i32 to vector<16xi32>
      %select_n3A_951 = arith.select %gt3A_944, %add3A_948, %broadcast_in_dim3A_950 : vector<16xi1>, vector<16xi32>
      %swap3A_952 = arith.constant 112 : index
      %swap3A_953 = tpu.vector_load %arg13[%swap3A_952] {strides = array<i32>} : memref<128xi32, #tpu.memory_space<vmem>>, vector<16xi32>,
      tpu.vector_store %arg13[%swap3A_952], %select_n3A_951 {strides = array<i32>} : memref<128xi32, #tpu.memory_space<vmem>>, vector<16xi32>,
      %reduce_sum3A_954 = arith.constant true
      %reduce_sum3A_955 = vector.broadcast %reduce_sum3A_954 : i1 to vector<16xi1>
      %reduce_sum3A_956 = tpu.scan <sum>, %select_n3A_938 masked %reduce_sum3A_955 : vector<16xi32>, vector<16xi1> -> vector<16xi32>
      %reduce_sum3A_957 = vector.extract %reduce_sum3A_956[15] : i32 from vector<16xi32>
      %add3A_958 = arith.addi %add3A_921, %reduce_sum3A_957 : i32
      %dma_wait3A_959 = arith.constant 0 : i32
      %dma_wait3A_960 = arith.constant 0 : i32
      %dma_wait3A_961 = tpu.memref_slice %arg2[%dma_wait3A_959, %dma_wait3A_960] : memref<100000x256xf32, #tpu.memory_space<hbm>> -> memref<128x256xf32, #tpu.memory_space<hbm>>
      %dma_wait3A_962 = arith.constant 0 : i32
      %dma_wait3A_963 = arith.constant 0 : i32
      %dma_wait3A_964 = tpu.memref_slice %arg2[%dma_wait3A_962, %dma_wait3A_963] : memref<100000x256xf32, #tpu.memory_space<hbm>> -> memref<128x256xf32, #tpu.memory_space<hbm>>
      tpu.wait_dma2 semaphore(%arg19 : memref<!tpu.dma_semaphore, #tpu.memory_space<semaphore_mem>>) src(%dma_wait3A_964 : memref<128x256xf32, #tpu.memory_space<hbm>>) dst(%arg9 : memref<128x256xf32, #tpu.memory_space<vmem>>)
      %dma_start3A_965 = arith.constant 0 : i32
      %dma_start3A_966 = arith.constant 0 : i32
      %dma_start3A_967 = tpu.memref_slice %arg6[%dma_start3A_965, %dma_start3A_966] : memref<100000x256xf32, #tpu.memory_space<hbm>> -> memref<100000x256xf32, #tpu.memory_space<hbm>>
      tpu.enqueue_indirect_dma source(%arg9 : memref<128x256xf32, #tpu.memory_space<vmem>>) target(%dma_start3A_967 : memref<100000x256xf32, #tpu.memory_space<hbm>>) offsets(%arg12 : memref<128xi32, #tpu.memory_space<vmem>>) semaphore(%arg22 : memref<!tpu.dma_semaphore, #tpu.memory_space<semaphore_mem>>)
      %mul3A_968 = arith.constant 3 : i32
      %mul3A_969 = arith.muli %mul3A_968, %scan3A_314 : i32
      %add3A_970 = arith.constant 2 : i32
      %add3A_971 = arith.addi %mul3A_969, %add3A_970 : i32
      %ge3A_972 = arith.constant 2 : i32
      %ge3A_973 = arith.cmpi sge, %add3A_971, %ge3A_972 : i32
      %convert_element_type3A_974 = arith.extui %ge3A_973 : i1 to i32
      %cond3A_975 = arith.constant 0 : i32
      %cond3A_976 = arith.cmpi ne, %convert_element_type3A_974, %cond3A_975 : i32
      scf.if %cond3A_976 {
        %dma_wait3A_1294 = arith.constant 0 : i32
        %dma_wait3A_1295 = arith.constant 0 : i32
        %dma_wait3A_1296 = tpu.memref_slice %arg2[%dma_wait3A_1294, %dma_wait3A_1295] : memref<100000x256xf32, #tpu.memory_space<hbm>> -> memref<128x256xf32, #tpu.memory_space<hbm>>
        %dma_wait3A_1297 = arith.constant 0 : i32
        %dma_wait3A_1298 = arith.constant 0 : i32
        %dma_wait3A_1299 = tpu.memref_slice %arg2[%dma_wait3A_1297, %dma_wait3A_1298] : memref<100000x256xf32, #tpu.memory_space<hbm>> -> memref<128x256xf32, #tpu.memory_space<hbm>>
        tpu.wait_dma2 semaphore(%arg21 : memref<!tpu.dma_semaphore, #tpu.memory_space<semaphore_mem>>) src(%dma_wait3A_1299 : memref<128x256xf32, #tpu.memory_space<hbm>>) dst(%arg8 : memref<128x256xf32, #tpu.memory_space<vmem>>)
      } else {
      }
      %add3A_977 = arith.constant 1 : i32
      %add3A_978 = arith.addi %add3A_971, %add3A_977 : i32
      %mul3A_979 = arith.constant 128 : i32
      %mul3A_980 = arith.muli %add3A_978, %mul3A_979 : i32
      %add3A_981 = arith.addi %multiple_of3A, %mul3A_980 : i32
      %multiple_of3A_982 = tpu.assume_multiple %add3A_981, 8 : i32
      %dma_start3A_983 = arith.constant 0 : i32
      %dma_start3A_984 = tpu.memref_slice %arg2[%multiple_of3A_982, %dma_start3A_983] : memref<100000x256xf32, #tpu.memory_space<hbm>> -> memref<128x256xf32, #tpu.memory_space<hbm>>
      %dma_start3A_985 = arith.constant 0 : i32
      %dma_start3A_986 = tpu.memref_slice %arg2[%multiple_of3A_982, %dma_start3A_985] : memref<100000x256xf32, #tpu.memory_space<hbm>> -> memref<128x256xf32, #tpu.memory_space<hbm>>
      tpu.enqueue_dma source(%dma_start3A_986 : memref<128x256xf32, #tpu.memory_space<hbm>>) target(%arg8 : memref<128x256xf32, #tpu.memory_space<vmem>>) target_semaphore(%arg18 : memref<!tpu.dma_semaphore, #tpu.memory_space<semaphore_mem>>)
      %add3A_987 = arith.constant 1 : i32
      %add3A_988 = arith.addi %add3A_971, %add3A_987 : i32
      %mul3A_989 = arith.constant 128 : i32
      %mul3A_990 = arith.muli %add3A_988, %mul3A_989 : i32
      %add3A_991 = arith.constant 0 : i32
      %add3A_992 = arith.addi %mul3A_990, %add3A_991 : i32
      %get3A_993 = arith.index_cast %add3A_992 : i32 to index
      %get3A_994 = tpu.vector_load %arg14[%get3A_993] {strides = array<i32>} : memref<3200xi32, #tpu.memory_space<vmem>>, vector<16xi32>,
      %get3A_995 = arith.index_cast %add3A_992 : i32 to index
      %get3A_996 = tpu.vector_load %arg15[%get3A_995] {strides = array<i32>} : memref<3200xi32, #tpu.memory_space<vmem>>, vector<16xi32>,
      %add3A_997 = arith.addi %get3A_994, %get3A_996 : vector<16xi32>
      %gt3A_998 = arith.constant 0 : i32
      %gt3A_999 = vector.broadcast %gt3A_998 : i32 to vector<16xi32>
      %gt3A_1000 = arith.cmpi sgt, %add3A_997, %gt3A_999 : vector<16xi32>
      %jit3A_1001 = arith.constant 1 : i32
      %jit3A_1002 = arith.constant 0 : i32
      %broadcast_in_dim3A_1003 = vector.broadcast %jit3A_1001 : i32 to vector<16xi32>
      %broadcast_in_dim3A_1004 = vector.broadcast %jit3A_1002 : i32 to vector<16xi32>
      %select_n3A_1005 = arith.select %gt3A_1000, %broadcast_in_dim3A_1003, %broadcast_in_dim3A_1004 : vector<16xi1>, vector<16xi32>
      %broadcast_in_dim3A_1006 = arith.constant true
      %broadcast_in_dim3A_1007 = vector.broadcast %broadcast_in_dim3A_1006 : i1 to vector<16xi1>
      %masked_cumsum3A_1008 = tpu.scan <sum>, %select_n3A_1005 masked %broadcast_in_dim3A_1007 : vector<16xi32>, vector<16xi1> -> vector<16xi32>
      %gt3A_1009 = arith.constant 0 : i32
      %gt3A_1010 = vector.broadcast %gt3A_1009 : i32 to vector<16xi32>
      %gt3A_1011 = arith.cmpi sgt, %select_n3A_1005, %gt3A_1010 : vector<16xi32>
      %add3A_1012 = arith.addi %sub3A_15, %add3A_958 : i32
      %sub3A_1013 = arith.subi %masked_cumsum3A_1008, %select_n3A_1005 : vector<16xi32>
      %add3A_1014 = vector.broadcast %add3A_1012 : i32 to vector<16xi32>
      %add3A_1015 = arith.addi %add3A_1014, %sub3A_1013 : vector<16xi32>
      %jit3A_1016 = arith.constant 0 : i32
      %broadcast_in_dim3A_1017 = vector.broadcast %jit3A_1016 : i32 to vector<16xi32>
      %select_n3A_1018 = arith.select %gt3A_1011, %add3A_1015, %broadcast_in_dim3A_1017 : vector<16xi1>, vector<16xi32>
      %swap3A_1019 = arith.constant 0 : index
      %swap3A_1020 = tpu.vector_load %arg11[%swap3A_1019] {strides = array<i32>} : memref<128xi32, #tpu.memory_space<vmem>>, vector<16xi32>,
      tpu.vector_store %arg11[%swap3A_1019], %select_n3A_1018 {strides = array<i32>} : memref<128xi32, #tpu.memory_space<vmem>>, vector<16xi32>,
      %reduce_sum3A_1021 = arith.constant true
      %reduce_sum3A_1022 = vector.broadcast %reduce_sum3A_1021 : i1 to vector<16xi1>
      %reduce_sum3A_1023 = tpu.scan <sum>, %select_n3A_1005 masked %reduce_sum3A_1022 : vector<16xi32>, vector<16xi1> -> vector<16xi32>
      %reduce_sum3A_1024 = vector.extract %reduce_sum3A_1023[15] : i32 from vector<16xi32>
      %add3A_1025 = arith.addi %add3A_958, %reduce_sum3A_1024 : i32
      %mul3A_1026 = arith.constant 128 : i32
      %mul3A_1027 = arith.muli %add3A_988, %mul3A_1026 : i32
      %add3A_1028 = arith.constant 16 : i32
      %add3A_1029 = arith.addi %mul3A_1027, %add3A_1028 : i32
      %get3A_1030 = arith.index_cast %add3A_1029 : i32 to index
      %get3A_1031 = tpu.vector_load %arg14[%get3A_1030] {strides = array<i32>} : memref<3200xi32, #tpu.memory_space<vmem>>, vector<16xi32>,
      %get3A_1032 = arith.index_cast %add3A_1029 : i32 to index
      %get3A_1033 = tpu.vector_load %arg15[%get3A_1032] {strides = array<i32>} : memref<3200xi32, #tpu.memory_space<vmem>>, vector<16xi32>,
      %add3A_1034 = arith.addi %get3A_1031, %get3A_1033 : vector<16xi32>
      %gt3A_1035 = arith.constant 0 : i32
      %gt3A_1036 = vector.broadcast %gt3A_1035 : i32 to vector<16xi32>
      %gt3A_1037 = arith.cmpi sgt, %add3A_1034, %gt3A_1036 : vector<16xi32>
      %jit3A_1038 = arith.constant 1 : i32
      %jit3A_1039 = arith.constant 0 : i32
      %broadcast_in_dim3A_1040 = vector.broadcast %jit3A_1038 : i32 to vector<16xi32>
      %broadcast_in_dim3A_1041 = vector.broadcast %jit3A_1039 : i32 to vector<16xi32>
      %select_n3A_1042 = arith.select %gt3A_1037, %broadcast_in_dim3A_1040, %broadcast_in_dim3A_1041 : vector<16xi1>, vector<16xi32>
      %broadcast_in_dim3A_1043 = arith.constant true
      %broadcast_in_dim3A_1044 = vector.broadcast %broadcast_in_dim3A_1043 : i1 to vector<16xi1>
      %masked_cumsum3A_1045 = tpu.scan <sum>, %select_n3A_1042 masked %broadcast_in_dim3A_1044 : vector<16xi32>, vector<16xi1> -> vector<16xi32>
      %gt3A_1046 = arith.constant 0 : i32
      %gt3A_1047 = vector.broadcast %gt3A_1046 : i32 to vector<16xi32>
      %gt3A_1048 = arith.cmpi sgt, %select_n3A_1042, %gt3A_1047 : vector<16xi32>
      %add3A_1049 = arith.addi %sub3A_15, %add3A_1025 : i32
      %sub3A_1050 = arith.subi %masked_cumsum3A_1045, %select_n3A_1042 : vector<16xi32>
      %add3A_1051 = vector.broadcast %add3A_1049 : i32 to vector<16xi32>
      %add3A_1052 = arith.addi %add3A_1051, %sub3A_1050 : vector<16xi32>
      %jit3A_1053 = arith.constant 0 : i32
      %broadcast_in_dim3A_1054 = vector.broadcast %jit3A_1053 : i32 to vector<16xi32>
      %select_n3A_1055 = arith.select %gt3A_1048, %add3A_1052, %broadcast_in_dim3A_1054 : vector<16xi1>, vector<16xi32>
      %swap3A_1056 = arith.constant 16 : index
      %swap3A_1057 = tpu.vector_load %arg11[%swap3A_1056] {strides = array<i32>} : memref<128xi32, #tpu.memory_space<vmem>>, vector<16xi32>,
      tpu.vector_store %arg11[%swap3A_1056], %select_n3A_1055 {strides = array<i32>} : memref<128xi32, #tpu.memory_space<vmem>>, vector<16xi32>,
      %reduce_sum3A_1058 = arith.constant true
      %reduce_sum3A_1059 = vector.broadcast %reduce_sum3A_1058 : i1 to vector<16xi1>
      %reduce_sum3A_1060 = tpu.scan <sum>, %select_n3A_1042 masked %reduce_sum3A_1059 : vector<16xi32>, vector<16xi1> -> vector<16xi32>
      %reduce_sum3A_1061 = vector.extract %reduce_sum3A_1060[15] : i32 from vector<16xi32>
      %add3A_1062 = arith.addi %add3A_1025, %reduce_sum3A_1061 : i32
      %mul3A_1063 = arith.constant 128 : i32
      %mul3A_1064 = arith.muli %add3A_988, %mul3A_1063 : i32
      %add3A_1065 = arith.constant 32 : i32
      %add3A_1066 = arith.addi %mul3A_1064, %add3A_1065 : i32
      %get3A_1067 = arith.index_cast %add3A_1066 : i32 to index
      %get3A_1068 = tpu.vector_load %arg14[%get3A_1067] {strides = array<i32>} : memref<3200xi32, #tpu.memory_space<vmem>>, vector<16xi32>,
      %get3A_1069 = arith.index_cast %add3A_1066 : i32 to index
      %get3A_1070 = tpu.vector_load %arg15[%get3A_1069] {strides = array<i32>} : memref<3200xi32, #tpu.memory_space<vmem>>, vector<16xi32>,
      %add3A_1071 = arith.addi %get3A_1068, %get3A_1070 : vector<16xi32>
      %gt3A_1072 = arith.constant 0 : i32
      %gt3A_1073 = vector.broadcast %gt3A_1072 : i32 to vector<16xi32>
      %gt3A_1074 = arith.cmpi sgt, %add3A_1071, %gt3A_1073 : vector<16xi32>
      %jit3A_1075 = arith.constant 1 : i32
      %jit3A_1076 = arith.constant 0 : i32
      %broadcast_in_dim3A_1077 = vector.broadcast %jit3A_1075 : i32 to vector<16xi32>
      %broadcast_in_dim3A_1078 = vector.broadcast %jit3A_1076 : i32 to vector<16xi32>
      %select_n3A_1079 = arith.select %gt3A_1074, %broadcast_in_dim3A_1077, %broadcast_in_dim3A_1078 : vector<16xi1>, vector<16xi32>
      %broadcast_in_dim3A_1080 = arith.constant true
      %broadcast_in_dim3A_1081 = vector.broadcast %broadcast_in_dim3A_1080 : i1 to vector<16xi1>
      %masked_cumsum3A_1082 = tpu.scan <sum>, %select_n3A_1079 masked %broadcast_in_dim3A_1081 : vector<16xi32>, vector<16xi1> -> vector<16xi32>
      %gt3A_1083 = arith.constant 0 : i32
      %gt3A_1084 = vector.broadcast %gt3A_1083 : i32 to vector<16xi32>
      %gt3A_1085 = arith.cmpi sgt, %select_n3A_1079, %gt3A_1084 : vector<16xi32>
      %add3A_1086 = arith.addi %sub3A_15, %add3A_1062 : i32
      %sub3A_1087 = arith.subi %masked_cumsum3A_1082, %select_n3A_1079 : vector<16xi32>
      %add3A_1088 = vector.broadcast %add3A_1086 : i32 to vector<16xi32>
      %add3A_1089 = arith.addi %add3A_1088, %sub3A_1087 : vector<16xi32>
      %jit3A_1090 = arith.constant 0 : i32
      %broadcast_in_dim3A_1091 = vector.broadcast %jit3A_1090 : i32 to vector<16xi32>
      %select_n3A_1092 = arith.select %gt3A_1085, %add3A_1089, %broadcast_in_dim3A_1091 : vector<16xi1>, vector<16xi32>
      %swap3A_1093 = arith.constant 32 : index
      %swap3A_1094 = tpu.vector_load %arg11[%swap3A_1093] {strides = array<i32>} : memref<128xi32, #tpu.memory_space<vmem>>, vector<16xi32>,
      tpu.vector_store %arg11[%swap3A_1093], %select_n3A_1092 {strides = array<i32>} : memref<128xi32, #tpu.memory_space<vmem>>, vector<16xi32>,
      %reduce_sum3A_1095 = arith.constant true
      %reduce_sum3A_1096 = vector.broadcast %reduce_sum3A_1095 : i1 to vector<16xi1>
      %reduce_sum3A_1097 = tpu.scan <sum>, %select_n3A_1079 masked %reduce_sum3A_1096 : vector<16xi32>, vector<16xi1> -> vector<16xi32>
      %reduce_sum3A_1098 = vector.extract %reduce_sum3A_1097[15] : i32 from vector<16xi32>
      %add3A_1099 = arith.addi %add3A_1062, %reduce_sum3A_1098 : i32
      %mul3A_1100 = arith.constant 128 : i32
      %mul3A_1101 = arith.muli %add3A_988, %mul3A_1100 : i32
      %add3A_1102 = arith.constant 48 : i32
      %add3A_1103 = arith.addi %mul3A_1101, %add3A_1102 : i32
      %get3A_1104 = arith.index_cast %add3A_1103 : i32 to index
      %get3A_1105 = tpu.vector_load %arg14[%get3A_1104] {strides = array<i32>} : memref<3200xi32, #tpu.memory_space<vmem>>, vector<16xi32>,
      %get3A_1106 = arith.index_cast %add3A_1103 : i32 to index
      %get3A_1107 = tpu.vector_load %arg15[%get3A_1106] {strides = array<i32>} : memref<3200xi32, #tpu.memory_space<vmem>>, vector<16xi32>,
      %add3A_1108 = arith.addi %get3A_1105, %get3A_1107 : vector<16xi32>
      %gt3A_1109 = arith.constant 0 : i32
      %gt3A_1110 = vector.broadcast %gt3A_1109 : i32 to vector<16xi32>
      %gt3A_1111 = arith.cmpi sgt, %add3A_1108, %gt3A_1110 : vector<16xi32>
      %jit3A_1112 = arith.constant 1 : i32
      %jit3A_1113 = arith.constant 0 : i32
      %broadcast_in_dim3A_1114 = vector.broadcast %jit3A_1112 : i32 to vector<16xi32>
      %broadcast_in_dim3A_1115 = vector.broadcast %jit3A_1113 : i32 to vector<16xi32>
      %select_n3A_1116 = arith.select %gt3A_1111, %broadcast_in_dim3A_1114, %broadcast_in_dim3A_1115 : vector<16xi1>, vector<16xi32>
      %broadcast_in_dim3A_1117 = arith.constant true
      %broadcast_in_dim3A_1118 = vector.broadcast %broadcast_in_dim3A_1117 : i1 to vector<16xi1>
      %masked_cumsum3A_1119 = tpu.scan <sum>, %select_n3A_1116 masked %broadcast_in_dim3A_1118 : vector<16xi32>, vector<16xi1> -> vector<16xi32>
      %gt3A_1120 = arith.constant 0 : i32
      %gt3A_1121 = vector.broadcast %gt3A_1120 : i32 to vector<16xi32>
      %gt3A_1122 = arith.cmpi sgt, %select_n3A_1116, %gt3A_1121 : vector<16xi32>
      %add3A_1123 = arith.addi %sub3A_15, %add3A_1099 : i32
      %sub3A_1124 = arith.subi %masked_cumsum3A_1119, %select_n3A_1116 : vector<16xi32>
      %add3A_1125 = vector.broadcast %add3A_1123 : i32 to vector<16xi32>
      %add3A_1126 = arith.addi %add3A_1125, %sub3A_1124 : vector<16xi32>
      %jit3A_1127 = arith.constant 0 : i32
      %broadcast_in_dim3A_1128 = vector.broadcast %jit3A_1127 : i32 to vector<16xi32>
      %select_n3A_1129 = arith.select %gt3A_1122, %add3A_1126, %broadcast_in_dim3A_1128 : vector<16xi1>, vector<16xi32>
      %swap3A_1130 = arith.constant 48 : index
      %swap3A_1131 = tpu.vector_load %arg11[%swap3A_1130] {strides = array<i32>} : memref<128xi32, #tpu.memory_space<vmem>>, vector<16xi32>,
      tpu.vector_store %arg11[%swap3A_1130], %select_n3A_1129 {strides = array<i32>} : memref<128xi32, #tpu.memory_space<vmem>>, vector<16xi32>,
      %reduce_sum3A_1132 = arith.constant true
      %reduce_sum3A_1133 = vector.broadcast %reduce_sum3A_1132 : i1 to vector<16xi1>
      %reduce_sum3A_1134 = tpu.scan <sum>, %select_n3A_1116 masked %reduce_sum3A_1133 : vector<16xi32>, vector<16xi1> -> vector<16xi32>
      %reduce_sum3A_1135 = vector.extract %reduce_sum3A_1134[15] : i32 from vector<16xi32>
      %add3A_1136 = arith.addi %add3A_1099, %reduce_sum3A_1135 : i32
      %mul3A_1137 = arith.constant 128 : i32
      %mul3A_1138 = arith.muli %add3A_988, %mul3A_1137 : i32
      %add3A_1139 = arith.constant 64 : i32
      %add3A_1140 = arith.addi %mul3A_1138, %add3A_1139 : i32
      %get3A_1141 = arith.index_cast %add3A_1140 : i32 to index
      %get3A_1142 = tpu.vector_load %arg14[%get3A_1141] {strides = array<i32>} : memref<3200xi32, #tpu.memory_space<vmem>>, vector<16xi32>,
      %get3A_1143 = arith.index_cast %add3A_1140 : i32 to index
      %get3A_1144 = tpu.vector_load %arg15[%get3A_1143] {strides = array<i32>} : memref<3200xi32, #tpu.memory_space<vmem>>, vector<16xi32>,
      %add3A_1145 = arith.addi %get3A_1142, %get3A_1144 : vector<16xi32>
      %gt3A_1146 = arith.constant 0 : i32
      %gt3A_1147 = vector.broadcast %gt3A_1146 : i32 to vector<16xi32>
      %gt3A_1148 = arith.cmpi sgt, %add3A_1145, %gt3A_1147 : vector<16xi32>
      %jit3A_1149 = arith.constant 1 : i32
      %jit3A_1150 = arith.constant 0 : i32
      %broadcast_in_dim3A_1151 = vector.broadcast %jit3A_1149 : i32 to vector<16xi32>
      %broadcast_in_dim3A_1152 = vector.broadcast %jit3A_1150 : i32 to vector<16xi32>
      %select_n3A_1153 = arith.select %gt3A_1148, %broadcast_in_dim3A_1151, %broadcast_in_dim3A_1152 : vector<16xi1>, vector<16xi32>
      %broadcast_in_dim3A_1154 = arith.constant true
      %broadcast_in_dim3A_1155 = vector.broadcast %broadcast_in_dim3A_1154 : i1 to vector<16xi1>
      %masked_cumsum3A_1156 = tpu.scan <sum>, %select_n3A_1153 masked %broadcast_in_dim3A_1155 : vector<16xi32>, vector<16xi1> -> vector<16xi32>
      %gt3A_1157 = arith.constant 0 : i32
      %gt3A_1158 = vector.broadcast %gt3A_1157 : i32 to vector<16xi32>
      %gt3A_1159 = arith.cmpi sgt, %select_n3A_1153, %gt3A_1158 : vector<16xi32>
      %add3A_1160 = arith.addi %sub3A_15, %add3A_1136 : i32
      %sub3A_1161 = arith.subi %masked_cumsum3A_1156, %select_n3A_1153 : vector<16xi32>
      %add3A_1162 = vector.broadcast %add3A_1160 : i32 to vector<16xi32>
      %add3A_1163 = arith.addi %add3A_1162, %sub3A_1161 : vector<16xi32>
      %jit3A_1164 = arith.constant 0 : i32
      %broadcast_in_dim3A_1165 = vector.broadcast %jit3A_1164 : i32 to vector<16xi32>
      %select_n3A_1166 = arith.select %gt3A_1159, %add3A_1163, %broadcast_in_dim3A_1165 : vector<16xi1>, vector<16xi32>
      %swap3A_1167 = arith.constant 64 : index
      %swap3A_1168 = tpu.vector_load %arg11[%swap3A_1167] {strides = array<i32>} : memref<128xi32, #tpu.memory_space<vmem>>, vector<16xi32>,
      tpu.vector_store %arg11[%swap3A_1167], %select_n3A_1166 {strides = array<i32>} : memref<128xi32, #tpu.memory_space<vmem>>, vector<16xi32>,
      %reduce_sum3A_1169 = arith.constant true
      %reduce_sum3A_1170 = vector.broadcast %reduce_sum3A_1169 : i1 to vector<16xi1>
      %reduce_sum3A_1171 = tpu.scan <sum>, %select_n3A_1153 masked %reduce_sum3A_1170 : vector<16xi32>, vector<16xi1> -> vector<16xi32>
      %reduce_sum3A_1172 = vector.extract %reduce_sum3A_1171[15] : i32 from vector<16xi32>
      %add3A_1173 = arith.addi %add3A_1136, %reduce_sum3A_1172 : i32
      %mul3A_1174 = arith.constant 128 : i32
      %mul3A_1175 = arith.muli %add3A_988, %mul3A_1174 : i32
      %add3A_1176 = arith.constant 80 : i32
      %add3A_1177 = arith.addi %mul3A_1175, %add3A_1176 : i32
      %get3A_1178 = arith.index_cast %add3A_1177 : i32 to index
      %get3A_1179 = tpu.vector_load %arg14[%get3A_1178] {strides = array<i32>} : memref<3200xi32, #tpu.memory_space<vmem>>, vector<16xi32>,
      %get3A_1180 = arith.index_cast %add3A_1177 : i32 to index
      %get3A_1181 = tpu.vector_load %arg15[%get3A_1180] {strides = array<i32>} : memref<3200xi32, #tpu.memory_space<vmem>>, vector<16xi32>,
      %add3A_1182 = arith.addi %get3A_1179, %get3A_1181 : vector<16xi32>
      %gt3A_1183 = arith.constant 0 : i32
      %gt3A_1184 = vector.broadcast %gt3A_1183 : i32 to vector<16xi32>
      %gt3A_1185 = arith.cmpi sgt, %add3A_1182, %gt3A_1184 : vector<16xi32>
      %jit3A_1186 = arith.constant 1 : i32
      %jit3A_1187 = arith.constant 0 : i32
      %broadcast_in_dim3A_1188 = vector.broadcast %jit3A_1186 : i32 to vector<16xi32>
      %broadcast_in_dim3A_1189 = vector.broadcast %jit3A_1187 : i32 to vector<16xi32>
      %select_n3A_1190 = arith.select %gt3A_1185, %broadcast_in_dim3A_1188, %broadcast_in_dim3A_1189 : vector<16xi1>, vector<16xi32>
      %broadcast_in_dim3A_1191 = arith.constant true
      %broadcast_in_dim3A_1192 = vector.broadcast %broadcast_in_dim3A_1191 : i1 to vector<16xi1>
      %masked_cumsum3A_1193 = tpu.scan <sum>, %select_n3A_1190 masked %broadcast_in_dim3A_1192 : vector<16xi32>, vector<16xi1> -> vector<16xi32>
      %gt3A_1194 = arith.constant 0 : i32
      %gt3A_1195 = vector.broadcast %gt3A_1194 : i32 to vector<16xi32>
      %gt3A_1196 = arith.cmpi sgt, %select_n3A_1190, %gt3A_1195 : vector<16xi32>
      %add3A_1197 = arith.addi %sub3A_15, %add3A_1173 : i32
      %sub3A_1198 = arith.subi %masked_cumsum3A_1193, %select_n3A_1190 : vector<16xi32>
      %add3A_1199 = vector.broadcast %add3A_1197 : i32 to vector<16xi32>
      %add3A_1200 = arith.addi %add3A_1199, %sub3A_1198 : vector<16xi32>
      %jit3A_1201 = arith.constant 0 : i32
      %broadcast_in_dim3A_1202 = vector.broadcast %jit3A_1201 : i32 to vector<16xi32>
      %select_n3A_1203 = arith.select %gt3A_1196, %add3A_1200, %broadcast_in_dim3A_1202 : vector<16xi1>, vector<16xi32>
      %swap3A_1204 = arith.constant 80 : index
      %swap3A_1205 = tpu.vector_load %arg11[%swap3A_1204] {strides = array<i32>} : memref<128xi32, #tpu.memory_space<vmem>>, vector<16xi32>,
      tpu.vector_store %arg11[%swap3A_1204], %select_n3A_1203 {strides = array<i32>} : memref<128xi32, #tpu.memory_space<vmem>>, vector<16xi32>,
      %reduce_sum3A_1206 = arith.constant true
      %reduce_sum3A_1207 = vector.broadcast %reduce_sum3A_1206 : i1 to vector<16xi1>
      %reduce_sum3A_1208 = tpu.scan <sum>, %select_n3A_1190 masked %reduce_sum3A_1207 : vector<16xi32>, vector<16xi1> -> vector<16xi32>
      %reduce_sum3A_1209 = vector.extract %reduce_sum3A_1208[15] : i32 from vector<16xi32>
      %add3A_1210 = arith.addi %add3A_1173, %reduce_sum3A_1209 : i32
      %mul3A_1211 = arith.constant 128 : i32
      %mul3A_1212 = arith.muli %add3A_988, %mul3A_1211 : i32
      %add3A_1213 = arith.constant 96 : i32
      %add3A_1214 = arith.addi %mul3A_1212, %add3A_1213 : i32
      %get3A_1215 = arith.index_cast %add3A_1214 : i32 to index
      %get3A_1216 = tpu.vector_load %arg14[%get3A_1215] {strides = array<i32>} : memref<3200xi32, #tpu.memory_space<vmem>>, vector<16xi32>,
      %get3A_1217 = arith.index_cast %add3A_1214 : i32 to index
      %get3A_1218 = tpu.vector_load %arg15[%get3A_1217] {strides = array<i32>} : memref<3200xi32, #tpu.memory_space<vmem>>, vector<16xi32>,
      %add3A_1219 = arith.addi %get3A_1216, %get3A_1218 : vector<16xi32>
      %gt3A_1220 = arith.constant 0 : i32
      %gt3A_1221 = vector.broadcast %gt3A_1220 : i32 to vector<16xi32>
      %gt3A_1222 = arith.cmpi sgt, %add3A_1219, %gt3A_1221 : vector<16xi32>
      %jit3A_1223 = arith.constant 1 : i32
      %jit3A_1224 = arith.constant 0 : i32
      %broadcast_in_dim3A_1225 = vector.broadcast %jit3A_1223 : i32 to vector<16xi32>
      %broadcast_in_dim3A_1226 = vector.broadcast %jit3A_1224 : i32 to vector<16xi32>
      %select_n3A_1227 = arith.select %gt3A_1222, %broadcast_in_dim3A_1225, %broadcast_in_dim3A_1226 : vector<16xi1>, vector<16xi32>
      %broadcast_in_dim3A_1228 = arith.constant true
      %broadcast_in_dim3A_1229 = vector.broadcast %broadcast_in_dim3A_1228 : i1 to vector<16xi1>
      %masked_cumsum3A_1230 = tpu.scan <sum>, %select_n3A_1227 masked %broadcast_in_dim3A_1229 : vector<16xi32>, vector<16xi1> -> vector<16xi32>
      %gt3A_1231 = arith.constant 0 : i32
      %gt3A_1232 = vector.broadcast %gt3A_1231 : i32 to vector<16xi32>
      %gt3A_1233 = arith.cmpi sgt, %select_n3A_1227, %gt3A_1232 : vector<16xi32>
      %add3A_1234 = arith.addi %sub3A_15, %add3A_1210 : i32
      %sub3A_1235 = arith.subi %masked_cumsum3A_1230, %select_n3A_1227 : vector<16xi32>
      %add3A_1236 = vector.broadcast %add3A_1234 : i32 to vector<16xi32>
      %add3A_1237 = arith.addi %add3A_1236, %sub3A_1235 : vector<16xi32>
      %jit3A_1238 = arith.constant 0 : i32
      %broadcast_in_dim3A_1239 = vector.broadcast %jit3A_1238 : i32 to vector<16xi32>
      %select_n3A_1240 = arith.select %gt3A_1233, %add3A_1237, %broadcast_in_dim3A_1239 : vector<16xi1>, vector<16xi32>
      %swap3A_1241 = arith.constant 96 : index
      %swap3A_1242 = tpu.vector_load %arg11[%swap3A_1241] {strides = array<i32>} : memref<128xi32, #tpu.memory_space<vmem>>, vector<16xi32>,
      tpu.vector_store %arg11[%swap3A_1241], %select_n3A_1240 {strides = array<i32>} : memref<128xi32, #tpu.memory_space<vmem>>, vector<16xi32>,
      %reduce_sum3A_1243 = arith.constant true
      %reduce_sum3A_1244 = vector.broadcast %reduce_sum3A_1243 : i1 to vector<16xi1>
      %reduce_sum3A_1245 = tpu.scan <sum>, %select_n3A_1227 masked %reduce_sum3A_1244 : vector<16xi32>, vector<16xi1> -> vector<16xi32>
      %reduce_sum3A_1246 = vector.extract %reduce_sum3A_1245[15] : i32 from vector<16xi32>
      %add3A_1247 = arith.addi %add3A_1210, %reduce_sum3A_1246 : i32
      %mul3A_1248 = arith.constant 128 : i32
      %mul3A_1249 = arith.muli %add3A_988, %mul3A_1248 : i32
      %add3A_1250 = arith.constant 112 : i32
      %add3A_1251 = arith.addi %mul3A_1249, %add3A_1250 : i32
      %get3A_1252 = arith.index_cast %add3A_1251 : i32 to index
      %get3A_1253 = tpu.vector_load %arg14[%get3A_1252] {strides = array<i32>} : memref<3200xi32, #tpu.memory_space<vmem>>, vector<16xi32>,
      %get3A_1254 = arith.index_cast %add3A_1251 : i32 to index
      %get3A_1255 = tpu.vector_load %arg15[%get3A_1254] {strides = array<i32>} : memref<3200xi32, #tpu.memory_space<vmem>>, vector<16xi32>,
      %add3A_1256 = arith.addi %get3A_1253, %get3A_1255 : vector<16xi32>
      %gt3A_1257 = arith.constant 0 : i32
      %gt3A_1258 = vector.broadcast %gt3A_1257 : i32 to vector<16xi32>
      %gt3A_1259 = arith.cmpi sgt, %add3A_1256, %gt3A_1258 : vector<16xi32>
      %jit3A_1260 = arith.constant 1 : i32
      %jit3A_1261 = arith.constant 0 : i32
      %broadcast_in_dim3A_1262 = vector.broadcast %jit3A_1260 : i32 to vector<16xi32>
      %broadcast_in_dim3A_1263 = vector.broadcast %jit3A_1261 : i32 to vector<16xi32>
      %select_n3A_1264 = arith.select %gt3A_1259, %broadcast_in_dim3A_1262, %broadcast_in_dim3A_1263 : vector<16xi1>, vector<16xi32>
      %broadcast_in_dim3A_1265 = arith.constant true
      %broadcast_in_dim3A_1266 = vector.broadcast %broadcast_in_dim3A_1265 : i1 to vector<16xi1>
      %masked_cumsum3A_1267 = tpu.scan <sum>, %select_n3A_1264 masked %broadcast_in_dim3A_1266 : vector<16xi32>, vector<16xi1> -> vector<16xi32>
      %gt3A_1268 = arith.constant 0 : i32
      %gt3A_1269 = vector.broadcast %gt3A_1268 : i32 to vector<16xi32>
      %gt3A_1270 = arith.cmpi sgt, %select_n3A_1264, %gt3A_1269 : vector<16xi32>
      %add3A_1271 = arith.addi %sub3A_15, %add3A_1247 : i32
      %sub3A_1272 = arith.subi %masked_cumsum3A_1267, %select_n3A_1264 : vector<16xi32>
      %add3A_1273 = vector.broadcast %add3A_1271 : i32 to vector<16xi32>
      %add3A_1274 = arith.addi %add3A_1273, %sub3A_1272 : vector<16xi32>
      %jit3A_1275 = arith.constant 0 : i32
      %broadcast_in_dim3A_1276 = vector.broadcast %jit3A_1275 : i32 to vector<16xi32>
      %select_n3A_1277 = arith.select %gt3A_1270, %add3A_1274, %broadcast_in_dim3A_1276 : vector<16xi1>, vector<16xi32>
      %swap3A_1278 = arith.constant 112 : index
      %swap3A_1279 = tpu.vector_load %arg11[%swap3A_1278] {strides = array<i32>} : memref<128xi32, #tpu.memory_space<vmem>>, vector<16xi32>,
      tpu.vector_store %arg11[%swap3A_1278], %select_n3A_1277 {strides = array<i32>} : memref<128xi32, #tpu.memory_space<vmem>>, vector<16xi32>,
      %reduce_sum3A_1280 = arith.constant true
      %reduce_sum3A_1281 = vector.broadcast %reduce_sum3A_1280 : i1 to vector<16xi1>
      %reduce_sum3A_1282 = tpu.scan <sum>, %select_n3A_1264 masked %reduce_sum3A_1281 : vector<16xi32>, vector<16xi1> -> vector<16xi32>
      %reduce_sum3A_1283 = vector.extract %reduce_sum3A_1282[15] : i32 from vector<16xi32>
      %add3A_1284 = arith.addi %add3A_1247, %reduce_sum3A_1283 : i32
      %dma_wait3A_1285 = arith.constant 0 : i32
      %dma_wait3A_1286 = arith.constant 0 : i32
      %dma_wait3A_1287 = tpu.memref_slice %arg2[%dma_wait3A_1285, %dma_wait3A_1286] : memref<100000x256xf32, #tpu.memory_space<hbm>> -> memref<128x256xf32, #tpu.memory_space<hbm>>
      %dma_wait3A_1288 = arith.constant 0 : i32
      %dma_wait3A_1289 = arith.constant 0 : i32
      %dma_wait3A_1290 = tpu.memref_slice %arg2[%dma_wait3A_1288, %dma_wait3A_1289] : memref<100000x256xf32, #tpu.memory_space<hbm>> -> memref<128x256xf32, #tpu.memory_space<hbm>>
      tpu.wait_dma2 semaphore(%arg20 : memref<!tpu.dma_semaphore, #tpu.memory_space<semaphore_mem>>) src(%dma_wait3A_1290 : memref<128x256xf32, #tpu.memory_space<hbm>>) dst(%arg10 : memref<128x256xf32, #tpu.memory_space<vmem>>)
      %dma_start3A_1291 = arith.constant 0 : i32
      %dma_start3A_1292 = arith.constant 0 : i32
      %dma_start3A_1293 = tpu.memref_slice %arg6[%dma_start3A_1291, %dma_start3A_1292] : memref<100000x256xf32, #tpu.memory_space<hbm>> -> memref<100000x256xf32, #tpu.memory_space<hbm>>
      tpu.enqueue_indirect_dma source(%arg10 : memref<128x256xf32, #tpu.memory_space<vmem>>) target(%dma_start3A_1293 : memref<100000x256xf32, #tpu.memory_space<hbm>>) offsets(%arg13 : memref<128xi32, #tpu.memory_space<vmem>>) semaphore(%arg23 : memref<!tpu.dma_semaphore, #tpu.memory_space<semaphore_mem>>)
      scf.yield %add3A_1284 : i32
    }
    %scan3A_287 = arith.constant 8 : i32
    %dma_wait3A = arith.constant 0 : i32
    %dma_wait3A_288 = arith.constant 0 : i32
    %dma_wait3A_289 = tpu.memref_slice %arg2[%dma_wait3A, %dma_wait3A_288] : memref<100000x256xf32, #tpu.memory_space<hbm>> -> memref<128x256xf32, #tpu.memory_space<hbm>>
    %dma_wait3A_290 = arith.constant 0 : i32
    %dma_wait3A_291 = arith.constant 0 : i32
    %dma_wait3A_292 = tpu.memref_slice %arg2[%dma_wait3A_290, %dma_wait3A_291] : memref<100000x256xf32, #tpu.memory_space<hbm>> -> memref<128x256xf32, #tpu.memory_space<hbm>>
    tpu.wait_dma2 semaphore(%arg18 : memref<!tpu.dma_semaphore, #tpu.memory_space<semaphore_mem>>) src(%dma_wait3A_292 : memref<128x256xf32, #tpu.memory_space<hbm>>) dst(%arg8 : memref<128x256xf32, #tpu.memory_space<vmem>>)
    %dma_start3A_293 = arith.constant 0 : i32
    %dma_start3A_294 = arith.constant 0 : i32
    %dma_start3A_295 = tpu.memref_slice %arg6[%dma_start3A_293, %dma_start3A_294] : memref<100000x256xf32, #tpu.memory_space<hbm>> -> memref<100000x256xf32, #tpu.memory_space<hbm>>
    tpu.enqueue_indirect_dma source(%arg8 : memref<128x256xf32, #tpu.memory_space<vmem>>) target(%dma_start3A_295 : memref<100000x256xf32, #tpu.memory_space<hbm>>) offsets(%arg11 : memref<128xi32, #tpu.memory_space<vmem>>) semaphore(%arg21 : memref<!tpu.dma_semaphore, #tpu.memory_space<semaphore_mem>>)
    %dma_wait3A_296 = arith.constant 0 : i32
    %dma_wait3A_297 = arith.constant 0 : i32
    %dma_wait3A_298 = tpu.memref_slice %arg2[%dma_wait3A_296, %dma_wait3A_297] : memref<100000x256xf32, #tpu.memory_space<hbm>> -> memref<128x256xf32, #tpu.memory_space<hbm>>
    %dma_wait3A_299 = arith.constant 0 : i32
    %dma_wait3A_300 = arith.constant 0 : i32
    %dma_wait3A_301 = tpu.memref_slice %arg2[%dma_wait3A_299, %dma_wait3A_300] : memref<100000x256xf32, #tpu.memory_space<hbm>> -> memref<128x256xf32, #tpu.memory_space<hbm>>
    tpu.wait_dma2 semaphore(%arg22 : memref<!tpu.dma_semaphore, #tpu.memory_space<semaphore_mem>>) src(%dma_wait3A_301 : memref<128x256xf32, #tpu.memory_space<hbm>>) dst(%arg9 : memref<128x256xf32, #tpu.memory_space<vmem>>)
    %dma_wait3A_302 = arith.constant 0 : i32
    %dma_wait3A_303 = arith.constant 0 : i32
    %dma_wait3A_304 = tpu.memref_slice %arg2[%dma_wait3A_302, %dma_wait3A_303] : memref<100000x256xf32, #tpu.memory_space<hbm>> -> memref<128x256xf32, #tpu.memory_space<hbm>>
    %dma_wait3A_305 = arith.constant 0 : i32
    %dma_wait3A_306 = arith.constant 0 : i32
    %dma_wait3A_307 = tpu.memref_slice %arg2[%dma_wait3A_305, %dma_wait3A_306] : memref<100000x256xf32, #tpu.memory_space<hbm>> -> memref<128x256xf32, #tpu.memory_space<hbm>>
    tpu.wait_dma2 semaphore(%arg23 : memref<!tpu.dma_semaphore, #tpu.memory_space<semaphore_mem>>) src(%dma_wait3A_307 : memref<128x256xf32, #tpu.memory_space<hbm>>) dst(%arg10 : memref<128x256xf32, #tpu.memory_space<vmem>>)
    %dma_wait3A_308 = arith.constant 0 : i32
    %dma_wait3A_309 = arith.constant 0 : i32
    %dma_wait3A_310 = tpu.memref_slice %arg2[%dma_wait3A_308, %dma_wait3A_309] : memref<100000x256xf32, #tpu.memory_space<hbm>> -> memref<128x256xf32, #tpu.memory_space<hbm>>
    %dma_wait3A_311 = arith.constant 0 : i32
    %dma_wait3A_312 = arith.constant 0 : i32
    %dma_wait3A_313 = tpu.memref_slice %arg2[%dma_wait3A_311, %dma_wait3A_312] : memref<100000x256xf32, #tpu.memory_space<hbm>> -> memref<128x256xf32, #tpu.memory_space<hbm>>
    tpu.wait_dma2 semaphore(%arg21 : memref<!tpu.dma_semaphore, #tpu.memory_space<semaphore_mem>>) src(%dma_wait3A_313 : memref<128x256xf32, #tpu.memory_space<hbm>>) dst(%arg8 : memref<128x256xf32, #tpu.memory_space<vmem>>)
    return
  }
}

module attributes {stable_mosaic.version = 14 : i64} {
  func.func @_k4_body(%arg0: memref<1xi32, #tpu.memory_space<smem>>, %arg1: memref<100000x256xf32, #tpu.memory_space<any>>, %arg2: memref<100000x256xf32, #tpu.memory_space<any>>, %arg3: memref<8x256xf32, #tpu.memory_space<vmem>>, %arg4: memref<!tpu.dma_semaphore, #tpu.memory_space<semaphore_mem>>) attributes {dimension_semantics = [], scalar_prefetch = 0 : i64, scratch_operands = 2 : i64, tpu.core_type = #tpu.core_type<tc>} {
    %broadcast_in_dim3A = arith.constant 0.000000e+00 : f32
    %broadcast_in_dim3A_0 = vector.broadcast %broadcast_in_dim3A : f32 to vector<8x256xf32>
    %swap3A = arith.constant 0 : index
    %swap3A_1 = arith.constant 0 : index
    %swap3A_2 = vector.load %arg3[%swap3A, %swap3A_1] : memref<8x256xf32, #tpu.memory_space<vmem>>, vector<8x256xf32>
    tpu.vector_store %arg3[%swap3A, %swap3A_1], %broadcast_in_dim3A_0 {strides = array<i32>} : memref<8x256xf32, #tpu.memory_space<vmem>>, vector<8x256xf32>,
    %get3A = arith.constant 0 : index
    %get3A_3 = memref.load %arg0[%get3A] : memref<1xi32, #tpu.memory_space<smem>>
    %jit3A = arith.constant 8 : i32
    %div3A = arith.divsi %get3A_3, %jit3A : i32
    %sign3A = arith.constant 0 : i32
    %sign3A_4 = arith.cmpi sgt, %get3A_3, %sign3A : i32
    %sign3A_5 = arith.extui %sign3A_4 : i1 to i32
    %sign3A_6 = arith.constant 0 : i32
    %sign3A_7 = arith.cmpi slt, %get3A_3, %sign3A_6 : i32
    %sign3A_8 = arith.extui %sign3A_7 : i1 to i32
    %sign3A_9 = arith.subi %sign3A_5, %sign3A_8 : i32
    %sign3A_10 = arith.constant 0 : i32
    %sign3A_11 = arith.cmpi sgt, %jit3A, %sign3A_10 : i32
    %sign3A_12 = arith.extui %sign3A_11 : i1 to i32
    %sign3A_13 = arith.constant 0 : i32
    %sign3A_14 = arith.cmpi slt, %jit3A, %sign3A_13 : i32
    %sign3A_15 = arith.extui %sign3A_14 : i1 to i32
    %sign3A_16 = arith.subi %sign3A_12, %sign3A_15 : i32
    %ne3A = arith.cmpi ne, %sign3A_9, %sign3A_16 : i32
    %rem3A = arith.remsi %get3A_3, %jit3A : i32
    %ne3A_17 = arith.constant 0 : i32
    %ne3A_18 = arith.cmpi ne, %rem3A, %ne3A_17 : i32
    %and3A = arith.andi %ne3A, %ne3A_18 : i1
    %sub3A = arith.constant 1 : i32
    %sub3A_19 = arith.subi %div3A, %sub3A : i32
    %select_n3A = arith.select %and3A, %sub3A_19, %div3A : i32
    %while3A = arith.constant 0 : i32
    %while3A_20 = arith.constant 0 : i32
    %while3A_21 = arith.subi %select_n3A, %while3A : i32
    %while3A_22 = arith.addi %while3A, %while3A_21 : i32
    %while3A_23 = arith.constant 1 : i32
    %while3A_24 = arith.divsi %while3A_21, %while3A_23 : i32
    %while3A_25 = arith.muli %while3A_24, %while3A_23 : i32
    %while3A_26 = arith.addi %while3A, %while3A_25 : i32
    %while3A_27 = arith.constant 1 : i32
    %while3A_28 = scf.for %while3A_45 = %while3A to %while3A_26 step %while3A_27 iter_args(%while3A_46 = %while3A_20) -> (i32)  : i32 {
      %mul3A_47 = arith.constant 8 : i32
      %mul3A_48 = arith.muli %while3A_45, %mul3A_47 : i32
      %dma_start3A = arith.constant 0 : i32
      %dma_start3A_49 = tpu.memref_slice %arg2[%mul3A_48, %dma_start3A] : memref<100000x256xf32, #tpu.memory_space<any>> -> memref<8x256xf32, #tpu.memory_space<any>>
      tpu.enqueue_dma source(%arg3 : memref<8x256xf32, #tpu.memory_space<vmem>>) target(%dma_start3A_49 : memref<8x256xf32, #tpu.memory_space<any>>) target_semaphore(%arg4 : memref<!tpu.dma_semaphore, #tpu.memory_space<semaphore_mem>>)
      %dma_wait3A = arith.constant 0 : i32
      %dma_wait3A_50 = tpu.memref_slice %arg2[%mul3A_48, %dma_wait3A] : memref<100000x256xf32, #tpu.memory_space<any>> -> memref<8x256xf32, #tpu.memory_space<any>>
      tpu.wait_dma2 semaphore(%arg4 : memref<!tpu.dma_semaphore, #tpu.memory_space<semaphore_mem>>) src(%arg3 : memref<8x256xf32, #tpu.memory_space<vmem>>) dst(%dma_wait3A_50 : memref<8x256xf32, #tpu.memory_space<any>>)
      %while3A_51 = arith.constant 0 : i32
      scf.yield %while3A_51 : i32
    }
    %while3A_29 = arith.constant 1 : i32
    %while3A_30 = scf.for %while3A_45 = %while3A_26 to %while3A_22 step %while3A_29 iter_args(%while3A_46 = %while3A_28) -> (i32)  : i32 {
      %mul3A_47 = arith.constant 8 : i32
      %mul3A_48 = arith.muli %while3A_45, %mul3A_47 : i32
      %dma_start3A = arith.constant 0 : i32
      %dma_start3A_49 = tpu.memref_slice %arg2[%mul3A_48, %dma_start3A] : memref<100000x256xf32, #tpu.memory_space<any>> -> memref<8x256xf32, #tpu.memory_space<any>>
      tpu.enqueue_dma source(%arg3 : memref<8x256xf32, #tpu.memory_space<vmem>>) target(%dma_start3A_49 : memref<8x256xf32, #tpu.memory_space<any>>) target_semaphore(%arg4 : memref<!tpu.dma_semaphore, #tpu.memory_space<semaphore_mem>>)
      %dma_wait3A = arith.constant 0 : i32
      %dma_wait3A_50 = tpu.memref_slice %arg2[%mul3A_48, %dma_wait3A] : memref<100000x256xf32, #tpu.memory_space<any>> -> memref<8x256xf32, #tpu.memory_space<any>>
      tpu.wait_dma2 semaphore(%arg4 : memref<!tpu.dma_semaphore, #tpu.memory_space<semaphore_mem>>) src(%arg3 : memref<8x256xf32, #tpu.memory_space<vmem>>) dst(%dma_wait3A_50 : memref<8x256xf32, #tpu.memory_space<any>>)
      %while3A_51 = arith.constant 0 : i32
      scf.yield %while3A_51 : i32
    }
    %mul3A = arith.constant 8 : i32
    %mul3A_31 = arith.muli %select_n3A, %mul3A : i32
    %sub3A_32 = arith.subi %get3A_3, %mul3A_31 : i32
    %while3A_33 = arith.constant 0 : i32
    %while3A_34 = arith.constant 0 : i32
    %while3A_35 = arith.subi %sub3A_32, %while3A_33 : i32
    %while3A_36 = arith.addi %while3A_33, %while3A_35 : i32
    %while3A_37 = arith.constant 1 : i32
    %while3A_38 = arith.divsi %while3A_35, %while3A_37 : i32
    %while3A_39 = arith.muli %while3A_38, %while3A_37 : i32
    %while3A_40 = arith.addi %while3A_33, %while3A_39 : i32
    %while3A_41 = arith.constant 1 : i32
    %while3A_42 = scf.for %while3A_45 = %while3A_33 to %while3A_40 step %while3A_41 iter_args(%while3A_46 = %while3A_34) -> (i32)  : i32 {
      %mul3A_47 = arith.constant 8 : i32
      %mul3A_48 = arith.muli %select_n3A, %mul3A_47 : i32
      %add3A = arith.addi %mul3A_48, %while3A_45 : i32
      %dma_start3A = arith.constant 0 : i32
      %dma_start3A_49 = tpu.memref_slice %arg2[%add3A, %dma_start3A] : memref<100000x256xf32, #tpu.memory_space<any>> -> memref<1x256xf32, #tpu.memory_space<any>>
      %dma_start3A_50 = arith.constant 0 : i32
      %dma_start3A_51 = arith.constant 0 : i32
      %dma_start3A_52 = tpu.memref_slice %arg3[%dma_start3A_50, %dma_start3A_51] : memref<8x256xf32, #tpu.memory_space<vmem>> -> memref<1x256xf32, #tpu.memory_space<vmem>>
      tpu.enqueue_dma source(%dma_start3A_52 : memref<1x256xf32, #tpu.memory_space<vmem>>) target(%dma_start3A_49 : memref<1x256xf32, #tpu.memory_space<any>>) target_semaphore(%arg4 : memref<!tpu.dma_semaphore, #tpu.memory_space<semaphore_mem>>)
      %dma_wait3A = arith.constant 0 : i32
      %dma_wait3A_53 = tpu.memref_slice %arg2[%add3A, %dma_wait3A] : memref<100000x256xf32, #tpu.memory_space<any>> -> memref<1x256xf32, #tpu.memory_space<any>>
      %dma_wait3A_54 = arith.constant 0 : i32
      %dma_wait3A_55 = arith.constant 0 : i32
      %dma_wait3A_56 = tpu.memref_slice %arg3[%dma_wait3A_54, %dma_wait3A_55] : memref<8x256xf32, #tpu.memory_space<vmem>> -> memref<1x256xf32, #tpu.memory_space<vmem>>
      tpu.wait_dma2 semaphore(%arg4 : memref<!tpu.dma_semaphore, #tpu.memory_space<semaphore_mem>>) src(%dma_wait3A_56 : memref<1x256xf32, #tpu.memory_space<vmem>>) dst(%dma_wait3A_53 : memref<1x256xf32, #tpu.memory_space<any>>)
      %while3A_57 = arith.constant 0 : i32
      scf.yield %while3A_57 : i32
    }
    %while3A_43 = arith.constant 1 : i32
    %while3A_44 = scf.for %while3A_45 = %while3A_40 to %while3A_36 step %while3A_43 iter_args(%while3A_46 = %while3A_42) -> (i32)  : i32 {
      %mul3A_47 = arith.constant 8 : i32
      %mul3A_48 = arith.muli %select_n3A, %mul3A_47 : i32
      %add3A = arith.addi %mul3A_48, %while3A_45 : i32
      %dma_start3A = arith.constant 0 : i32
      %dma_start3A_49 = tpu.memref_slice %arg2[%add3A, %dma_start3A] : memref<100000x256xf32, #tpu.memory_space<any>> -> memref<1x256xf32, #tpu.memory_space<any>>
      %dma_start3A_50 = arith.constant 0 : i32
      %dma_start3A_51 = arith.constant 0 : i32
      %dma_start3A_52 = tpu.memref_slice %arg3[%dma_start3A_50, %dma_start3A_51] : memref<8x256xf32, #tpu.memory_space<vmem>> -> memref<1x256xf32, #tpu.memory_space<vmem>>
      tpu.enqueue_dma source(%dma_start3A_52 : memref<1x256xf32, #tpu.memory_space<vmem>>) target(%dma_start3A_49 : memref<1x256xf32, #tpu.memory_space<any>>) target_semaphore(%arg4 : memref<!tpu.dma_semaphore, #tpu.memory_space<semaphore_mem>>)
      %dma_wait3A = arith.constant 0 : i32
      %dma_wait3A_53 = tpu.memref_slice %arg2[%add3A, %dma_wait3A] : memref<100000x256xf32, #tpu.memory_space<any>> -> memref<1x256xf32, #tpu.memory_space<any>>
      %dma_wait3A_54 = arith.constant 0 : i32
      %dma_wait3A_55 = arith.constant 0 : i32
      %dma_wait3A_56 = tpu.memref_slice %arg3[%dma_wait3A_54, %dma_wait3A_55] : memref<8x256xf32, #tpu.memory_space<vmem>> -> memref<1x256xf32, #tpu.memory_space<vmem>>
      tpu.wait_dma2 semaphore(%arg4 : memref<!tpu.dma_semaphore, #tpu.memory_space<semaphore_mem>>) src(%dma_wait3A_56 : memref<1x256xf32, #tpu.memory_space<vmem>>) dst(%dma_wait3A_53 : memref<1x256xf32, #tpu.memory_space<any>>)
      %while3A_57 = arith.constant 0 : i32
      scf.yield %while3A_57 : i32
    }
    return
  }
}

</mosaic_0001>

<sc_bundles>
// kernel: kernel.12.cloned.1.call-start
scs
__scs_entry_jumppad:
0x0: {  	(pc) =	sbr.rel $0x88, $3  }
0x1: {  	(tag) =	ssettag $0x0;
	lr =	simm.s32 $0x1  }
0x2: {  	[smem:$0x3F9F] =	sst lr;
	_ =	strace $0xD0000000  }
0x3: {  	_ = 	snop  }
0x4: {  	_ = 	snop  }
0x5: {  	_ = 	snop  }
0x6: {  	_ = 	snop  }
0x7: {  	_ = 	snop  }
__scs_overlays_trampoline_lowered:
0x8: {  	[smem:$0x3FAE] =	sst s0  }
0x9: {  	[smem:$0x3FAF] =	sst s1  }
0xa: {  	[smem:$0x3FB0] =	sst s2  }
0xb: {  	[smem:$0x3FB1] =	sst s3  }
0xc: {  	[smem:$0x3FB2] =	sst s4  }
0xd: {  	[smem:$0x3FB3] =	sst s5  }
0xe: {  	[smem:$0x3FB4] =	sst s6  }
0xf: {  	[smem:$0x3FB5] =	sst s7  }
0x10: {  	[smem:$0x3FB6] =	sst s8  }
0x11: {  	[smem:$0x3FB7] =	sst s9;
	s0 =	simm.s32 @!p0 $0x0  }
0x12: {  	s1 =	sld [smem:$0x3F9D];
	s0 =	simm.s32 @p0 $0x1  }
0x13: {  	[smem:$0x3FB8] =	sst s0;
	s0 =	simm.s32 @!p1 $0x0  }
0x14: {  	s2 =	sld [smem:$0x3F9C];
	s0 =	simm.s32 @p1 $0x1  }
0x15: {  	[smem:$0x3FB9] =	sst s0;
	s0 =	simm.s32 @!p2 $0x0  }
0x16: {  	s3 =	sld [smem:$0x3FDB];
	s0 =	simm.s32 @p2 $0x1  }
0x17: {  	s4 =	simm.s32 $0x1BF5;
	[smem:$0x3FBB] =	sst s0  }
0x18: {  	s0 =	sld [smem:$0x3F9E];
	_ =	swait.ge [sflag:s4], $0x0  }
0x19: {  	s7 =	sld [smem:$0x3F9F]  }
0x1a: {  	s8 =	sadd.s32 $0xFFFFE003, lr  }
0x1b: {  	s9 =	sadd.s32 $0xFFFFFEF7, lr;
	s5 =	simm.s32 $0xFFFFFFFF;
	p2 =	slt.u32 s8, $0xFFFFF086  }
0x1c: {  	p1 =	slt.u32 s9, $0xF7A;
	s5 =	simm.s32 @!p2 $0x0  }
0x1d: {  	s5 =	simm.s32 @p1 $0x1;
	p0 =	seq.s32 s7, s2  }
0x1e: {  	s7 =	smul.u32 @!p0 $0xF7A, s2;
	p2 =	seq.s32 @!p0 s5, $0x0  }
0x1f: {  	s9 =	smul.u32 $0xF7A, s1;
	s8 =	simm.s32 @!p0 $0x1BF5;
	p2 =	por !p2, p0  }
0x20: {  	[sflag:s8] =	ssyncset.s32 @!p0 $0xFFFFF086;
	s6 =	sadd.s32 @!p0 s3, s7;
	s7 =	simm.s32 @!p0 $0x108  }
0x21: {  	s3 =	sadd.s32 s3, s9;
	s6 =	sadd.s32 @!p0 $0x88, s6;
	s7 =	simm.s32 @p2 $0x1082  }
0x22: {  	[simem:s7], [sflag:s8] =	dma.local @!p0 [hbm:s6], $0xF7A  }
0x23: {  	s9 =	sor.u32 $0xD0000000, s2;
	s6 =	simm.s32 $0x108;
	_ =	swait.ge @!p0 [sflag:s8], $0x0  }
0x24: {  	s3 =	sadd.s32 $0x88, s3;
	s6 =	simm.s32 @!p1 $0x1082;
	[sflag:s4] =	ssyncset.s32 $0xFFFFF086  }
0x25: {  	[simem:s6], [sflag:s4] =	dma.local [hbm:s3], $0xF7A  }
0x26: {  	[smem:$0x3F9F] =	sst s1;
	(tag) =	ssettag s2;
	_ =	strace s9  }
0x27: {  	s1 =	sld [smem:$0x3FAF]  }
0x28: {  	s2 =	sld [smem:$0x3FB0]  }
0x29: {  	s4 =	sld [smem:$0x3FB2]  }
0x2a: {  	p0 =	seq.s32 s5, $0x0;
	s5 =	sld [smem:$0x3FB3]  }
0x2b: {  	s6 =	sld [smem:$0x3FB4]  }
0x2c: {  	s7 =	sld [smem:$0x3FB5]  }
0x2d: {  	s3 =	simm.s32 $0x108;
	s8 =	sld [smem:$0x3FB6]  }
0x2e: {  	s3 =	simm.s32 @!p0 $0x1082;
	s9 =	sld [smem:$0x3FB7]  }
0x2f: {  	lr =	sadd.s32 s0, s3;
	s0 =	sld [smem:$0x3FAE]  }
0x30: {  	s3 =	sld [smem:$0x3FB1]  }
0x31: {  	[smem:$0x3FBA] =	sst s10  }
0x32: {  	s10 =	sld [smem:$0x3FB8];
	_ =	sdelay $0x3  }
0x33: {  	p0 =	seq.s32 s10, $0x1;
	s10 =	sld [smem:$0x3FBA];
	_ =	sdelay $0x3  }
0x34: {  	[smem:$0x3FBA] =	sst s10  }
0x35: {  	s10 =	sld [smem:$0x3FB9];
	_ =	sdelay $0x3  }
0x36: {  	p1 =	seq.s32 s10, $0x1;
	s10 =	sld [smem:$0x3FBA];
	_ =	sdelay $0x3  }
0x37: {  	[smem:$0x3FBA] =	sst s10  }
0x38: {  	s10 =	sld [smem:$0x3FBB]  }
0x39: {  	_ = 	snop;
	(pc) =	sbr.ind lr, $3  }
0x3a: {  	_ = 	snop  }
0x3b: {  	_ = 	snop  }
0x3c: {  	p2 =	seq.s32 s10, $0x1;
	s10 =	sld [smem:$0x3FBA]  }
0x3d: {  	_ =	shalt  }
0x3e: {  	_ =	shalt  }
0x3f: {  	_ =	shalt  }
0x40: {  	_ =	shalt  }
0x41: {  	_ =	shalt  }
0x42: {  	_ =	shalt  }
0x43: {  	_ =	shalt  }
0x44: {  	_ =	shalt  }
0x45: {  	_ =	shalt  }
0x46: {  	_ =	shalt  }
0x47: {  	_ =	shalt  }
0x48: {  	_ =	shalt  }
0x49: {  	_ =	shalt  }
0x4a: {  	_ =	shalt  }
0x4b: {  	_ =	shalt  }
0x4c: {  	_ =	shalt  }
0x4d: {  	_ =	shalt  }
0x4e: {  	_ =	shalt  }
0x4f: {  	_ =	shalt  }
0x50: {  	_ =	shalt  }
0x51: {  	_ =	shalt  }
0x52: {  	_ =	shalt  }
0x53: {  	_ =	shalt  }
0x54: {  	_ =	shalt  }
0x55: {  	_ =	shalt  }
0x56: {  	_ =	shalt  }
0x57: {  	_ =	shalt  }
0x58: {  	_ =	shalt  }
0x59: {  	_ =	shalt  }
0x5a: {  	_ =	shalt  }
0x5b: {  	_ =	shalt  }
0x5c: {  	_ =	shalt  }
0x5d: {  	_ =	shalt  }
0x5e: {  	_ =	shalt  }
0x5f: {  	_ =	shalt  }
0x60: {  	_ =	shalt  }
0x61: {  	_ =	shalt  }
0x62: {  	_ =	shalt  }
0x63: {  	_ =	shalt  }
0x64: {  	_ =	shalt  }
0x65: {  	_ =	shalt  }
0x66: {  	_ =	shalt  }
0x67: {  	_ =	shalt  }
0x68: {  	_ =	shalt  }
0x69: {  	_ =	shalt  }
0x6a: {  	_ =	shalt  }
0x6b: {  	_ =	shalt  }
0x6c: {  	_ =	shalt  }
0x6d: {  	_ =	shalt  }
0x6e: {  	_ =	shalt  }
0x6f: {  	_ =	shalt  }
0x70: {  	_ =	shalt  }
0x71: {  	_ =	shalt  }
0x72: {  	_ =	shalt  }
0x73: {  	_ =	shalt  }
0x74: {  	_ =	shalt  }
0x75: {  	_ =	shalt  }
0x76: {  	_ =	shalt  }
0x77: {  	_ =	shalt  }
0x78: {  	_ =	shalt  }
0x79: {  	_ =	shalt  }
0x7a: {  	_ =	shalt  }
0x7b: {  	_ =	shalt  }
0x7c: {  	_ =	shalt  }
0x7d: {  	_ =	shalt  }
0x7e: {  	_ =	shalt  }
0x7f: {  	_ =	shalt  }
0x80: {  	_ =	shalt  }
0x81: {  	_ =	shalt  }
0x82: {  	_ =	shalt  }
0x83: {  	_ =	shalt  }
0x84: {  	_ =	shalt  }
0x85: {  	_ =	shalt  }
0x86: {  	_ =	shalt  }
0x87: {  	_ =	shalt  }
.Lfunc_end0:
.L_simem_size_0:
called_computation.2_lowered:
.L_overlay_start_0:
0x88: {  	s2 =	sld [smem:$0x3FD9]  }
0x89: {  	s3 =	sld [smem:$0x3FFE];
	_ =	sdelay $0x1  }
0x8a: {  	s1 =	srdreg.scid  }
0x8b: {  	s0 =	sand.u32 $0x1, s1  }
0x8c: {  	s17 =	sshll.u32 s0, $0xA;
	s2 =	sadd.s32 s3, s2  }
0x8d: {  	s2 =	sadd.s32 s2, s17  }
0x8e: {  	[smem:$0x3FC6] =	sst s2  }
0x8f: {  	_ = 	snop  }
0x90: {  	s2 =	sld [smem:$0x3FD0];
	(tm) =	ssettm $0x1  }
0x91: {  	s18 =	sld [smem:$0x3FFB];
	_ =	sdelay $0x3  }
0x92: {  	_ =	strace s18  }
0x93: {  	s3 =	sld [smem:$0x3FFC];
	_ =	sdelay $0x3  }
0x94: {  	_ =	strace s3  }
0x95: {  	s3 =	sld [smem:$0x3FFD];
	_ =	sdelay $0x3  }
0x96: {  	_ =	strace s3  }
0x97: {  	_ =	strace $0x8FFFFFFF  }
0x98: {  	s19 =	sld [smem:$0x3FDB];
	_ =	sdelay $0x1  }
0x99: {  	s4 =	simm.s32 $_scs_section_size  }
0x9a: {  	s5 =	simm.s32 $_size__tile_overlayer_lowered;
	s6 =	simm.s32 $_tile_overlayer_lowered  }
0x9b: {  	s22 =	simm.s32 $0x1BFF;
	s21 =	sshll.u32 s6, $0x1;
	s3 =	sadd.s32 s4, s19  }
0x9c: {  	s7 =	simm.s32 $0x0;
	s20 =	sshll.u32 s5, $0x1;
	s5 =	sadd.s32 s21, s3  }
0x9d: {  	[timem:s7], [sflag:s22] =	dma.local [hbm:s5], s20  }
0x9e: {  	_ =	swait.ge [sflag:s22], s20  }
0x9f: {  	s4 =	ssub.s32 $0x0, s20;
	[sflag:s22] =	ssyncset.done $0x0  }
0xa0: {  	[sflag:s22] =	ssyncadd.s32 s4;
	_ =	sdelay $0x1  }
0xa1: {  	s23 =	simm.s32 $0x1B8B  }
0xa2: {  	_ =	swait.ge [sflag:s23], $0x1  }
0xa3: {  	[sflag:s23] =	ssyncset.done $0x0  }
0xa4: {  	s25 =	simm.s32 $0x1B8E;
	s24 =	sld [smem:$0x3FFE];
	[sflag:s23] =	ssyncadd.s32 $0xFFFFFFFF  }
0xa5: {  	s26 =	simm.s32 $execute0_lowered;
	[smem:$0x3FD2] =	sst s25  }
0xa6: {  	s5 =	sshll.u32 s26, $0x1;
	_ =	strace $0x8000004C;
	[dreg:$0x1] =	wrdreg $0xFFFFFFFF  }
0xa7: {  	s28 =	simm.s32 $_size_execute0_lowered;
	s3 =	sadd.s32 s3, s5;
	[dreg:$0x0] =	wrdreg $0x0  }
0xa8: {  	s5 =	sshll.u32 s28, $0x1;
	[dreg:$0x2] =	wrdreg s3  }
0xa9: {  	[dreg:$0x3] =	wrdreg s5  }
0xaa: {  	[dreg:$0x4] =	wrdreg $0xC0  }
0xab: {  	_ =	task [dreg:s7], $0x5FFFF  }
0xac: {  	[dreg:$0x1] =	wrdreg $0xFFFFFFFF  }
0xad: {  	[dreg:$0x0] =	wrdreg $0x60  }
0xae: {  	[dreg:$0x2] =	wrdreg s2  }
0xaf: {  	[dreg:$0x3] =	wrdreg s24  }
0xb0: {  	[dreg:$0x4] =	wrdreg $0x9  }
0xb1: {  	_ =	task.clear_ibuf [dreg:s7], $0x5FFFF;
	_ =	strace $0x9000004C  }
0xb2: {  	s29 =	simm.s32 $0x9;
	_ =	strace $0x8000004E  }
0xb3: {  	_ =	swait.ge [sflag:s29], $0x1  }
0xb4: {  	[sflag:s29] =	ssyncadd.s32 $0xFFFFFFFF  }
0xb5: {  	_ =	strace $0x9000004E  }
0xb6: {  	_ =	sfence  }
0xb7: {  	s30 =	sld [smem:$0x0];
	_ =	sdelay $0x2  }
0xb8: {  	s31 =	sshll.u32 s1, $0xD;
	s1 =	sshrl.u32 s1, $0x2  }
0xb9: {  	s3 =	sand.u32 $0x4000, s31;
	s1 =	sadd.s32 s1, s30  }
0xba: {  	s0 =	sor.u32 s3, s0;
	s1 =	sshll.u32 s1, $0x11  }
0xbb: {  	s0 =	sor.u32 s1, s0  }
0xbc: {  	s0 =	sadd.s32 $0x8F2B, s0  }
0xbd: {  	[sflag:s0] =	ssyncadd.remote.s32 $0x1  }
0xbe: {  	_ =	sfence.sel $0xFFFF  }
0xbf: {  	[dreg:$0x0] =	wrdreg $0xFFFFFFFF;
	(pc) =	sbr.abs _section_cstart, $3  }
0xc0: {  	[dreg:$0x1] =	wrdreg $0xFFFFFFFF  }
0xc1: {  	_ =	task.clear_ibuf [dreg:s7], $0x2FFFF;
	_ =	strace $0x9FFFFFFF  }
0xc2: {  	(tm) =	ssettm $0x7FFFFFFF  }
0xc3: {  	_ =	shalt  }
tec
execute0_lowered:
.L_overlay_start_1:
0x0: {  	(tag) =	ssettag $0x1  }
0x1: {  	s0 =	srdreg.scid;
	s5 =	stileid.u32  }
0x2: {  	s0 =	sand.u32 $0x1, s0;
	s2 =	smul.u32 $0xC35, s5  }
0x3: {  	s1 =	smul.u32 $0xC350, s0  }
0x4: {  	s4 =	rddreg [dreg:$0x0]  }
0x5: {  	s6 =	rddreg [dreg:$0x1];
	s1 =	sadd.s32 s2, s1;
	s2 =	simm.s32 $0x0  }
0x6: {  	s11 =	simm.s32 $0x8800;
	[smem:$0x7FF] =	sst s2  }
0x7: {  	s12 =	simm.s32 $0x9000;
	_ =	strace $0x8000004D;
	[dreg:$0x4] =	wrdreg s11  }
0x8: {  	s13 =	simm.s32 $0x9800;
	[dreg:$0x5] =	wrdreg s12  }
0x9: {  	s14 =	simm.s32 $0xA000;
	[dreg:$0x6] =	wrdreg s13  }
0xa: {  	s16 =	sadd.s32 $0x1600, s6;
	[dreg:$0x7] =	wrdreg s14  }
0xb: {  	s15 =	simm.s32 $0xA800;
	[smem:$0x7F6] =	sst s16  }
0xc: {  	s17 =	simm.s32 $0xB000;
	[dreg:$0x8] =	wrdreg s15  }
0xd: {  	s18 =	simm.s32 $0xB800;
	[dreg:$0x9] =	wrdreg s17  }
0xe: {  	s19 =	simm.s32 $0xC000;
	[dreg:$0xa] =	wrdreg s18  }
0xf: {  	s20 =	simm.s32 $0xC800;
	[dreg:$0xb] =	wrdreg s19  }
0x10: {  	s22 =	simm.s32 $0xD000;
	s23 =	simm.s32 $0xD800;
	[dreg:$0xc] =	wrdreg s20  }
0x11: {  	s3 =	sshll.u32 s0, $0x4;
	s0 =	ssub.s32 $0x2, s0;
	[dreg:$0xd] =	wrdreg s22  }
0x12: {  	s25 =	simm.s32 $0xE000;
	s21 =	sshrl.u32 s0, $0x1;
	[dreg:$0xe] =	wrdreg s23  }
0x13: {  	s10 =	simm.s32 $0xF000;
	s0 =	ssub.s32 s0, s21;
	[dreg:$0xf] =	wrdreg s25  }
0x14: {  	s0 =	smax.u32 s0, $0x1;
	[dreg:$0x11] =	wrdreg s10  }
0x15: {  	s21 =	simm.s32 $0x15000;
	[smem:$0x7FB] =	sst s0  }
0x16: {  	s28 =	simm.s32 $0x5000;
	s11 =	simm.s32 $0xF800;
	[dreg:$0x1c] =	wrdreg s21  }
0x17: {  	s29 =	simm.s32 $0x5800;
	s12 =	simm.s32 $0x10800;
	[dreg:$0x12] =	wrdreg s11  }
0x18: {  	s30 =	simm.s32 $0x6000;
	s13 =	simm.s32 $0x11000;
	[dreg:$0x13] =	wrdreg s12  }
0x19: {  	s31 =	simm.s32 $0x6800;
	s14 =	simm.s32 $0x11800;
	[dreg:$0x14] =	wrdreg s13  }
0x1a: {  	s3 =	sor.u32 s5, s3;
	s15 =	simm.s32 $0x12000;
	[dreg:$0x15] =	wrdreg s14  }
0x1b: {  	s5 =	smul.u32 $0xC35, s3;
	s16 =	simm.s32 $0x12800;
	[dreg:$0x16] =	wrdreg s15  }
0x1c: {  	p0 =	sne.s32 s3, $0x0;
	s17 =	simm.s32 $0x13000;
	[dreg:$0x17] =	wrdreg s16  }
0x1d: {  	s1 =	sand.u32 $0x1FFF8, s1;
	s18 =	simm.s32 $0x13800;
	[dreg:$0x18] =	wrdreg s17  }
0x1e: {  	s1 =	smin.u32 s1, $0x17A20;
	s19 =	simm.s32 $0x14000;
	[dreg:$0x19] =	wrdreg s18  }
0x1f: {  	s5 =	sand.u32 $0x1FFF8, s5;
	s20 =	simm.s32 $0x14800;
	[dreg:$0x1a] =	wrdreg s19  }
0x20: {  	s22 =	simm.s32 $0x15800;
	s23 =	simm.s32 $0x16000;
	[dreg:$0x1b] =	wrdreg s20  }
0x21: {  	s25 =	simm.s32 $0x17000;
	s0 =	simm.s32 $0x2;
	[dreg:$0x1d] =	wrdreg s22  }
0x22: {  	s1 =	sshll.u32 s1, $0x5;
	s7 =	smin.u32 s5, $0x17A20;
	[dreg:$0x1e] =	wrdreg s23  }
0x23: {  	s14 =	simm.s32 $0x8000;
	[smem:$0x7FC] =	sst s25;
	s1 =	sadd.s32 s1, s4  }
0x24: {  	s5 =	sshrl.u32 s7, $0x3;
	s9 =	sshll.u32 s7, $0x5;
	[dreg:$0x3] =	wrdreg s1  }
0x25: {  	s8 =	sadd.s32 s5, s6;
	s5 =	sadd.s32 $0x20A00, s6;
	s6 =	sadd.s32 $0x1800, s6  }
0x26: {  	s15 =	simm.s32 $0x1;
	s4 =	sadd.s32 s4, s9;
	[smem:$0x7F7] =	sst s6  }
0x27: {  	s12 =	simm.s32 $0x4;
	s24 =	sadd.s32 $0x1A600, s8;
	[smem:$0x7FA] =	sst s4  }
0x28: {  	s13 =	simm.s32 $0x3;
	s26 =	sadd.s32 $0x1D800, s8;
	[smem:$0x7F8] =	sst s24  }
0x29: {  	s25 =	simm.s32 $0x4000;
	s8 =	simm.s32 $0xE800;
	[smem:$0x7F9] =	sst s26  }
0x2a: {  	v3 =	vlaneseq.u32;
	s7 =	simm.s32 $0x7;
	[dreg:$0x10] =	wrdreg s8;
	s24 =	simm.s32 $0x16800  }
0x2b: {  	v0 =	vimm.s32 $0x0;
	vm0 =	vmmov $0xffff;
	v2 =	vshrl.u32 v3, $0x3;
	s1 =	simm.s32 $0x10000;
	s26 =	simm.s32 $0x17800;
	[dreg:$0x1f] =	wrdreg s24  }
0x2c: {  	v1 =	vand.u32 $0x7, v3;
	v3 =	vor.u32 $0x8, v3;
	v2 =	vmul.u32 $0x8, v2;
	s6 =	simm.s32 $0x0;
	[smem:$0x7FD] =	sst s26;
	s26 =	simm.s32 $0x4800  }
.LBB2_1:
0x2d: {  	s21 =	sld [smem:$0x7F6];
	_ =	sdelay $0x1  }
0x2e: {  	[smem:$0x7F5] =	sst s6;
	s4 =	simm.s32 $0x19A80  }
0x2f: {  	[tilespmem:s4], [sflag:$0x7] =	stream.linear.gather [hbm4b:s21+s2], $0x1000, $0x38;
	[tilespmem:$0x1AB00] =	vst v63  }
0x30: {  	_ =	swait.ge [sflag:s7], $0x1000  }
0x31: {  	[sflag:s7] =	ssyncset.done $0x0  }
0x32: {  	[sflag:s7] =	ssyncadd.s32 $0xFFFFF000  }
0x33: {  	v4 =	vld [tilespmem:s4+$0x0];
	_ =	sdelay $0x4  }
0x34: {  	v4 =	vxor.u32 $0x80000000, v4  }
0x35: {  	(xrf0) =	vmax.scan.msk.u32 $0xffff, v4;
	_ =	sdelay $0x5  }
0x36: {  	v4, _, _ =	vpop (xrf0)  }
0x37: {  	s22 =	simm.s32 $0x19B00;
	(v2sf) =	vpush v4, $0xF  }
0x38: {  	s23 =	simm.s32 $0x19B80;
	v4 =	vld [tilespmem:s22+$0x0]  }
0x39: {  	v5 =	vld [tilespmem:s23+$0x0];
	_ =	sdelay $0x3  }
0x3a: {  	v4 =	vxor.u32 $0x80000000, v4  }
0x3b: {  	(xrf0) =	vmax.scan.msk.u32 $0xffff, v4;
	v4 =	vxor.u32 $0x80000000, v5  }
0x3c: {  	(xrf0) =	vmax.scan.msk.u32 $0xffff, v4;
	_ =	sdelay $0x4  }
0x3d: {  	v5, _, _ =	vpop (xrf0)  }
0x3e: {  	s24 =	simm.s32 $0x19C00;
	(v2sf) =	vpush v5, $0xF;
	v5, _, _ =	vpop (xrf0)  }
0x3f: {  	v4 =	vld [tilespmem:s24+$0x0];
	s18 =	spop (v2sf);
	(v2sf) =	vpush v5, $0xF;
	_ =	sdelay $0x4  }
0x40: {  	s11 =	simm.s32 $0x1;
	s10 =	simm.s32 $0x2;
	s6 =	simm.s32 $0x3;
	v4 =	vxor.u32 $0x80000000, v4  }
0x41: {  	s9 =	simm.s32 $0x19C80;
	s17 =	simm.s32 $0x5;
	s16 =	simm.s32 $0x0;
	(xrf0) =	vmax.scan.msk.u32 $0xffff, v4  }
0x42: {  	s8 =	simm.s32 $0x0;
	s7 =	simm.s32 $0x0;
	s4 =	simm.s32 $0x4;
	v4 =	vld [tilespmem:s9+$0x0]  }
.LBB2_2:
0x43: {  	p1 =	sne.s32 s17, $0x1F;
	s18 =	sxor.u32 $0x80000000, s18;
	p2 =	slt.u32 s16, s3  }
0x44: {  	s16 =	smov.u32 s11;
	s8 =	sadd.s32 s8, s18;
	s18 =	simm.s32 @!p2 $0x0  }
.Ltmp0:
0x45: {  	s11 =	smov.u32 s10;
	s7 =	sadd.s32 s7, s18;
	(pc) =	sbr.rel @p1 .LBB2_2-.Ltmp0, $4  }
0x46: {  	s10 =	smov.u32 s6;
	s6 =	smov.u32 s4;
	s4 =	smov.u32 s17  }
0x47: {  	v4 =	vxor.u32 $0x80000000, v4;
	v5, _, _ =	vpop (xrf0)  }
0x48: {  	s9 =	sadd.s32 $0x80, s9;
	(xrf0) =	vmax.scan.msk.u32 $0xffff, v4;
	(v2sf) =	vpush v5, $0xF;
	_ =	sdelay $0x1  }
0x49: {  	s17 =	sadd.s32 $0x1, s17;
	v4 =	vld [tilespmem:s9+$0x0];
	s18 =	spop (v2sf)  }
0x4a: {  	_ =	sdelay $0x2  }
0x4b: {  	v4 =	vxor.u32 $0x80000000, v4  }
0x4c: {  	(xrf0) =	vmax.scan.msk.u32 $0xffff, v4;
	_ =	sdelay $0x4  }
0x4d: {  	v4, _, _ =	vpop (xrf0)  }
0x4e: {  	(v2sf) =	vpush v4, $0xF;
	v4, _, _ =	vpop (xrf0)  }
0x4f: {  	(v2sf) =	vpush v4, $0xF;
	_ =	sdelay $0xb  }
0x50: {  	s20 =	sxor.u32 $0x80000000, s18;
	s9 =	spop (v2sf)  }
0x51: {  	s8 =	sadd.s32 s8, s20;
	s19 =	sxor.u32 $0x80000000, s9;
	s18 =	spop (v2sf)  }
0x52: {  	s8 =	sadd.s32 s8, s19;
	s18 =	sxor.u32 $0x80000000, s18;
	s21 =	spop (v2sf)  }
0x53: {  	s8 =	sadd.s32 s8, s18;
	s17 =	sxor.u32 $0x80000000, s21;
	s22 =	spop (v2sf)  }
0x54: {  	s8 =	sadd.s32 s8, s17;
	s21 =	sxor.u32 $0x80000000, s22  }
0x55: {  	s8 =	sadd.s32 s8, s21  }
0x56: {  	s23 =	sld [smem:$0x7F7];
	s8 =	ssub.s32 $0x186A0, s8  }
0x57: {  	v4 =	vmov @!p0 s8  }
0x58: {  	s9 =	simm.s32 @!p0 $0x0;
	s22 =	simm.s32 @!p0 $0x1AA80;
	[tilespmem:$0x1AA80] =	vst @!p0 v4  }
0x59: {  	[hbm4b:s23+s9] =	stream.linear.scatter @!p0 [tilespmem:s22], [sflag:$0x7], $0x80, $0x38;
	[tilespmem:$0x1AB00] =	vst v63  }
0x5a: {  	s9 =	simm.s32 @!p0 $0x7  }
0x5b: {  	_ =	swait.ge @!p0 [sflag:s9], $0x80  }
0x5c: {  	s23 =	sld [smem:$0x7F8]  }
0x5d: {  	[sflag:s9] =	ssyncset.done @!p0 $0x0  }
0x5e: {  	s24 =	simm.s32 $0x18180;
	[sflag:s9] =	ssyncadd.s32 @!p0 $0xFFFFFF80;
	s9 =	simm.s32 $0x0  }
0x5f: {  	[tilespmem:s24], [sflag:$0x7] =	stream.linear.gather [hbm4b:s23+s9], $0xC80, $0x38;
	[tilespmem:$0x1AB00] =	vst v63  }
0x60: {  	s24 =	simm.s32 $0x7  }
0x61: {  	_ =	swait.ge [sflag:s24], $0xC80  }
0x62: {  	s22 =	sld [smem:$0x7F9]  }
0x63: {  	[sflag:s24] =	ssyncset.done $0x0  }
0x64: {  	s23 =	simm.s32 $0x18E00;
	[sflag:s24] =	ssyncadd.s32 $0xFFFFF380  }
0x65: {  	[tilespmem:s23], [sflag:$0x7] =	stream.linear.gather [hbm4b:s22+s9], $0xC80, $0x38;
	[tilespmem:$0x1AB00] =	vst v63  }
0x66: {  	_ =	swait.ge [sflag:s24], $0xC80  }
0x67: {  	[sflag:s24] =	ssyncset.done $0x0  }
0x68: {  	[sflag:s24] =	ssyncadd.s32 $0xFFFFF380  }
0x69: {  	v4 =	vld [tilespmem:$0x18180]  }
0x6a: {  	v5 =	vld [tilespmem:$0x18E00]  }
0x6b: {  	v6 =	vld [tilespmem:$0x18190]  }
0x6c: {  	v7 =	vld [tilespmem:$0x18E10]  }
0x6d: {  	v8 =	vld [tilespmem:$0x181A0]  }
0x6e: {  	v9 =	vld [tilespmem:$0x18E20]  }
0x6f: {  	v10 =	vld [tilespmem:$0x181B0]  }
0x70: {  	v11 =	vld [tilespmem:$0x18E30]  }
0x71: {  	v12 =	vld [tilespmem:$0x181C0]  }
0x72: {  	v13 =	vld [tilespmem:$0x18E40]  }
0x73: {  	v40 =	vld [tilespmem:$0x181E0];
	v4 =	vadd.s32 v4, v5  }
0x74: {  	v5 =	vld [tilespmem:$0x181D0];
	vm7 =	vgt.s32 v4, $0x0  }
0x75: {  	v6 =	vadd.s32 v6, v7;
	v4 =	vld [tilespmem:$0x18E50];
	v14 =	vsel vm7, $0x1, v0  }
0x76: {  	v42 =	vld [tilespmem:$0x18E60];
	vm8 =	vgt.s32 v6, $0x0;
	(xrf0) =	vadd.scan.msk.s32 $0xffff, v14  }
0x77: {  	v41 =	vadd.s32 v8, v9;
	v43 =	vsel vm8, $0x1, v0  }
0x78: {  	v44 =	vadd.s32 v10, v11;
	vm5 =	vgt.s32 v41, $0x0;
	(xrf0) =	vadd.scan.msk.s32 $0xffff, v43  }
0x79: {  	v46 =	vadd.s32 v12, v13;
	vm4 =	vgt.s32 v44, $0x0;
	v45 =	vsel vm5, $0x1, v0  }
0x7a: {  	vm3 =	vgt.s32 v46, $0x0;
	v6 =	vsel vm4, $0x1, v0;
	(xrf0) =	vadd.scan.msk.s32 $0xffff, v45;
	v4 =	vadd.s32 v5, v4  }
0x7b: {  	v48 =	vld [tilespmem:$0x18E70];
	(xrf0) =	vadd.scan.msk.s32 $0xffff, v6;
	v5 =	vsel vm3, $0x1, v0;
	vm1 =	vgt.s32 v4, $0x0;
	v4 =	vadd.s32 v40, v42  }
0x7c: {  	(xrf0) =	vadd.scan.msk.s32 $0xffff, v5;
	v5 =	vsel vm1, $0x1, v0;
	vm2 =	vgt.s32 v4, $0x0;
	v4 =	vld [tilespmem:$0x181F0];
	v47, _, _ =	vpop (xrf0)  }
0x7d: {  	(xrf0) =	vadd.scan.msk.s32 $0xffff, v5;
	v5 =	vsel vm2, $0x1, v0;
	(v2sf) =	vpush v47, $0xF  }
0x7e: {  	v49, _, _ =	vpop (xrf0);
	(xrf0) =	vadd.scan.msk.s32 $0xffff, v5;
	_ =	sdelay $0x1  }
0x7f: {  	(v2sf) =	vpush v49, $0xF;
	v5, _, _ =	vpop (xrf0)  }
0x80: {  	v50, _, _ =	vpop (xrf0);
	(v2sf) =	vpush v5, $0xF;
	v4 =	vadd.s32 v4, v48  }
0x81: {  	(v2sf) =	vpush v50, $0xF;
	v51, _, _ =	vpop (xrf0)  }
0x82: {  	vm6 =	vgt.s32 v4, $0x0;
	v52, _, _ =	vpop (xrf0);
	(v2sf) =	vpush v51, $0xF  }
0x83: {  	v53 =	vsel vm6, $0x1, v0;
	(v2sf) =	vpush v52, $0xF;
	v4, _, _ =	vpop (xrf0)  }
0x84: {  	(xrf0) =	vadd.scan.msk.s32 $0xffff, v53;
	(v2sf) =	vpush v4, $0xF  }
0x85: {  	p1 =	slt.u32 s16, s3  }
0x86: {  	p2 =	slt.u32 s11, s3;
	s20 =	simm.s32 @!p1 $0x0  }
0x87: {  	p1 =	slt.u32 s10, s3;
	s7 =	sadd.s32 s7, s20;
	s19 =	simm.s32 @!p2 $0x0  }
0x88: {  	s7 =	sadd.s32 s7, s19;
	s18 =	simm.s32 @!p1 $0x0;
	p1 =	slt.u32 s6, s3  }
0x89: {  	s18 =	sadd.s32 s7, s18;
	s17 =	simm.s32 @!p1 $0x0;
	p1 =	slt.u32 s4, s3  }
0x8a: {  	s19 =	sadd.s32 s18, s17;
	s21 =	simm.s32 @!p1 $0x0;
	v11, _, _ =	vpop (xrf0)  }
0x8b: {  	s4 =	sadd.s32 s19, s21;
	s21 =	spop (v2sf);
	(v2sf) =	vpush v11, $0xF  }
0x8c: {  	s20 =	sadd.s32 s4, s8;
	v54 =	vsel vm7, $0xFFFFFFFF, v0;
	v55 =	vsel vm8, $0xFFFFFFFF, v0  }
0x8d: {  	v56 =	vsel vm5, $0xFFFFFFFF, v0;
	v57 =	vsel vm4, $0xFFFFFFFF, v0;
	v12 =	vadd.s32 s20, v54  }
0x8e: {  	v58 =	vsel vm3, $0xFFFFFFFF, v0;
	v60 =	vsel vm1, $0xFFFFFFFF, v0;
	v6 =	vadd.s32 v47, v12;
	s4 =	sadd.s32 s4, s21;
	s22 =	spop (v2sf)  }
0x8f: {  	v61 =	vsel vm2, $0xFFFFFFFF, v0;
	v8 =	vadd.s32 v55, v49;
	v6 =	vnsel vm7, $0x0, v6;
	s7 =	sadd.s32 s8, s4;
	s4 =	sadd.s32 s4, s22;
	s23 =	spop (v2sf)  }
0x90: {  	v5 =	vadd.s32 v56, v5;
	v9 =	vadd.s32 v57, v50;
	v8 =	vadd.s32 s7, v8;
	s11 =	sadd.s32 s8, s4;
	s24 =	spop (v2sf);
	s4 =	sadd.s32 s4, s23  }
0x91: {  	[tilespmem:$0x18000] =	vst v6;
	v59 =	vadd.s32 v58, v51;
	v8 =	vnsel vm8, $0x0, v8;
	v5 =	vadd.s32 s11, v5;
	s16 =	sadd.s32 s8, s4;
	s4 =	sadd.s32 s4, s24;
	s17 =	spop (v2sf)  }
0x92: {  	v62 =	vsel vm6, $0xFFFFFFFF, v0;
	v5 =	vnsel vm5, $0x0, v5;
	[tilespmem:$0x18010] =	vst v8;
	v9 =	vadd.s32 s16, v9;
	s18 =	sadd.s32 s8, s4;
	s4 =	sadd.s32 s4, s17;
	s19 =	spop (v2sf)  }
0x93: {  	[tilespmem:$0x18020] =	vst v5;
	v5 =	vadd.s32 v60, v52;
	v9 =	vnsel vm4, $0x0, v9;
	v6 =	vadd.s32 s18, v59;
	s20 =	sadd.s32 s8, s4;
	s4 =	sadd.s32 s4, s19;
	s21 =	spop (v2sf)  }
0x94: {  	v4 =	vadd.s32 v61, v4;
	v6 =	vnsel vm3, $0x0, v6;
	[tilespmem:$0x18030] =	vst v9;
	v5 =	vadd.s32 s20, v5;
	s22 =	sadd.s32 s8, s4;
	s4 =	sadd.s32 s4, s21  }
0x95: {  	v63 =	vadd.s32 v62, v11;
	v5 =	vnsel vm1, $0x0, v5;
	[tilespmem:$0x18040] =	vst v6;
	v4 =	vadd.s32 s22, v4;
	s6 =	sadd.s32 s8, s4  }
0x96: {  	s23 =	sld [smem:$0x7FA];
	v4 =	vnsel vm2, $0x0, v4;
	[tilespmem:$0x18050] =	vst v5;
	v5 =	vadd.s32 s6, v63  }
0x97: {  	s10 =	simm.s32 $0x18F00;
	s18 =	simm.s32 $0x800;
	[tilespmem:$0x18060] =	vst v4;
	v4 =	vnsel vm6, $0x0, v5  }
0x98: {  	s19 =	simm.s32 $0x1000;
	s20 =	simm.s32 $0x1800;
	s21 =	simm.s32 $0x2000;
	[tilespmem:$0x18070] =	vst v4  }
0x99: {  	[tilespmem:s9], [sflag:$0x1] =	stream.linear.gather [hbm4b:s23+s9], $0x8000, $0x38;
	[tilespmem:$0x1AB00] =	vst v63  }
0x9a: {  	s22 =	simm.s32 $0x2800;
	s23 =	simm.s32 $0x3000;
	s24 =	spop (v2sf)  }
0x9b: {  	s7 =	sadd.s32 s4, s24;
	s4 =	simm.s32 $0x18280;
	s24 =	simm.s32 $0x3800  }
.LBB2_4:
0x9c: {  	p1 =	seq.s32 s9, $0x0  }
0x9d: {  	s11 =	simm.s32 @!p1 $0x5  }
0x9e: {  	_ =	swait.ge @!p1 [sflag:s11], $0x8000  }
0x9f: {  	s6 =	rddreg [dreg:$0x3]  }
0xa0: {  	[sflag:s11] =	ssyncset.done @!p1 $0x0;
	s6 =	sadd.s32 s9, s6  }
0xa1: {  	[sflag:s11] =	ssyncadd.s32 @!p1 $0xFFFF8000;
	s17 =	sadd.s32 $0x1000, s6  }
0xa2: {  	[tilespmem:s14], [sflag:$0x2] =	stream.linear.gather [hbm4b:s17+s2], $0x8000, $0x38;
	[tilespmem:$0x1AB00] =	vst v63  }
0xa3: {  	v4 =	vld [tilespmem:s4+$0xFFFFFF80]  }
0xa4: {  	v5 =	vld [tilespmem:s10+$0xFFFFFF80];
	_ =	sdelay $0x4  }
0xa5: {  	v4 =	vadd.s32 v4, v5  }
0xa6: {  	vm1 =	vgt.s32 v4, $0x0  }
0xa7: {  	v4 =	vsel vm1, $0x1, v0  }
0xa8: {  	(xrf0) =	vadd.scan.msk.s32 $0xffff, v4;
	_ =	sdelay $0x4  }
0xa9: {  	s16 =	sadd.s32 s8, s7;
	v4 =	vsel vm1, $0xFFFFFFFF, v0  }
0xaa: {  	v4 =	vadd.s32 s16, v4;
	v5, _, _ =	vpop (xrf0)  }
0xab: {  	v4 =	vadd.s32 v5, v4  }
0xac: {  	v4 =	vnsel vm1, $0x0, v4  }
0xad: {  	(v2sf) =	vpush v5, $0xF;
	[tilespmem:$0x18080] =	vst v4  }
0xae: {  	v4 =	vld [tilespmem:s4+$0xFFFFFF90]  }
0xaf: {  	v5 =	vld [tilespmem:s10+$0xFFFFFF90];
	_ =	sdelay $0x4  }
0xb0: {  	v4 =	vadd.s32 v4, v5  }
0xb1: {  	vm1 =	vgt.s32 v4, $0x0  }
0xb2: {  	v4 =	vsel vm1, $0x1, v0  }
0xb3: {  	(xrf0) =	vadd.scan.msk.s32 $0xffff, v4;
	_ =	sdelay $0x4  }
0xb4: {  	s17 =	spop (v2sf)  }
0xb5: {  	v4 =	vsel vm1, $0xFFFFFFFF, v0;
	s16 =	sadd.s32 s7, s17;
	v5, _, _ =	vpop (xrf0)  }
0xb6: {  	s11 =	sadd.s32 s8, s16;
	v4 =	vadd.s32 v4, v5  }
0xb7: {  	v4 =	vadd.s32 s11, v4  }
0xb8: {  	v4 =	vnsel vm1, $0x0, v4  }
0xb9: {  	(v2sf) =	vpush v5, $0xF;
	[tilespmem:$0x18090] =	vst v4  }
0xba: {  	v4 =	vld [tilespmem:s4+$0xFFFFFFA0]  }
0xbb: {  	v5 =	vld [tilespmem:s10+$0xFFFFFFA0];
	_ =	sdelay $0x4  }
0xbc: {  	v4 =	vadd.s32 v4, v5  }
0xbd: {  	vm1 =	vgt.s32 v4, $0x0  }
0xbe: {  	v4 =	vsel vm1, $0x1, v0  }
0xbf: {  	(xrf0) =	vadd.scan.msk.s32 $0xffff, v4;
	_ =	sdelay $0x4  }
0xc0: {  	s17 =	spop (v2sf)  }
0xc1: {  	v4 =	vsel vm1, $0xFFFFFFFF, v0;
	s7 =	sadd.s32 s16, s17;
	v5, _, _ =	vpop (xrf0)  }
0xc2: {  	s11 =	sadd.s32 s8, s7;
	v4 =	vadd.s32 v4, v5  }
0xc3: {  	v4 =	vadd.s32 s11, v4  }
0xc4: {  	v4 =	vnsel vm1, $0x0, v4  }
0xc5: {  	(v2sf) =	vpush v5, $0xF;
	[tilespmem:$0x180A0] =	vst v4  }
0xc6: {  	v4 =	vld [tilespmem:s4+$0xFFFFFFB0]  }
0xc7: {  	v5 =	vld [tilespmem:s10+$0xFFFFFFB0];
	_ =	sdelay $0x4  }
0xc8: {  	v4 =	vadd.s32 v4, v5  }
0xc9: {  	vm1 =	vgt.s32 v4, $0x0  }
0xca: {  	v4 =	vsel vm1, $0x1, v0  }
0xcb: {  	(xrf0) =	vadd.scan.msk.s32 $0xffff, v4;
	_ =	sdelay $0x4  }
0xcc: {  	s16 =	spop (v2sf)  }
0xcd: {  	v4 =	vsel vm1, $0xFFFFFFFF, v0;
	s7 =	sadd.s32 s7, s16;
	v5, _, _ =	vpop (xrf0)  }
0xce: {  	s11 =	sadd.s32 s8, s7;
	v4 =	vadd.s32 v4, v5  }
0xcf: {  	v4 =	vadd.s32 s11, v4  }
0xd0: {  	v4 =	vnsel vm1, $0x0, v4  }
0xd1: {  	(v2sf) =	vpush v5, $0xF;
	[tilespmem:$0x180B0] =	vst v4  }
0xd2: {  	v4 =	vld [tilespmem:s4+$0xFFFFFFC0]  }
0xd3: {  	v5 =	vld [tilespmem:s10+$0xFFFFFFC0];
	_ =	sdelay $0x4  }
0xd4: {  	v4 =	vadd.s32 v4, v5  }
0xd5: {  	vm1 =	vgt.s32 v4, $0x0  }
0xd6: {  	v4 =	vsel vm1, $0x1, v0  }
0xd7: {  	(xrf0) =	vadd.scan.msk.s32 $0xffff, v4;
	_ =	sdelay $0x4  }
0xd8: {  	s17 =	spop (v2sf)  }
0xd9: {  	v4 =	vsel vm1, $0xFFFFFFFF, v0;
	s7 =	sadd.s32 s7, s17;
	v5, _, _ =	vpop (xrf0)  }
0xda: {  	s11 =	sadd.s32 s8, s7;
	v4 =	vadd.s32 v4, v5  }
0xdb: {  	v4 =	vadd.s32 s11, v4  }
0xdc: {  	v4 =	vnsel vm1, $0x0, v4  }
0xdd: {  	(v2sf) =	vpush v5, $0xF;
	[tilespmem:$0x180C0] =	vst v4  }
0xde: {  	v4 =	vld [tilespmem:s4+$0xFFFFFFD0]  }
0xdf: {  	v5 =	vld [tilespmem:s10+$0xFFFFFFD0];
	_ =	sdelay $0x4  }
0xe0: {  	v4 =	vadd.s32 v4, v5  }
0xe1: {  	vm1 =	vgt.s32 v4, $0x0  }
0xe2: {  	v4 =	vsel vm1, $0x1, v0  }
0xe3: {  	(xrf0) =	vadd.scan.msk.s32 $0xffff, v4;
	_ =	sdelay $0x4  }
0xe4: {  	s16 =	spop (v2sf)  }
0xe5: {  	v4 =	vsel vm1, $0xFFFFFFFF, v0;
	s7 =	sadd.s32 s7, s16;
	v5, _, _ =	vpop (xrf0)  }
0xe6: {  	s11 =	sadd.s32 s8, s7;
	v4 =	vadd.s32 v4, v5  }
0xe7: {  	v4 =	vadd.s32 s11, v4  }
0xe8: {  	v4 =	vnsel vm1, $0x0, v4  }
0xe9: {  	(v2sf) =	vpush v5, $0xF;
	[tilespmem:$0x180D0] =	vst v4  }
0xea: {  	v4 =	vld [tilespmem:s4+$0xFFFFFFE0]  }
0xeb: {  	v5 =	vld [tilespmem:s10+$0xFFFFFFE0];
	_ =	sdelay $0x4  }
0xec: {  	v4 =	vadd.s32 v4, v5  }
0xed: {  	vm1 =	vgt.s32 v4, $0x0  }
0xee: {  	v4 =	vsel vm1, $0x1, v0  }
0xef: {  	(xrf0) =	vadd.scan.msk.s32 $0xffff, v4;
	_ =	sdelay $0x4  }
0xf0: {  	s17 =	spop (v2sf)  }
0xf1: {  	v4 =	vsel vm1, $0xFFFFFFFF, v0;
	s7 =	sadd.s32 s7, s17;
	v5, _, _ =	vpop (xrf0)  }
0xf2: {  	s11 =	sadd.s32 s8, s7;
	v4 =	vadd.s32 v4, v5  }
0xf3: {  	v4 =	vadd.s32 s11, v4  }
0xf4: {  	v4 =	vnsel vm1, $0x0, v4  }
0xf5: {  	[tilespmem:$0x180E0] =	vst v4  }
0xf6: {  	v4 =	vld [tilespmem:s4+$0xFFFFFFF0]  }
0xf7: {  	v6 =	vld [tilespmem:s10+$0xFFFFFFF0];
	_ =	sdelay $0x4  }
0xf8: {  	v4 =	vadd.s32 v4, v6  }
0xf9: {  	vm1 =	vgt.s32 v4, $0x0  }
0xfa: {  	v4 =	vsel vm1, $0x1, v0  }
0xfb: {  	(xrf0) =	vadd.scan.msk.s32 $0xffff, v4;
	_ =	sdelay $0x1  }
0xfc: {  	(v2sf) =	vpush v5, $0xF;
	_ =	sdelay $0x3  }
0xfd: {  	v4, _, _ =	vpop (xrf0)  }
0xfe: {  	(v2sf) =	vpush v4, $0xF;
	_ =	sdelay $0x9  }
0xff: {  	s16 =	spop (v2sf)  }
0x100: {  	v5 =	vsel vm1, $0xFFFFFFFF, v0;
	s7 =	sadd.s32 s7, s16  }
0x101: {  	s11 =	sadd.s32 s8, s7;
	v4 =	vadd.s32 v5, v4  }
0x102: {  	v4 =	vadd.s32 s11, v4  }
0x103: {  	v4 =	vnsel vm1, $0x0, v4  }
0x104: {  	[tilespmem:$0x180F0] =	vst v4;
	s11 =	spop (v2sf)  }
0x105: {  	_ =	swait.ge [sflag:s15], $0x8000  }
0x106: {  	[sflag:s15] =	ssyncset.done $0x0  }
0x107: {  	[sflag:s15] =	ssyncadd.s32 $0xFFFF8000  }
0x108: {  	v4 =	vld [tilespmem:$0x18000];
	_ =	sdelay $0x4  }
0x109: {  	v5 =	vshll.u32 v4, $0x1  }
0x10a: {  	v4 =	vand.u32 $0x7, v4;
	v5 =	vand.u32 $0xFFFFFFF0, v5  }
0x10b: {  	v4 =	vor.u32 v4, v5  }
0x10c: {  	v5 =	vperm.xlane v4, v1;
	_ =	sdelay $0x1  }
0x10d: {  	v4 =	vperm.xlane v4, v3;
	v5 =	vadd.s32 v2, v5;
	_ =	sdelay $0x1  }
0x10e: {  	v4 =	vadd.s32 v2, v4;
	_ =	sdelay $0x2  }
0x10f: {  	[hbm4b:s5+s2] =	stream.indirect_vreg.scatter [tilespmem:s2], [sflag:$0x4], $0x80, v5, vm0, $0xb8;
	[tilespmem:$0x1AB00] =	vst v63  }
0x110: {  	_ = 	snop  }
0x111: {  	[hbm4b:s5+s2] =	stream.indirect_vreg.scatter [tilespmem:s18], [sflag:$0x4], $0x80, v4, vm0, $0xb8;
	[tilespmem:$0x1AB00] =	vst v63  }
0x112: {  	v4 =	vld [tilespmem:$0x18010];
	_ =	sdelay $0x4  }
0x113: {  	v5 =	vshll.u32 v4, $0x1  }
0x114: {  	v4 =	vand.u32 $0x7, v4;
	v5 =	vand.u32 $0xFFFFFFF0, v5  }
0x115: {  	v4 =	vor.u32 v4, v5  }
0x116: {  	v5 =	vperm.xlane v4, v1;
	_ =	sdelay $0x1  }
0x117: {  	v4 =	vperm.xlane v4, v3;
	v5 =	vadd.s32 v2, v5;
	_ =	sdelay $0x1  }
0x118: {  	v4 =	vadd.s32 v2, v4;
	_ =	sdelay $0x2  }
0x119: {  	[hbm4b:s5+s2] =	stream.indirect_vreg.scatter [tilespmem:s19], [sflag:$0x4], $0x80, v5, vm0, $0xb8;
	[tilespmem:$0x1AB00] =	vst v63  }
0x11a: {  	_ = 	snop  }
0x11b: {  	[hbm4b:s5+s2] =	stream.indirect_vreg.scatter [tilespmem:s20], [sflag:$0x4], $0x80, v4, vm0, $0xb8;
	[tilespmem:$0x1AB00] =	vst v63  }
0x11c: {  	v4 =	vld [tilespmem:$0x18020];
	_ =	sdelay $0x4  }
0x11d: {  	v5 =	vshll.u32 v4, $0x1  }
0x11e: {  	v4 =	vand.u32 $0x7, v4;
	v5 =	vand.u32 $0xFFFFFFF0, v5  }
0x11f: {  	v4 =	vor.u32 v4, v5  }
0x120: {  	v5 =	vperm.xlane v4, v1;
	_ =	sdelay $0x1  }
0x121: {  	v4 =	vperm.xlane v4, v3;
	v5 =	vadd.s32 v2, v5;
	_ =	sdelay $0x1  }
0x122: {  	v4 =	vadd.s32 v2, v4;
	_ =	sdelay $0x2  }
0x123: {  	[hbm4b:s5+s2] =	stream.indirect_vreg.scatter [tilespmem:s21], [sflag:$0x4], $0x80, v5, vm0, $0xb8;
	[tilespmem:$0x1AB00] =	vst v63  }
0x124: {  	_ = 	snop  }
0x125: {  	[hbm4b:s5+s2] =	stream.indirect_vreg.scatter [tilespmem:s22], [sflag:$0x4], $0x80, v4, vm0, $0xb8;
	[tilespmem:$0x1AB00] =	vst v63  }
0x126: {  	v4 =	vld [tilespmem:$0x18030];
	_ =	sdelay $0x4  }
0x127: {  	v5 =	vshll.u32 v4, $0x1  }
0x128: {  	v4 =	vand.u32 $0x7, v4;
	v5 =	vand.u32 $0xFFFFFFF0, v5  }
0x129: {  	v4 =	vor.u32 v4, v5  }
0x12a: {  	v5 =	vperm.xlane v4, v1;
	_ =	sdelay $0x1  }
0x12b: {  	v4 =	vperm.xlane v4, v3;
	v5 =	vadd.s32 v2, v5;
	_ =	sdelay $0x1  }
0x12c: {  	v4 =	vadd.s32 v2, v4;
	_ =	sdelay $0x2  }
0x12d: {  	[hbm4b:s5+s2] =	stream.indirect_vreg.scatter [tilespmem:s23], [sflag:$0x4], $0x80, v5, vm0, $0xb8;
	[tilespmem:$0x1AB00] =	vst v63  }
0x12e: {  	_ = 	snop  }
0x12f: {  	[hbm4b:s5+s2] =	stream.indirect_vreg.scatter [tilespmem:s24], [sflag:$0x4], $0x80, v4, vm0, $0xb8;
	[tilespmem:$0x1AB00] =	vst v63  }
0x130: {  	v4 =	vld [tilespmem:$0x18040];
	_ =	sdelay $0x4  }
0x131: {  	v5 =	vshll.u32 v4, $0x1  }
0x132: {  	v4 =	vand.u32 $0x7, v4;
	v5 =	vand.u32 $0xFFFFFFF0, v5  }
0x133: {  	v4 =	vor.u32 v4, v5  }
0x134: {  	v5 =	vperm.xlane v4, v1;
	_ =	sdelay $0x1  }
0x135: {  	v4 =	vperm.xlane v4, v3;
	v5 =	vadd.s32 v2, v5;
	_ =	sdelay $0x1  }
0x136: {  	v4 =	vadd.s32 v2, v4;
	_ =	sdelay $0x2  }
0x137: {  	[hbm4b:s5+s2] =	stream.indirect_vreg.scatter [tilespmem:s25], [sflag:$0x4], $0x80, v5, vm0, $0xb8;
	[tilespmem:$0x1AB00] =	vst v63  }
0x138: {  	_ = 	snop  }
0x139: {  	[hbm4b:s5+s2] =	stream.indirect_vreg.scatter [tilespmem:s26], [sflag:$0x4], $0x80, v4, vm0, $0xb8;
	[tilespmem:$0x1AB00] =	vst v63  }
0x13a: {  	v4 =	vld [tilespmem:$0x18050];
	_ =	sdelay $0x4  }
0x13b: {  	v5 =	vshll.u32 v4, $0x1  }
0x13c: {  	v4 =	vand.u32 $0x7, v4;
	v5 =	vand.u32 $0xFFFFFFF0, v5  }
0x13d: {  	v4 =	vor.u32 v4, v5  }
0x13e: {  	v5 =	vperm.xlane v4, v1;
	_ =	sdelay $0x1  }
0x13f: {  	v4 =	vperm.xlane v4, v3;
	v5 =	vadd.s32 v2, v5;
	_ =	sdelay $0x1  }
0x140: {  	v4 =	vadd.s32 v2, v4;
	_ =	sdelay $0x2  }
0x141: {  	[hbm4b:s5+s2] =	stream.indirect_vreg.scatter [tilespmem:s28], [sflag:$0x4], $0x80, v5, vm0, $0xb8;
	[tilespmem:$0x1AB00] =	vst v63  }
0x142: {  	_ = 	snop  }
0x143: {  	[hbm4b:s5+s2] =	stream.indirect_vreg.scatter [tilespmem:s29], [sflag:$0x4], $0x80, v4, vm0, $0xb8;
	[tilespmem:$0x1AB00] =	vst v63  }
0x144: {  	v4 =	vld [tilespmem:$0x18060];
	_ =	sdelay $0x4  }
0x145: {  	v5 =	vshll.u32 v4, $0x1  }
0x146: {  	v4 =	vand.u32 $0x7, v4;
	v5 =	vand.u32 $0xFFFFFFF0, v5  }
0x147: {  	v4 =	vor.u32 v4, v5  }
0x148: {  	v5 =	vperm.xlane v4, v1;
	_ =	sdelay $0x1  }
0x149: {  	v4 =	vperm.xlane v4, v3;
	v5 =	vadd.s32 v2, v5;
	_ =	sdelay $0x1  }
0x14a: {  	v4 =	vadd.s32 v2, v4;
	_ =	sdelay $0x2  }
0x14b: {  	[hbm4b:s5+s2] =	stream.indirect_vreg.scatter [tilespmem:s30], [sflag:$0x4], $0x80, v5, vm0, $0xb8;
	[tilespmem:$0x1AB00] =	vst v63  }
0x14c: {  	_ = 	snop  }
0x14d: {  	[hbm4b:s5+s2] =	stream.indirect_vreg.scatter [tilespmem:s31], [sflag:$0x4], $0x80, v4, vm0, $0xb8;
	[tilespmem:$0x1AB00] =	vst v63  }
0x14e: {  	v4 =	vld [tilespmem:$0x18070];
	_ =	sdelay $0x4  }
0x14f: {  	v5 =	vshll.u32 v4, $0x1  }
0x150: {  	v4 =	vand.u32 $0x7, v4;
	v5 =	vand.u32 $0xFFFFFFF0, v5  }
0x151: {  	v4 =	vor.u32 v4, v5  }
0x152: {  	v5 =	vperm.xlane v4, v1;
	_ =	sdelay $0x1  }
0x153: {  	v4 =	vperm.xlane v4, v3;
	v5 =	vadd.s32 v2, v5;
	_ =	sdelay $0x1  }
0x154: {  	v4 =	vadd.s32 v2, v4;
	_ =	sdelay $0x1  }
0x155: {  	s16 =	simm.s32 $0x7000  }
0x156: {  	[hbm4b:s5+s2] =	stream.indirect_vreg.scatter [tilespmem:s16], [sflag:$0x4], $0x80, v5, vm0, $0xb8;
	[tilespmem:$0x1AB00] =	vst v63  }
0x157: {  	s17 =	simm.s32 $0x7800;
	s16 =	simm.s32 @!p1 $0x6  }
0x158: {  	[hbm4b:s5+s2] =	stream.indirect_vreg.scatter [tilespmem:s17], [sflag:$0x4], $0x80, v4, vm0, $0xb8;
	[tilespmem:$0x1AB00] =	vst v63  }
0x159: {  	_ =	swait.ge @!p1 [sflag:s16], $0x8000  }
0x15a: {  	[sflag:s16] =	ssyncset.done @!p1 $0x0  }
0x15b: {  	s17 =	sadd.s32 $0x2000, s6;
	[sflag:s16] =	ssyncadd.s32 @!p1 $0xFFFF8000  }
0x15c: {  	[tilespmem:s1], [sflag:$0x3] =	stream.linear.gather [hbm4b:s17+s2], $0x8000, $0x38;
	[tilespmem:$0x1AB00] =	vst v63  }
0x15d: {  	v4 =	vld [tilespmem:s4+$0x0]  }
0x15e: {  	v5 =	vld [tilespmem:s10+$0x0];
	_ =	sdelay $0x4  }
0x15f: {  	v4 =	vadd.s32 v4, v5  }
0x160: {  	vm1 =	vgt.s32 v4, $0x0  }
0x161: {  	v4 =	vsel vm1, $0x1, v0  }
0x162: {  	(xrf0) =	vadd.scan.msk.s32 $0xffff, v4;
	_ =	sdelay $0x3  }
0x163: {  	s7 =	sadd.s32 s7, s11  }
0x164: {  	s11 =	sadd.s32 s8, s7;
	v4 =	vsel vm1, $0xFFFFFFFF, v0  }
0x165: {  	v4 =	vadd.s32 s11, v4;
	v5, _, _ =	vpop (xrf0)  }
0x166: {  	v4 =	vadd.s32 v5, v4  }
0x167: {  	v4 =	vnsel vm1, $0x0, v4  }
0x168: {  	(v2sf) =	vpush v5, $0xF;
	[tilespmem:$0x18100] =	vst v4  }
0x169: {  	v4 =	vld [tilespmem:s4+$0x10]  }
0x16a: {  	v5 =	vld [tilespmem:s10+$0x10];
	_ =	sdelay $0x4  }
0x16b: {  	v4 =	vadd.s32 v4, v5  }
0x16c: {  	vm1 =	vgt.s32 v4, $0x0  }
0x16d: {  	v4 =	vsel vm1, $0x1, v0  }
0x16e: {  	(xrf0) =	vadd.scan.msk.s32 $0xffff, v4;
	_ =	sdelay $0x4  }
0x16f: {  	s16 =	spop (v2sf)  }
0x170: {  	v4 =	vsel vm1, $0xFFFFFFFF, v0;
	s7 =	sadd.s32 s7, s16;
	v5, _, _ =	vpop (xrf0)  }
0x171: {  	s11 =	sadd.s32 s8, s7;
	v4 =	vadd.s32 v4, v5  }
0x172: {  	v4 =	vadd.s32 s11, v4  }
0x173: {  	v4 =	vnsel vm1, $0x0, v4  }
0x174: {  	(v2sf) =	vpush v5, $0xF;
	[tilespmem:$0x18110] =	vst v4  }
0x175: {  	v4 =	vld [tilespmem:s4+$0x20]  }
0x176: {  	v5 =	vld [tilespmem:s10+$0x20];
	_ =	sdelay $0x4  }
0x177: {  	v4 =	vadd.s32 v4, v5  }
0x178: {  	vm1 =	vgt.s32 v4, $0x0  }
0x179: {  	v4 =	vsel vm1, $0x1, v0  }
0x17a: {  	(xrf0) =	vadd.scan.msk.s32 $0xffff, v4;
	_ =	sdelay $0x4  }
0x17b: {  	s17 =	spop (v2sf)  }
0x17c: {  	v4 =	vsel vm1, $0xFFFFFFFF, v0;
	s7 =	sadd.s32 s7, s17;
	v5, _, _ =	vpop (xrf0)  }
0x17d: {  	s11 =	sadd.s32 s8, s7;
	v4 =	vadd.s32 v4, v5  }
0x17e: {  	v4 =	vadd.s32 s11, v4  }
0x17f: {  	v4 =	vnsel vm1, $0x0, v4  }
0x180: {  	(v2sf) =	vpush v5, $0xF;
	[tilespmem:$0x18120] =	vst v4  }
0x181: {  	v4 =	vld [tilespmem:s4+$0x30]  }
0x182: {  	v5 =	vld [tilespmem:s10+$0x30];
	_ =	sdelay $0x4  }
0x183: {  	v4 =	vadd.s32 v4, v5  }
0x184: {  	vm1 =	vgt.s32 v4, $0x0  }
0x185: {  	v4 =	vsel vm1, $0x1, v0  }
0x186: {  	(xrf0) =	vadd.scan.msk.s32 $0xffff, v4;
	_ =	sdelay $0x4  }
0x187: {  	s16 =	spop (v2sf)  }
0x188: {  	v4 =	vsel vm1, $0xFFFFFFFF, v0;
	s7 =	sadd.s32 s7, s16;
	v5, _, _ =	vpop (xrf0)  }
0x189: {  	s11 =	sadd.s32 s8, s7;
	v4 =	vadd.s32 v4, v5  }
0x18a: {  	v4 =	vadd.s32 s11, v4  }
0x18b: {  	v4 =	vnsel vm1, $0x0, v4  }
0x18c: {  	(v2sf) =	vpush v5, $0xF;
	[tilespmem:$0x18130] =	vst v4  }
0x18d: {  	v4 =	vld [tilespmem:s4+$0x40]  }
0x18e: {  	v5 =	vld [tilespmem:s10+$0x40];
	_ =	sdelay $0x4  }
0x18f: {  	v4 =	vadd.s32 v4, v5  }
0x190: {  	vm1 =	vgt.s32 v4, $0x0  }
0x191: {  	v4 =	vsel vm1, $0x1, v0  }
0x192: {  	(xrf0) =	vadd.scan.msk.s32 $0xffff, v4;
	_ =	sdelay $0x4  }
0x193: {  	s17 =	spop (v2sf)  }
0x194: {  	v4 =	vsel vm1, $0xFFFFFFFF, v0;
	s7 =	sadd.s32 s7, s17;
	v5, _, _ =	vpop (xrf0)  }
0x195: {  	s11 =	sadd.s32 s8, s7;
	v4 =	vadd.s32 v4, v5  }
0x196: {  	v4 =	vadd.s32 s11, v4  }
0x197: {  	v4 =	vnsel vm1, $0x0, v4  }
0x198: {  	(v2sf) =	vpush v5, $0xF;
	[tilespmem:$0x18140] =	vst v4  }
0x199: {  	v4 =	vld [tilespmem:s4+$0x50]  }
0x19a: {  	v5 =	vld [tilespmem:s10+$0x50];
	_ =	sdelay $0x4  }
0x19b: {  	v4 =	vadd.s32 v4, v5  }
0x19c: {  	vm1 =	vgt.s32 v4, $0x0  }
0x19d: {  	v4 =	vsel vm1, $0x1, v0  }
0x19e: {  	(xrf0) =	vadd.scan.msk.s32 $0xffff, v4;
	_ =	sdelay $0x4  }
0x19f: {  	s16 =	spop (v2sf)  }
0x1a0: {  	v4 =	vsel vm1, $0xFFFFFFFF, v0;
	s7 =	sadd.s32 s7, s16;
	v5, _, _ =	vpop (xrf0)  }
0x1a1: {  	s11 =	sadd.s32 s8, s7;
	v4 =	vadd.s32 v4, v5  }
0x1a2: {  	v4 =	vadd.s32 s11, v4  }
0x1a3: {  	v4 =	vnsel vm1, $0x0, v4  }
0x1a4: {  	(v2sf) =	vpush v5, $0xF;
	[tilespmem:$0x18150] =	vst v4  }
0x1a5: {  	v4 =	vld [tilespmem:s4+$0x60]  }
0x1a6: {  	v5 =	vld [tilespmem:s10+$0x60];
	_ =	sdelay $0x4  }
0x1a7: {  	v4 =	vadd.s32 v4, v5  }
0x1a8: {  	vm1 =	vgt.s32 v4, $0x0  }
0x1a9: {  	v4 =	vsel vm1, $0x1, v0  }
0x1aa: {  	(xrf0) =	vadd.scan.msk.s32 $0xffff, v4;
	_ =	sdelay $0x4  }
0x1ab: {  	s17 =	spop (v2sf)  }
0x1ac: {  	v4 =	vsel vm1, $0xFFFFFFFF, v0;
	s7 =	sadd.s32 s7, s17;
	v5, _, _ =	vpop (xrf0)  }
0x1ad: {  	s11 =	sadd.s32 s8, s7;
	v4 =	vadd.s32 v4, v5  }
0x1ae: {  	v4 =	vadd.s32 s11, v4  }
0x1af: {  	v4 =	vnsel vm1, $0x0, v4  }
0x1b0: {  	[tilespmem:$0x18160] =	vst v4  }
0x1b1: {  	v4 =	vld [tilespmem:s4+$0x70]  }
0x1b2: {  	v62 =	vld [tilespmem:s10+$0x70];
	_ =	sdelay $0x4  }
0x1b3: {  	v4 =	vadd.s32 v4, v62  }
0x1b4: {  	vm1 =	vgt.s32 v4, $0x0  }
0x1b5: {  	v4 =	vsel vm1, $0x1, v0  }
0x1b6: {  	(xrf0) =	vadd.scan.msk.s32 $0xffff, v4;
	_ =	sdelay $0x1  }
0x1b7: {  	(v2sf) =	vpush v5, $0xF;
	_ =	sdelay $0x3  }
0x1b8: {  	v4, _, _ =	vpop (xrf0)  }
0x1b9: {  	(v2sf) =	vpush v4, $0xF;
	_ =	sdelay $0x9  }
0x1ba: {  	s16 =	spop (v2sf)  }
0x1bb: {  	v5 =	vsel vm1, $0xFFFFFFFF, v0;
	s7 =	sadd.s32 s7, s16  }
0x1bc: {  	s11 =	sadd.s32 s8, s7;
	v4 =	vadd.s32 v5, v4  }
0x1bd: {  	v4 =	vadd.s32 s11, v4  }
0x1be: {  	v4 =	vnsel vm1, $0x0, v4  }
0x1bf: {  	[tilespmem:$0x18170] =	vst v4;
	s11 =	spop (v2sf)  }
0x1c0: {  	_ =	swait.ge [sflag:s0], $0x8000  }
0x1c1: {  	[sflag:s0] =	ssyncset.done $0x0  }
0x1c2: {  	[sflag:s0] =	ssyncadd.s32 $0xFFFF8000  }
0x1c3: {  	v4 =	vld [tilespmem:$0x18080];
	_ =	sdelay $0x4  }
0x1c4: {  	v5 =	vshll.u32 v4, $0x1  }
0x1c5: {  	v4 =	vand.u32 $0x7, v4;
	v5 =	vand.u32 $0xFFFFFFF0, v5  }
0x1c6: {  	v4 =	vor.u32 v4, v5  }
0x1c7: {  	v5 =	vperm.xlane v4, v1;
	_ =	sdelay $0x1  }
0x1c8: {  	v4 =	vperm.xlane v4, v3;
	v5 =	vadd.s32 v2, v5;
	_ =	sdelay $0x1  }
0x1c9: {  	v4 =	vadd.s32 v2, v4;
	_ =	sdelay $0x2  }
0x1ca: {  	[hbm4b:s5+s2] =	stream.indirect_vreg.scatter [tilespmem:s14], [sflag:$0x5], $0x80, v5, vm0, $0xb8;
	[tilespmem:$0x1AB00] =	vst v63  }
0x1cb: {  	s17 =	rddreg [dreg:$0x4]  }
0x1cc: {  	[hbm4b:s5+s2] =	stream.indirect_vreg.scatter [tilespmem:s17], [sflag:$0x5], $0x80, v4, vm0, $0xb8;
	[tilespmem:$0x1AB00] =	vst v63  }
0x1cd: {  	v4 =	vld [tilespmem:$0x18090];
	_ =	sdelay $0x4  }
0x1ce: {  	v5 =	vshll.u32 v4, $0x1  }
0x1cf: {  	v4 =	vand.u32 $0x7, v4;
	v5 =	vand.u32 $0xFFFFFFF0, v5  }
0x1d0: {  	v4 =	vor.u32 v4, v5  }
0x1d1: {  	v5 =	vperm.xlane v4, v1;
	_ =	sdelay $0x1  }
0x1d2: {  	v4 =	vperm.xlane v4, v3;
	v5 =	vadd.s32 v2, v5;
	_ =	sdelay $0x1  }
0x1d3: {  	v4 =	vadd.s32 v2, v4;
	_ =	sdelay $0x1  }
0x1d4: {  	s16 =	rddreg [dreg:$0x5]  }
0x1d5: {  	[hbm4b:s5+s2] =	stream.indirect_vreg.scatter [tilespmem:s16], [sflag:$0x5], $0x80, v5, vm0, $0xb8;
	[tilespmem:$0x1AB00] =	vst v63  }
0x1d6: {  	s17 =	rddreg [dreg:$0x6]  }
0x1d7: {  	[hbm4b:s5+s2] =	stream.indirect_vreg.scatter [tilespmem:s17], [sflag:$0x5], $0x80, v4, vm0, $0xb8;
	[tilespmem:$0x1AB00] =	vst v63  }
0x1d8: {  	v4 =	vld [tilespmem:$0x180A0];
	_ =	sdelay $0x4  }
0x1d9: {  	v5 =	vshll.u32 v4, $0x1  }
0x1da: {  	v4 =	vand.u32 $0x7, v4;
	v5 =	vand.u32 $0xFFFFFFF0, v5  }
0x1db: {  	v4 =	vor.u32 v4, v5  }
0x1dc: {  	v5 =	vperm.xlane v4, v1;
	_ =	sdelay $0x1  }
0x1dd: {  	v4 =	vperm.xlane v4, v3;
	v5 =	vadd.s32 v2, v5;
	_ =	sdelay $0x1  }
0x1de: {  	v4 =	vadd.s32 v2, v4;
	_ =	sdelay $0x1  }
0x1df: {  	s16 =	rddreg [dreg:$0x7]  }
0x1e0: {  	[hbm4b:s5+s2] =	stream.indirect_vreg.scatter [tilespmem:s16], [sflag:$0x5], $0x80, v5, vm0, $0xb8;
	[tilespmem:$0x1AB00] =	vst v63  }
0x1e1: {  	s17 =	rddreg [dreg:$0x8]  }
0x1e2: {  	[hbm4b:s5+s2] =	stream.indirect_vreg.scatter [tilespmem:s17], [sflag:$0x5], $0x80, v4, vm0, $0xb8;
	[tilespmem:$0x1AB00] =	vst v63  }
0x1e3: {  	v4 =	vld [tilespmem:$0x180B0];
	_ =	sdelay $0x4  }
0x1e4: {  	v5 =	vshll.u32 v4, $0x1  }
0x1e5: {  	v4 =	vand.u32 $0x7, v4;
	v5 =	vand.u32 $0xFFFFFFF0, v5  }
0x1e6: {  	v4 =	vor.u32 v4, v5  }
0x1e7: {  	v5 =	vperm.xlane v4, v1;
	_ =	sdelay $0x1  }
0x1e8: {  	v4 =	vperm.xlane v4, v3;
	v5 =	vadd.s32 v2, v5;
	_ =	sdelay $0x1  }
0x1e9: {  	v4 =	vadd.s32 v2, v4;
	_ =	sdelay $0x1  }
0x1ea: {  	s16 =	rddreg [dreg:$0x9]  }
0x1eb: {  	[hbm4b:s5+s2] =	stream.indirect_vreg.scatter [tilespmem:s16], [sflag:$0x5], $0x80, v5, vm0, $0xb8;
	[tilespmem:$0x1AB00] =	vst v63  }
0x1ec: {  	s17 =	rddreg [dreg:$0xa]  }
0x1ed: {  	[hbm4b:s5+s2] =	stream.indirect_vreg.scatter [tilespmem:s17], [sflag:$0x5], $0x80, v4, vm0, $0xb8;
	[tilespmem:$0x1AB00] =	vst v63  }
0x1ee: {  	v4 =	vld [tilespmem:$0x180C0];
	_ =	sdelay $0x4  }
0x1ef: {  	v5 =	vshll.u32 v4, $0x1  }
0x1f0: {  	v4 =	vand.u32 $0x7, v4;
	v5 =	vand.u32 $0xFFFFFFF0, v5  }
0x1f1: {  	v4 =	vor.u32 v4, v5  }
0x1f2: {  	v5 =	vperm.xlane v4, v1;
	_ =	sdelay $0x1  }
0x1f3: {  	v4 =	vperm.xlane v4, v3;
	v5 =	vadd.s32 v2, v5;
	_ =	sdelay $0x1  }
0x1f4: {  	v4 =	vadd.s32 v2, v4;
	_ =	sdelay $0x1  }
0x1f5: {  	s16 =	rddreg [dreg:$0xb]  }
0x1f6: {  	[hbm4b:s5+s2] =	stream.indirect_vreg.scatter [tilespmem:s16], [sflag:$0x5], $0x80, v5, vm0, $0xb8;
	[tilespmem:$0x1AB00] =	vst v63  }
0x1f7: {  	s17 =	rddreg [dreg:$0xc]  }
0x1f8: {  	[hbm4b:s5+s2] =	stream.indirect_vreg.scatter [tilespmem:s17], [sflag:$0x5], $0x80, v4, vm0, $0xb8;
	[tilespmem:$0x1AB00] =	vst v63  }
0x1f9: {  	v4 =	vld [tilespmem:$0x180D0];
	_ =	sdelay $0x4  }
0x1fa: {  	v5 =	vshll.u32 v4, $0x1  }
0x1fb: {  	v4 =	vand.u32 $0x7, v4;
	v5 =	vand.u32 $0xFFFFFFF0, v5  }
0x1fc: {  	v4 =	vor.u32 v4, v5  }
0x1fd: {  	v5 =	vperm.xlane v4, v1;
	_ =	sdelay $0x1  }
0x1fe: {  	v4 =	vperm.xlane v4, v3;
	v5 =	vadd.s32 v2, v5;
	_ =	sdelay $0x1  }
0x1ff: {  	v4 =	vadd.s32 v2, v4;
	_ =	sdelay $0x1  }
0x200: {  	s16 =	rddreg [dreg:$0xd]  }
0x201: {  	[hbm4b:s5+s2] =	stream.indirect_vreg.scatter [tilespmem:s16], [sflag:$0x5], $0x80, v5, vm0, $0xb8;
	[tilespmem:$0x1AB00] =	vst v63  }
0x202: {  	s17 =	rddreg [dreg:$0xe]  }
0x203: {  	[hbm4b:s5+s2] =	stream.indirect_vreg.scatter [tilespmem:s17], [sflag:$0x5], $0x80, v4, vm0, $0xb8;
	[tilespmem:$0x1AB00] =	vst v63  }
0x204: {  	v4 =	vld [tilespmem:$0x180E0];
	_ =	sdelay $0x4  }
0x205: {  	v5 =	vshll.u32 v4, $0x1  }
0x206: {  	v4 =	vand.u32 $0x7, v4;
	v5 =	vand.u32 $0xFFFFFFF0, v5  }
0x207: {  	v4 =	vor.u32 v4, v5  }
0x208: {  	v5 =	vperm.xlane v4, v1;
	_ =	sdelay $0x1  }
0x209: {  	v4 =	vperm.xlane v4, v3;
	v5 =	vadd.s32 v2, v5;
	_ =	sdelay $0x1  }
0x20a: {  	v4 =	vadd.s32 v2, v4;
	_ =	sdelay $0x1  }
0x20b: {  	s16 =	rddreg [dreg:$0xf]  }
0x20c: {  	[hbm4b:s5+s2] =	stream.indirect_vreg.scatter [tilespmem:s16], [sflag:$0x5], $0x80, v5, vm0, $0xb8;
	[tilespmem:$0x1AB00] =	vst v63  }
0x20d: {  	s17 =	rddreg [dreg:$0x10]  }
0x20e: {  	[hbm4b:s5+s2] =	stream.indirect_vreg.scatter [tilespmem:s17], [sflag:$0x5], $0x80, v4, vm0, $0xb8;
	[tilespmem:$0x1AB00] =	vst v63  }
0x20f: {  	v4 =	vld [tilespmem:$0x180F0];
	_ =	sdelay $0x4  }
0x210: {  	v5 =	vshll.u32 v4, $0x1  }
0x211: {  	v4 =	vand.u32 $0x7, v4;
	v5 =	vand.u32 $0xFFFFFFF0, v5  }
0x212: {  	v4 =	vor.u32 v4, v5  }
0x213: {  	v5 =	vperm.xlane v4, v1;
	_ =	sdelay $0x1  }
0x214: {  	v4 =	vperm.xlane v4, v3;
	v5 =	vadd.s32 v2, v5;
	_ =	sdelay $0x1  }
0x215: {  	v4 =	vadd.s32 v2, v4;
	_ =	sdelay $0x1  }
0x216: {  	s16 =	rddreg [dreg:$0x11]  }
0x217: {  	[hbm4b:s5+s2] =	stream.indirect_vreg.scatter [tilespmem:s16], [sflag:$0x5], $0x80, v5, vm0, $0xb8;
	[tilespmem:$0x1AB00] =	vst v63  }
0x218: {  	s17 =	rddreg [dreg:$0x12]  }
0x219: {  	[hbm4b:s5+s2] =	stream.indirect_vreg.scatter [tilespmem:s17], [sflag:$0x5], $0x80, v4, vm0, $0xb8;
	[tilespmem:$0x1AB00] =	vst v63  }
0x21a: {  	_ =	swait.ge [sflag:s12], $0x8000  }
0x21b: {  	[sflag:s12] =	ssyncset.done $0x0  }
0x21c: {  	s6 =	sadd.s32 $0x3000, s6;
	[sflag:s12] =	ssyncadd.s32 $0xFFFF8000  }
0x21d: {  	[tilespmem:s2], [sflag:$0x1] =	stream.linear.gather [hbm4b:s6+s2], $0x8000, $0x38;
	[tilespmem:$0x1AB00] =	vst v63  }
0x21e: {  	v4 =	vld [tilespmem:s4+$0x80]  }
0x21f: {  	v5 =	vld [tilespmem:s10+$0x80];
	_ =	sdelay $0x4  }
0x220: {  	v4 =	vadd.s32 v4, v5  }
0x221: {  	vm1 =	vgt.s32 v4, $0x0  }
0x222: {  	v4 =	vsel vm1, $0x1, v0  }
0x223: {  	(xrf0) =	vadd.scan.msk.s32 $0xffff, v4;
	_ =	sdelay $0x3  }
0x224: {  	s11 =	sadd.s32 s7, s11  }
0x225: {  	s7 =	sadd.s32 s8, s11;
	v4 =	vsel vm1, $0xFFFFFFFF, v0  }
0x226: {  	v4 =	vadd.s32 s7, v4;
	v5, _, _ =	vpop (xrf0)  }
0x227: {  	v4 =	vadd.s32 v5, v4  }
0x228: {  	v4 =	vnsel vm1, $0x0, v4  }
0x229: {  	(v2sf) =	vpush v5, $0xF;
	[tilespmem:$0x18000] =	vst v4  }
0x22a: {  	v4 =	vld [tilespmem:s4+$0x90]  }
0x22b: {  	v5 =	vld [tilespmem:s10+$0x90];
	_ =	sdelay $0x4  }
0x22c: {  	v4 =	vadd.s32 v4, v5  }
0x22d: {  	vm1 =	vgt.s32 v4, $0x0  }
0x22e: {  	v4 =	vsel vm1, $0x1, v0  }
0x22f: {  	(xrf0) =	vadd.scan.msk.s32 $0xffff, v4;
	_ =	sdelay $0x4  }
0x230: {  	s16 =	spop (v2sf)  }
0x231: {  	v4 =	vsel vm1, $0xFFFFFFFF, v0;
	s6 =	sadd.s32 s11, s16;
	v5, _, _ =	vpop (xrf0)  }
0x232: {  	s7 =	sadd.s32 s8, s6;
	v4 =	vadd.s32 v4, v5  }
0x233: {  	v4 =	vadd.s32 s7, v4  }
0x234: {  	v4 =	vnsel vm1, $0x0, v4  }
0x235: {  	(v2sf) =	vpush v5, $0xF;
	[tilespmem:$0x18010] =	vst v4  }
0x236: {  	v4 =	vld [tilespmem:s4+$0xA0]  }
0x237: {  	v5 =	vld [tilespmem:s10+$0xA0];
	_ =	sdelay $0x4  }
0x238: {  	v4 =	vadd.s32 v4, v5  }
0x239: {  	vm1 =	vgt.s32 v4, $0x0  }
0x23a: {  	v4 =	vsel vm1, $0x1, v0  }
0x23b: {  	(xrf0) =	vadd.scan.msk.s32 $0xffff, v4;
	_ =	sdelay $0x4  }
0x23c: {  	s17 =	spop (v2sf)  }
0x23d: {  	v4 =	vsel vm1, $0xFFFFFFFF, v0;
	s6 =	sadd.s32 s6, s17;
	v5, _, _ =	vpop (xrf0)  }
0x23e: {  	s7 =	sadd.s32 s8, s6;
	v4 =	vadd.s32 v4, v5  }
0x23f: {  	v4 =	vadd.s32 s7, v4  }
0x240: {  	v4 =	vnsel vm1, $0x0, v4  }
0x241: {  	(v2sf) =	vpush v5, $0xF;
	[tilespmem:$0x18020] =	vst v4  }
0x242: {  	v4 =	vld [tilespmem:s4+$0xB0]  }
0x243: {  	v5 =	vld [tilespmem:s10+$0xB0];
	_ =	sdelay $0x4  }
0x244: {  	v4 =	vadd.s32 v4, v5  }
0x245: {  	vm1 =	vgt.s32 v4, $0x0  }
0x246: {  	v4 =	vsel vm1, $0x1, v0  }
0x247: {  	(xrf0) =	vadd.scan.msk.s32 $0xffff, v4;
	_ =	sdelay $0x4  }
0x248: {  	s11 =	spop (v2sf)  }
0x249: {  	v4 =	vsel vm1, $0xFFFFFFFF, v0;
	s6 =	sadd.s32 s6, s11;
	v5, _, _ =	vpop (xrf0)  }
0x24a: {  	s7 =	sadd.s32 s8, s6;
	v4 =	vadd.s32 v4, v5  }
0x24b: {  	v4 =	vadd.s32 s7, v4  }
0x24c: {  	v4 =	vnsel vm1, $0x0, v4  }
0x24d: {  	(v2sf) =	vpush v5, $0xF;
	[tilespmem:$0x18030] =	vst v4  }
0x24e: {  	v4 =	vld [tilespmem:s4+$0xC0]  }
0x24f: {  	v5 =	vld [tilespmem:s10+$0xC0];
	_ =	sdelay $0x4  }
0x250: {  	v4 =	vadd.s32 v4, v5  }
0x251: {  	vm1 =	vgt.s32 v4, $0x0  }
0x252: {  	v4 =	vsel vm1, $0x1, v0  }
0x253: {  	(xrf0) =	vadd.scan.msk.s32 $0xffff, v4;
	_ =	sdelay $0x4  }
0x254: {  	s16 =	spop (v2sf)  }
0x255: {  	v4 =	vsel vm1, $0xFFFFFFFF, v0;
	s6 =	sadd.s32 s6, s16;
	v5, _, _ =	vpop (xrf0)  }
0x256: {  	s7 =	sadd.s32 s8, s6;
	v4 =	vadd.s32 v4, v5  }
0x257: {  	v4 =	vadd.s32 s7, v4  }
0x258: {  	v4 =	vnsel vm1, $0x0, v4  }
0x259: {  	(v2sf) =	vpush v5, $0xF;
	[tilespmem:$0x18040] =	vst v4  }
0x25a: {  	v4 =	vld [tilespmem:s4+$0xD0]  }
0x25b: {  	v5 =	vld [tilespmem:s10+$0xD0];
	_ =	sdelay $0x4  }
0x25c: {  	v4 =	vadd.s32 v4, v5  }
0x25d: {  	vm1 =	vgt.s32 v4, $0x0  }
0x25e: {  	v4 =	vsel vm1, $0x1, v0  }
0x25f: {  	(xrf0) =	vadd.scan.msk.s32 $0xffff, v4;
	_ =	sdelay $0x4  }
0x260: {  	s17 =	spop (v2sf)  }
0x261: {  	v4 =	vsel vm1, $0xFFFFFFFF, v0;
	s6 =	sadd.s32 s6, s17;
	v5, _, _ =	vpop (xrf0)  }
0x262: {  	s7 =	sadd.s32 s8, s6;
	v4 =	vadd.s32 v4, v5  }
0x263: {  	v4 =	vadd.s32 s7, v4  }
0x264: {  	v4 =	vnsel vm1, $0x0, v4  }
0x265: {  	(v2sf) =	vpush v5, $0xF;
	[tilespmem:$0x18050] =	vst v4  }
0x266: {  	v4 =	vld [tilespmem:s4+$0xE0]  }
0x267: {  	v5 =	vld [tilespmem:s10+$0xE0];
	_ =	sdelay $0x4  }
0x268: {  	v4 =	vadd.s32 v4, v5  }
0x269: {  	vm1 =	vgt.s32 v4, $0x0  }
0x26a: {  	v4 =	vsel vm1, $0x1, v0  }
0x26b: {  	(xrf0) =	vadd.scan.msk.s32 $0xffff, v4;
	_ =	sdelay $0x4  }
0x26c: {  	s11 =	spop (v2sf)  }
0x26d: {  	v4 =	vsel vm1, $0xFFFFFFFF, v0;
	s6 =	sadd.s32 s6, s11;
	v5, _, _ =	vpop (xrf0)  }
0x26e: {  	s7 =	sadd.s32 s8, s6;
	v4 =	vadd.s32 v4, v5  }
0x26f: {  	v4 =	vadd.s32 s7, v4  }
0x270: {  	v4 =	vnsel vm1, $0x0, v4  }
0x271: {  	[tilespmem:$0x18060] =	vst v4  }
0x272: {  	v4 =	vld [tilespmem:s4+$0xF0]  }
0x273: {  	v63 =	vld [tilespmem:s10+$0xF0];
	_ =	sdelay $0x4  }
0x274: {  	v4 =	vadd.s32 v4, v63  }
0x275: {  	vm1 =	vgt.s32 v4, $0x0  }
0x276: {  	v4 =	vsel vm1, $0x1, v0  }
0x277: {  	(xrf0) =	vadd.scan.msk.s32 $0xffff, v4;
	_ =	sdelay $0x1  }
0x278: {  	(v2sf) =	vpush v5, $0xF;
	_ =	sdelay $0x3  }
0x279: {  	v4, _, _ =	vpop (xrf0)  }
0x27a: {  	(v2sf) =	vpush v4, $0xF;
	_ =	sdelay $0x9  }
0x27b: {  	s16 =	spop (v2sf)  }
0x27c: {  	v5 =	vsel vm1, $0xFFFFFFFF, v0;
	s6 =	sadd.s32 s6, s16  }
0x27d: {  	s7 =	sadd.s32 s8, s6;
	v4 =	vadd.s32 v5, v4  }
0x27e: {  	v4 =	vadd.s32 s7, v4  }
0x27f: {  	v4 =	vnsel vm1, $0x0, v4  }
0x280: {  	[tilespmem:$0x18070] =	vst v4;
	s7 =	spop (v2sf)  }
0x281: {  	_ =	swait.ge [sflag:s13], $0x8000  }
0x282: {  	[sflag:s13] =	ssyncset.done $0x0  }
0x283: {  	[sflag:s13] =	ssyncadd.s32 $0xFFFF8000  }
0x284: {  	v4 =	vld [tilespmem:$0x18100];
	_ =	sdelay $0x4  }
0x285: {  	v5 =	vshll.u32 v4, $0x1  }
0x286: {  	v4 =	vand.u32 $0x7, v4;
	v5 =	vand.u32 $0xFFFFFFF0, v5  }
0x287: {  	v4 =	vor.u32 v4, v5  }
0x288: {  	v5 =	vperm.xlane v4, v1;
	_ =	sdelay $0x1  }
0x289: {  	v4 =	vperm.xlane v4, v3;
	v5 =	vadd.s32 v2, v5;
	_ =	sdelay $0x1  }
0x28a: {  	v4 =	vadd.s32 v2, v4;
	_ =	sdelay $0x2  }
0x28b: {  	[hbm4b:s5+s2] =	stream.indirect_vreg.scatter [tilespmem:s1], [sflag:$0x6], $0x80, v5, vm0, $0xb8;
	[tilespmem:$0x1AB00] =	vst v63  }
0x28c: {  	s17 =	rddreg [dreg:$0x13]  }
0x28d: {  	[hbm4b:s5+s2] =	stream.indirect_vreg.scatter [tilespmem:s17], [sflag:$0x6], $0x80, v4, vm0, $0xb8;
	[tilespmem:$0x1AB00] =	vst v63  }
0x28e: {  	v4 =	vld [tilespmem:$0x18110];
	_ =	sdelay $0x4  }
0x28f: {  	v5 =	vshll.u32 v4, $0x1  }
0x290: {  	v4 =	vand.u32 $0x7, v4;
	v5 =	vand.u32 $0xFFFFFFF0, v5  }
0x291: {  	v4 =	vor.u32 v4, v5  }
0x292: {  	v5 =	vperm.xlane v4, v1;
	_ =	sdelay $0x1  }
0x293: {  	v4 =	vperm.xlane v4, v3;
	v5 =	vadd.s32 v2, v5;
	_ =	sdelay $0x1  }
0x294: {  	v4 =	vadd.s32 v2, v4;
	_ =	sdelay $0x1  }
0x295: {  	s16 =	rddreg [dreg:$0x14]  }
0x296: {  	[hbm4b:s5+s2] =	stream.indirect_vreg.scatter [tilespmem:s16], [sflag:$0x6], $0x80, v5, vm0, $0xb8;
	[tilespmem:$0x1AB00] =	vst v63  }
0x297: {  	s17 =	rddreg [dreg:$0x15]  }
0x298: {  	[hbm4b:s5+s2] =	stream.indirect_vreg.scatter [tilespmem:s17], [sflag:$0x6], $0x80, v4, vm0, $0xb8;
	[tilespmem:$0x1AB00] =	vst v63  }
0x299: {  	v4 =	vld [tilespmem:$0x18120];
	_ =	sdelay $0x4  }
0x29a: {  	v5 =	vshll.u32 v4, $0x1  }
0x29b: {  	v4 =	vand.u32 $0x7, v4;
	v5 =	vand.u32 $0xFFFFFFF0, v5  }
0x29c: {  	v4 =	vor.u32 v4, v5  }
0x29d: {  	v5 =	vperm.xlane v4, v1;
	_ =	sdelay $0x1  }
0x29e: {  	v4 =	vperm.xlane v4, v3;
	v5 =	vadd.s32 v2, v5;
	_ =	sdelay $0x1  }
0x29f: {  	v4 =	vadd.s32 v2, v4;
	_ =	sdelay $0x1  }
0x2a0: {  	s16 =	rddreg [dreg:$0x16]  }
0x2a1: {  	[hbm4b:s5+s2] =	stream.indirect_vreg.scatter [tilespmem:s16], [sflag:$0x6], $0x80, v5, vm0, $0xb8;
	[tilespmem:$0x1AB00] =	vst v63  }
0x2a2: {  	s17 =	rddreg [dreg:$0x17]  }
0x2a3: {  	[hbm4b:s5+s2] =	stream.indirect_vreg.scatter [tilespmem:s17], [sflag:$0x6], $0x80, v4, vm0, $0xb8;
	[tilespmem:$0x1AB00] =	vst v63  }
0x2a4: {  	v4 =	vld [tilespmem:$0x18130];
	_ =	sdelay $0x4  }
0x2a5: {  	v5 =	vshll.u32 v4, $0x1  }
0x2a6: {  	v4 =	vand.u32 $0x7, v4;
	v5 =	vand.u32 $0xFFFFFFF0, v5  }
0x2a7: {  	v4 =	vor.u32 v4, v5  }
0x2a8: {  	v5 =	vperm.xlane v4, v1;
	_ =	sdelay $0x1  }
0x2a9: {  	v4 =	vperm.xlane v4, v3;
	v5 =	vadd.s32 v2, v5;
	_ =	sdelay $0x1  }
0x2aa: {  	v4 =	vadd.s32 v2, v4;
	_ =	sdelay $0x1  }
0x2ab: {  	s16 =	rddreg [dreg:$0x18]  }
0x2ac: {  	[hbm4b:s5+s2] =	stream.indirect_vreg.scatter [tilespmem:s16], [sflag:$0x6], $0x80, v5, vm0, $0xb8;
	[tilespmem:$0x1AB00] =	vst v63  }
0x2ad: {  	s17 =	rddreg [dreg:$0x19]  }
0x2ae: {  	[hbm4b:s5+s2] =	stream.indirect_vreg.scatter [tilespmem:s17], [sflag:$0x6], $0x80, v4, vm0, $0xb8;
	[tilespmem:$0x1AB00] =	vst v63  }
0x2af: {  	v4 =	vld [tilespmem:$0x18140];
	_ =	sdelay $0x4  }
0x2b0: {  	v5 =	vshll.u32 v4, $0x1  }
0x2b1: {  	v4 =	vand.u32 $0x7, v4;
	v5 =	vand.u32 $0xFFFFFFF0, v5  }
0x2b2: {  	v4 =	vor.u32 v4, v5  }
0x2b3: {  	v5 =	vperm.xlane v4, v1;
	_ =	sdelay $0x1  }
0x2b4: {  	v4 =	vperm.xlane v4, v3;
	v5 =	vadd.s32 v2, v5;
	_ =	sdelay $0x1  }
0x2b5: {  	v4 =	vadd.s32 v2, v4;
	_ =	sdelay $0x1  }
0x2b6: {  	s16 =	rddreg [dreg:$0x1a]  }
0x2b7: {  	[hbm4b:s5+s2] =	stream.indirect_vreg.scatter [tilespmem:s16], [sflag:$0x6], $0x80, v5, vm0, $0xb8;
	[tilespmem:$0x1AB00] =	vst v63  }
0x2b8: {  	s17 =	rddreg [dreg:$0x1b]  }
0x2b9: {  	[hbm4b:s5+s2] =	stream.indirect_vreg.scatter [tilespmem:s17], [sflag:$0x6], $0x80, v4, vm0, $0xb8;
	[tilespmem:$0x1AB00] =	vst v63  }
0x2ba: {  	v4 =	vld [tilespmem:$0x18150];
	_ =	sdelay $0x4  }
0x2bb: {  	v5 =	vshll.u32 v4, $0x1  }
0x2bc: {  	v4 =	vand.u32 $0x7, v4;
	v5 =	vand.u32 $0xFFFFFFF0, v5  }
0x2bd: {  	v4 =	vor.u32 v4, v5  }
0x2be: {  	v5 =	vperm.xlane v4, v1;
	_ =	sdelay $0x1  }
0x2bf: {  	v4 =	vperm.xlane v4, v3;
	v5 =	vadd.s32 v2, v5;
	_ =	sdelay $0x1  }
0x2c0: {  	v4 =	vadd.s32 v2, v4;
	_ =	sdelay $0x1  }
0x2c1: {  	s16 =	rddreg [dreg:$0x1c]  }
0x2c2: {  	[hbm4b:s5+s2] =	stream.indirect_vreg.scatter [tilespmem:s16], [sflag:$0x6], $0x80, v5, vm0, $0xb8;
	[tilespmem:$0x1AB00] =	vst v63  }
0x2c3: {  	s17 =	rddreg [dreg:$0x1d]  }
0x2c4: {  	[hbm4b:s5+s2] =	stream.indirect_vreg.scatter [tilespmem:s17], [sflag:$0x6], $0x80, v4, vm0, $0xb8;
	[tilespmem:$0x1AB00] =	vst v63  }
0x2c5: {  	v4 =	vld [tilespmem:$0x18160];
	_ =	sdelay $0x4  }
0x2c6: {  	v5 =	vshll.u32 v4, $0x1  }
0x2c7: {  	v4 =	vand.u32 $0x7, v4;
	v5 =	vand.u32 $0xFFFFFFF0, v5  }
0x2c8: {  	v4 =	vor.u32 v4, v5  }
0x2c9: {  	v5 =	vperm.xlane v4, v1;
	_ =	sdelay $0x1  }
0x2ca: {  	v4 =	vperm.xlane v4, v3;
	v5 =	vadd.s32 v2, v5;
	_ =	sdelay $0x1  }
0x2cb: {  	v4 =	vadd.s32 v2, v4;
	_ =	sdelay $0x1  }
0x2cc: {  	s16 =	rddreg [dreg:$0x1e]  }
0x2cd: {  	[hbm4b:s5+s2] =	stream.indirect_vreg.scatter [tilespmem:s16], [sflag:$0x6], $0x80, v5, vm0, $0xb8;
	[tilespmem:$0x1AB00] =	vst v63  }
0x2ce: {  	s17 =	rddreg [dreg:$0x1f]  }
0x2cf: {  	[hbm4b:s5+s2] =	stream.indirect_vreg.scatter [tilespmem:s17], [sflag:$0x6], $0x80, v4, vm0, $0xb8;
	[tilespmem:$0x1AB00] =	vst v63  }
0x2d0: {  	v4 =	vld [tilespmem:$0x18170];
	_ =	sdelay $0x4  }
0x2d1: {  	v5 =	vshll.u32 v4, $0x1  }
0x2d2: {  	v4 =	vand.u32 $0x7, v4;
	v5 =	vand.u32 $0xFFFFFFF0, v5  }
0x2d3: {  	v4 =	vor.u32 v4, v5  }
0x2d4: {  	v5 =	vperm.xlane v4, v1;
	_ =	sdelay $0x1  }
0x2d5: {  	v4 =	vperm.xlane v4, v3;
	v5 =	vadd.s32 v2, v5  }
0x2d6: {  	s9 =	sadd.s32 $0x3000, s9  }
0x2d7: {  	p1 =	sne.s32 s9, $0x18000;
	s16 =	sld [smem:$0x7FC];
	v4 =	vadd.s32 v2, v4  }
.Ltmp1:
0x2d8: {  	_ = 	snop;
	(pc) =	sbr.rel @p1 .LBB2_4-.Ltmp1, $4  }
0x2d9: {  	s17 =	sld [smem:$0x7FD]  }
0x2da: {  	[hbm4b:s5+s2] =	stream.indirect_vreg.scatter [tilespmem:s16], [sflag:$0x6], $0x80, v5, vm0, $0xb8;
	[tilespmem:$0x1AB00] =	vst v63  }
0x2db: {  	s10 =	sadd.s32 $0x180, s10;
	s4 =	sadd.s32 $0x180, s4;
	s7 =	sadd.s32 s6, s7  }
0x2dc: {  	[hbm4b:s5+s2] =	stream.indirect_vreg.scatter [tilespmem:s17], [sflag:$0x6], $0x80, v4, vm0, $0xb8;
	[tilespmem:$0x1AB00] =	vst v63  }
0x2dd: {  	_ =	swait.ge [sflag:s15], $0x8000  }
0x2de: {  	[sflag:s15] =	ssyncset.done $0x0  }
0x2df: {  	[sflag:s15] =	ssyncadd.s32 $0xFFFF8000  }
0x2e0: {  	v4 =	vld [tilespmem:$0x18000];
	_ =	sdelay $0x4  }
0x2e1: {  	v5 =	vshll.u32 v4, $0x1  }
0x2e2: {  	v4 =	vand.u32 $0x7, v4;
	v5 =	vand.u32 $0xFFFFFFF0, v5  }
0x2e3: {  	v4 =	vor.u32 v4, v5  }
0x2e4: {  	v5 =	vperm.xlane v4, v1;
	_ =	sdelay $0x1  }
0x2e5: {  	v4 =	vperm.xlane v4, v3;
	v5 =	vadd.s32 v2, v5;
	_ =	sdelay $0x1  }
0x2e6: {  	v4 =	vadd.s32 v2, v4;
	_ =	sdelay $0x2  }
0x2e7: {  	[hbm4b:s5+s2] =	stream.indirect_vreg.scatter [tilespmem:s2], [sflag:$0x4], $0x80, v5, vm0, $0xb8;
	[tilespmem:$0x1AB00] =	vst v63  }
0x2e8: {  	_ = 	snop  }
0x2e9: {  	[hbm4b:s5+s2] =	stream.indirect_vreg.scatter [tilespmem:s18], [sflag:$0x4], $0x80, v4, vm0, $0xb8;
	[tilespmem:$0x1AB00] =	vst v63  }
0x2ea: {  	v4 =	vld [tilespmem:$0x18010];
	_ =	sdelay $0x4  }
0x2eb: {  	v5 =	vshll.u32 v4, $0x1  }
0x2ec: {  	v4 =	vand.u32 $0x7, v4;
	v5 =	vand.u32 $0xFFFFFFF0, v5  }
0x2ed: {  	v4 =	vor.u32 v4, v5  }
0x2ee: {  	v5 =	vperm.xlane v4, v1;
	_ =	sdelay $0x1  }
0x2ef: {  	v4 =	vperm.xlane v4, v3;
	v5 =	vadd.s32 v2, v5;
	_ =	sdelay $0x1  }
0x2f0: {  	v4 =	vadd.s32 v2, v4;
	_ =	sdelay $0x2  }
0x2f1: {  	[hbm4b:s5+s2] =	stream.indirect_vreg.scatter [tilespmem:s19], [sflag:$0x4], $0x80, v5, vm0, $0xb8;
	[tilespmem:$0x1AB00] =	vst v63  }
0x2f2: {  	_ = 	snop  }
0x2f3: {  	[hbm4b:s5+s2] =	stream.indirect_vreg.scatter [tilespmem:s20], [sflag:$0x4], $0x80, v4, vm0, $0xb8;
	[tilespmem:$0x1AB00] =	vst v63  }
0x2f4: {  	v4 =	vld [tilespmem:$0x18020];
	_ =	sdelay $0x4  }
0x2f5: {  	v5 =	vshll.u32 v4, $0x1  }
0x2f6: {  	v4 =	vand.u32 $0x7, v4;
	v5 =	vand.u32 $0xFFFFFFF0, v5  }
0x2f7: {  	v4 =	vor.u32 v4, v5  }
0x2f8: {  	v5 =	vperm.xlane v4, v1;
	_ =	sdelay $0x1  }
0x2f9: {  	v4 =	vperm.xlane v4, v3;
	v5 =	vadd.s32 v2, v5;
	_ =	sdelay $0x1  }
0x2fa: {  	v4 =	vadd.s32 v2, v4;
	_ =	sdelay $0x2  }
0x2fb: {  	[hbm4b:s5+s2] =	stream.indirect_vreg.scatter [tilespmem:s21], [sflag:$0x4], $0x80, v5, vm0, $0xb8;
	[tilespmem:$0x1AB00] =	vst v63  }
0x2fc: {  	_ = 	snop  }
0x2fd: {  	[hbm4b:s5+s2] =	stream.indirect_vreg.scatter [tilespmem:s22], [sflag:$0x4], $0x80, v4, vm0, $0xb8;
	[tilespmem:$0x1AB00] =	vst v63  }
0x2fe: {  	v4 =	vld [tilespmem:$0x18030];
	_ =	sdelay $0x4  }
0x2ff: {  	v5 =	vshll.u32 v4, $0x1  }
0x300: {  	v4 =	vand.u32 $0x7, v4;
	v5 =	vand.u32 $0xFFFFFFF0, v5  }
0x301: {  	v4 =	vor.u32 v4, v5  }
0x302: {  	v5 =	vperm.xlane v4, v1;
	_ =	sdelay $0x1  }
0x303: {  	v4 =	vperm.xlane v4, v3;
	v5 =	vadd.s32 v2, v5;
	_ =	sdelay $0x1  }
0x304: {  	v4 =	vadd.s32 v2, v4;
	_ =	sdelay $0x2  }
0x305: {  	[hbm4b:s5+s2] =	stream.indirect_vreg.scatter [tilespmem:s23], [sflag:$0x4], $0x80, v5, vm0, $0xb8;
	[tilespmem:$0x1AB00] =	vst v63  }
0x306: {  	_ = 	snop  }
0x307: {  	[hbm4b:s5+s2] =	stream.indirect_vreg.scatter [tilespmem:s24], [sflag:$0x4], $0x80, v4, vm0, $0xb8;
	[tilespmem:$0x1AB00] =	vst v63  }
0x308: {  	v4 =	vld [tilespmem:$0x18040];
	_ =	sdelay $0x4  }
0x309: {  	v5 =	vshll.u32 v4, $0x1  }
0x30a: {  	v4 =	vand.u32 $0x7, v4;
	v5 =	vand.u32 $0xFFFFFFF0, v5  }
0x30b: {  	v4 =	vor.u32 v4, v5  }
0x30c: {  	v5 =	vperm.xlane v4, v1;
	_ =	sdelay $0x1  }
0x30d: {  	v4 =	vperm.xlane v4, v3;
	v5 =	vadd.s32 v2, v5;
	_ =	sdelay $0x1  }
0x30e: {  	v4 =	vadd.s32 v2, v4;
	_ =	sdelay $0x2  }
0x30f: {  	[hbm4b:s5+s2] =	stream.indirect_vreg.scatter [tilespmem:s25], [sflag:$0x4], $0x80, v5, vm0, $0xb8;
	[tilespmem:$0x1AB00] =	vst v63  }
0x310: {  	_ = 	snop  }
0x311: {  	[hbm4b:s5+s2] =	stream.indirect_vreg.scatter [tilespmem:s26], [sflag:$0x4], $0x80, v4, vm0, $0xb8;
	[tilespmem:$0x1AB00] =	vst v63  }
0x312: {  	v4 =	vld [tilespmem:$0x18050];
	_ =	sdelay $0x4  }
0x313: {  	v5 =	vshll.u32 v4, $0x1  }
0x314: {  	v4 =	vand.u32 $0x7, v4;
	v5 =	vand.u32 $0xFFFFFFF0, v5  }
0x315: {  	v4 =	vor.u32 v4, v5  }
0x316: {  	v5 =	vperm.xlane v4, v1;
	_ =	sdelay $0x1  }
0x317: {  	v4 =	vperm.xlane v4, v3;
	v5 =	vadd.s32 v2, v5;
	_ =	sdelay $0x1  }
0x318: {  	v4 =	vadd.s32 v2, v4;
	_ =	sdelay $0x2  }
0x319: {  	[hbm4b:s5+s2] =	stream.indirect_vreg.scatter [tilespmem:s28], [sflag:$0x4], $0x80, v5, vm0, $0xb8;
	[tilespmem:$0x1AB00] =	vst v63  }
0x31a: {  	_ = 	snop  }
0x31b: {  	[hbm4b:s5+s2] =	stream.indirect_vreg.scatter [tilespmem:s29], [sflag:$0x4], $0x80, v4, vm0, $0xb8;
	[tilespmem:$0x1AB00] =	vst v63  }
0x31c: {  	v4 =	vld [tilespmem:$0x18060];
	_ =	sdelay $0x4  }
0x31d: {  	v5 =	vshll.u32 v4, $0x1  }
0x31e: {  	v4 =	vand.u32 $0x7, v4;
	v5 =	vand.u32 $0xFFFFFFF0, v5  }
0x31f: {  	v4 =	vor.u32 v4, v5  }
0x320: {  	v5 =	vperm.xlane v4, v1;
	_ =	sdelay $0x1  }
0x321: {  	v4 =	vperm.xlane v4, v3;
	v5 =	vadd.s32 v2, v5;
	_ =	sdelay $0x1  }
0x322: {  	v4 =	vadd.s32 v2, v4;
	_ =	sdelay $0x2  }
0x323: {  	[hbm4b:s5+s2] =	stream.indirect_vreg.scatter [tilespmem:s30], [sflag:$0x4], $0x80, v5, vm0, $0xb8;
	[tilespmem:$0x1AB00] =	vst v63  }
0x324: {  	_ = 	snop  }
0x325: {  	[hbm4b:s5+s2] =	stream.indirect_vreg.scatter [tilespmem:s31], [sflag:$0x4], $0x80, v4, vm0, $0xb8;
	[tilespmem:$0x1AB00] =	vst v63  }
0x326: {  	v4 =	vld [tilespmem:$0x18070];
	_ =	sdelay $0x4  }
0x327: {  	v5 =	vshll.u32 v4, $0x1  }
0x328: {  	v4 =	vand.u32 $0x7, v4;
	v5 =	vand.u32 $0xFFFFFFF0, v5  }
0x329: {  	v4 =	vor.u32 v4, v5  }
0x32a: {  	v5 =	vperm.xlane v4, v1;
	_ =	sdelay $0x1  }
0x32b: {  	v4 =	vperm.xlane v4, v3;
	v5 =	vadd.s32 v2, v5;
	_ =	sdelay $0x1  }
0x32c: {  	v4 =	vadd.s32 v2, v4;
	_ =	sdelay $0x1  }
0x32d: {  	s4 =	simm.s32 $0x7000  }
0x32e: {  	[hbm4b:s5+s2] =	stream.indirect_vreg.scatter [tilespmem:s4], [sflag:$0x4], $0x80, v5, vm0, $0xb8;
	[tilespmem:$0x1AB00] =	vst v63  }
0x32f: {  	s21 =	simm.s32 $0x7800;
	s22 =	simm.s32 $0x5  }
0x330: {  	[hbm4b:s5+s2] =	stream.indirect_vreg.scatter [tilespmem:s21], [sflag:$0x4], $0x80, v4, vm0, $0xb8;
	[tilespmem:$0x1AB00] =	vst v63  }
0x331: {  	_ =	swait.ge [sflag:s22], $0x8000  }
0x332: {  	[sflag:s22] =	ssyncset.done $0x0  }
0x333: {  	s23 =	simm.s32 $0x6;
	[sflag:s22] =	ssyncadd.s32 $0xFFFF8000  }
0x334: {  	_ =	swait.ge [sflag:s23], $0x8000  }
0x335: {  	[sflag:s23] =	ssyncset.done $0x0  }
0x336: {  	[sflag:s23] =	ssyncadd.s32 $0xFFFF8000  }
0x337: {  	_ =	swait.ge [sflag:s12], $0x8000  }
0x338: {  	s6 =	sld [smem:$0x7F5]  }
0x339: {  	s24 =	sld [smem:$0x7FB];
	_ =	sdelay $0x1  }
0x33a: {  	s6 =	sadd.s32 $0x1, s6  }
0x33b: {  	p1 =	sne.s32 s6, s24  }
.Ltmp2:
0x33c: {  	_ = 	snop;
	(pc) =	sbr.rel @p1 .LBB2_1-.Ltmp2, $3  }
0x33d: {  	_ =	sdelay $0x1  }
0x33e: {  	[sflag:s12] =	ssyncset.done $0x0  }
0x33f: {  	s7 =	simm.s32 $0x7;
	[sflag:s12] =	ssyncadd.s32 $0xFFFF8000  }
0x340: {  	_ =	sfence.sel $0x180000  }
0x341: {  	[bflag:$0x0] =	sbarrier.arrive $0xFFFF  }
0x342: {  	_ =	strace $0x9000004D  }
0x343: {  	s0 =	stileid.u32;
	[bflag:$0x2] =	sbarrier.arrive $0xFFFF  }
0x344: {  	p0 =	sne.s32 s0, $0x0;
	s0 =	rddreg [dreg:$0x2]  }
0x345: {  	s0 =	sadd.s32 @!p0 $0x100000, s0  }
0x346: {  	[sflag:s0] =	ssyncadd.tile.s32 @!p0 $0x1;
	_ =	shalt  }
.Lfunc_end2:
_tile_overlayer_lowered:
.L_overlay_start_2:
0x347: {  	(tag) =	ssettag $0x2  }
0x348: {  	s0 =	rddreg [dreg:$0x0];
	s2 =	stileid.u32  }
0x349: {  	s1 =	rddreg [dreg:$0x1];
	p0 =	sne.s32 s2, $0x0  }
0x34a: {  	s3 =	rddreg [dreg:$0x2];
	[bflag:$0x3] =	sbarrier.arrive $0xFFFF;
	s2 =	simm.s32 @!p0 $0x1C07  }
0x34b: {  	[timem:s3], [sflag:s2] =	dma.local @!p0 [hbm:s0], s1  }
0x34c: {  	s0 =	simm.s32 @!p0 $0x7  }
0x34d: {  	_ =	swait.ge @!p0 [sflag:s0], s1  }
0x34e: {  	s1 =	ssub.s32 @!p0 $0x0, s1;
	[sflag:s0] =	ssyncset.done @!p0 $0x0  }
0x34f: {  	[sflag:s0] =	ssyncadd.s32 @!p0 s1  }
0x350: {  	[bflag:$0x3] =	sbarrier.arrive $0xFFFF  }
0x351: {  	_ =	shalt  }

// kernel: kernel.6.cloned.1.call-start
scs
__scs_entry_jumppad:
0x0: {  	(pc) =	sbr.rel $0x88, $3  }
0x1: {  	(tag) =	ssettag $0x0;
	lr =	simm.s32 $0x1  }
0x2: {  	[smem:$0x3F9F] =	sst lr;
	_ =	strace $0xD0000000  }
0x3: {  	_ = 	snop  }
0x4: {  	_ = 	snop  }
0x5: {  	_ = 	snop  }
0x6: {  	_ = 	snop  }
0x7: {  	_ = 	snop  }
__scs_overlays_trampoline_lowered:
0x8: {  	[smem:$0x3FAE] =	sst s0  }
0x9: {  	[smem:$0x3FAF] =	sst s1  }
0xa: {  	[smem:$0x3FB0] =	sst s2  }
0xb: {  	[smem:$0x3FB1] =	sst s3  }
0xc: {  	[smem:$0x3FB2] =	sst s4  }
0xd: {  	[smem:$0x3FB3] =	sst s5  }
0xe: {  	[smem:$0x3FB4] =	sst s6  }
0xf: {  	[smem:$0x3FB5] =	sst s7  }
0x10: {  	[smem:$0x3FB6] =	sst s8  }
0x11: {  	[smem:$0x3FB7] =	sst s9;
	s0 =	simm.s32 @!p0 $0x0  }
0x12: {  	s1 =	sld [smem:$0x3F9D];
	s0 =	simm.s32 @p0 $0x1  }
0x13: {  	[smem:$0x3FB8] =	sst s0;
	s0 =	simm.s32 @!p1 $0x0  }
0x14: {  	s2 =	sld [smem:$0x3F9C];
	s0 =	simm.s32 @p1 $0x1  }
0x15: {  	[smem:$0x3FB9] =	sst s0;
	s0 =	simm.s32 @!p2 $0x0  }
0x16: {  	s3 =	sld [smem:$0x3FDB];
	s0 =	simm.s32 @p2 $0x1  }
0x17: {  	s4 =	simm.s32 $0x1BF5;
	[smem:$0x3FBB] =	sst s0  }
0x18: {  	s0 =	sld [smem:$0x3F9E];
	_ =	swait.ge [sflag:s4], $0x0  }
0x19: {  	s7 =	sld [smem:$0x3F9F]  }
0x1a: {  	s8 =	sadd.s32 $0xFFFFE003, lr  }
0x1b: {  	s9 =	sadd.s32 $0xFFFFFEF7, lr;
	s5 =	simm.s32 $0xFFFFFFFF;
	p2 =	slt.u32 s8, $0xFFFFF086  }
0x1c: {  	p1 =	slt.u32 s9, $0xF7A;
	s5 =	simm.s32 @!p2 $0x0  }
0x1d: {  	s5 =	simm.s32 @p1 $0x1;
	p0 =	seq.s32 s7, s2  }
0x1e: {  	s7 =	smul.u32 @!p0 $0xF7A, s2;
	p2 =	seq.s32 @!p0 s5, $0x0  }
0x1f: {  	s9 =	smul.u32 $0xF7A, s1;
	s8 =	simm.s32 @!p0 $0x1BF5;
	p2 =	por !p2, p0  }
0x20: {  	[sflag:s8] =	ssyncset.s32 @!p0 $0xFFFFF086;
	s6 =	sadd.s32 @!p0 s3, s7;
	s7 =	simm.s32 @!p0 $0x108  }
0x21: {  	s3 =	sadd.s32 s3, s9;
	s6 =	sadd.s32 @!p0 $0x88, s6;
	s7 =	simm.s32 @p2 $0x1082  }
0x22: {  	[simem:s7], [sflag:s8] =	dma.local @!p0 [hbm:s6], $0xF7A  }
0x23: {  	s9 =	sor.u32 $0xD0000000, s2;
	s6 =	simm.s32 $0x108;
	_ =	swait.ge @!p0 [sflag:s8], $0x0  }
0x24: {  	s3 =	sadd.s32 $0x88, s3;
	s6 =	simm.s32 @!p1 $0x1082;
	[sflag:s4] =	ssyncset.s32 $0xFFFFF086  }
0x25: {  	[simem:s6], [sflag:s4] =	dma.local [hbm:s3], $0xF7A  }
0x26: {  	[smem:$0x3F9F] =	sst s1;
	(tag) =	ssettag s2;
	_ =	strace s9  }
0x27: {  	s1 =	sld [smem:$0x3FAF]  }
0x28: {  	s2 =	sld [smem:$0x3FB0]  }
0x29: {  	s4 =	sld [smem:$0x3FB2]  }
0x2a: {  	p0 =	seq.s32 s5, $0x0;
	s5 =	sld [smem:$0x3FB3]  }
0x2b: {  	s6 =	sld [smem:$0x3FB4]  }
0x2c: {  	s7 =	sld [smem:$0x3FB5]  }
0x2d: {  	s3 =	simm.s32 $0x108;
	s8 =	sld [smem:$0x3FB6]  }
0x2e: {  	s3 =	simm.s32 @!p0 $0x1082;
	s9 =	sld [smem:$0x3FB7]  }
0x2f: {  	lr =	sadd.s32 s0, s3;
	s0 =	sld [smem:$0x3FAE]  }
0x30: {  	s3 =	sld [smem:$0x3FB1]  }
0x31: {  	[smem:$0x3FBA] =	sst s10  }
0x32: {  	s10 =	sld [smem:$0x3FB8];
	_ =	sdelay $0x3  }
0x33: {  	p0 =	seq.s32 s10, $0x1;
	s10 =	sld [smem:$0x3FBA];
	_ =	sdelay $0x3  }
0x34: {  	[smem:$0x3FBA] =	sst s10  }
0x35: {  	s10 =	sld [smem:$0x3FB9];
	_ =	sdelay $0x3  }
0x36: {  	p1 =	seq.s32 s10, $0x1;
	s10 =	sld [smem:$0x3FBA];
	_ =	sdelay $0x3  }
0x37: {  	[smem:$0x3FBA] =	sst s10  }
0x38: {  	s10 =	sld [smem:$0x3FBB]  }
0x39: {  	_ = 	snop;
	(pc) =	sbr.ind lr, $3  }
0x3a: {  	_ = 	snop  }
0x3b: {  	_ = 	snop  }
0x3c: {  	p2 =	seq.s32 s10, $0x1;
	s10 =	sld [smem:$0x3FBA]  }
0x3d: {  	_ =	shalt  }
0x3e: {  	_ =	shalt  }
0x3f: {  	_ =	shalt  }
0x40: {  	_ =	shalt  }
0x41: {  	_ =	shalt  }
0x42: {  	_ =	shalt  }
0x43: {  	_ =	shalt  }
0x44: {  	_ =	shalt  }
0x45: {  	_ =	shalt  }
0x46: {  	_ =	shalt  }
0x47: {  	_ =	shalt  }
0x48: {  	_ =	shalt  }
0x49: {  	_ =	shalt  }
0x4a: {  	_ =	shalt  }
0x4b: {  	_ =	shalt  }
0x4c: {  	_ =	shalt  }
0x4d: {  	_ =	shalt  }
0x4e: {  	_ =	shalt  }
0x4f: {  	_ =	shalt  }
0x50: {  	_ =	shalt  }
0x51: {  	_ =	shalt  }
0x52: {  	_ =	shalt  }
0x53: {  	_ =	shalt  }
0x54: {  	_ =	shalt  }
0x55: {  	_ =	shalt  }
0x56: {  	_ =	shalt  }
0x57: {  	_ =	shalt  }
0x58: {  	_ =	shalt  }
0x59: {  	_ =	shalt  }
0x5a: {  	_ =	shalt  }
0x5b: {  	_ =	shalt  }
0x5c: {  	_ =	shalt  }
0x5d: {  	_ =	shalt  }
0x5e: {  	_ =	shalt  }
0x5f: {  	_ =	shalt  }
0x60: {  	_ =	shalt  }
0x61: {  	_ =	shalt  }
0x62: {  	_ =	shalt  }
0x63: {  	_ =	shalt  }
0x64: {  	_ =	shalt  }
0x65: {  	_ =	shalt  }
0x66: {  	_ =	shalt  }
0x67: {  	_ =	shalt  }
0x68: {  	_ =	shalt  }
0x69: {  	_ =	shalt  }
0x6a: {  	_ =	shalt  }
0x6b: {  	_ =	shalt  }
0x6c: {  	_ =	shalt  }
0x6d: {  	_ =	shalt  }
0x6e: {  	_ =	shalt  }
0x6f: {  	_ =	shalt  }
0x70: {  	_ =	shalt  }
0x71: {  	_ =	shalt  }
0x72: {  	_ =	shalt  }
0x73: {  	_ =	shalt  }
0x74: {  	_ =	shalt  }
0x75: {  	_ =	shalt  }
0x76: {  	_ =	shalt  }
0x77: {  	_ =	shalt  }
0x78: {  	_ =	shalt  }
0x79: {  	_ =	shalt  }
0x7a: {  	_ =	shalt  }
0x7b: {  	_ =	shalt  }
0x7c: {  	_ =	shalt  }
0x7d: {  	_ =	shalt  }
0x7e: {  	_ =	shalt  }
0x7f: {  	_ =	shalt  }
0x80: {  	_ =	shalt  }
0x81: {  	_ =	shalt  }
0x82: {  	_ =	shalt  }
0x83: {  	_ =	shalt  }
0x84: {  	_ =	shalt  }
0x85: {  	_ =	shalt  }
0x86: {  	_ =	shalt  }
0x87: {  	_ =	shalt  }
.Lfunc_end0:
.L_simem_size_0:
called_computation_lowered:
.L_overlay_start_0:
0x88: {  	s2 =	sld [smem:$0x3FD9]  }
0x89: {  	s3 =	sld [smem:$0x3FFE];
	_ =	sdelay $0x1  }
0x8a: {  	s1 =	srdreg.scid  }
0x8b: {  	s0 =	sand.u32 $0x1, s1  }
0x8c: {  	s16 =	sshll.u32 s0, $0xA;
	s2 =	sadd.s32 s3, s2  }
0x8d: {  	s2 =	sadd.s32 s2, s16  }
0x8e: {  	[smem:$0x3FC6] =	sst s2  }
0x8f: {  	_ = 	snop  }
0x90: {  	(tm) =	ssettm $0x1  }
0x91: {  	s17 =	sld [smem:$0x3FFB];
	_ =	sdelay $0x3  }
0x92: {  	_ =	strace s17  }
0x93: {  	s2 =	sld [smem:$0x3FFC];
	_ =	sdelay $0x3  }
0x94: {  	_ =	strace s2  }
0x95: {  	s2 =	sld [smem:$0x3FFD];
	_ =	sdelay $0x3  }
0x96: {  	_ =	strace s2  }
0x97: {  	_ =	strace $0x8FFFFFFF  }
0x98: {  	s18 =	sld [smem:$0x3FDB];
	_ =	sdelay $0x1  }
0x99: {  	s19 =	simm.s32 $_scs_section_size  }
0x9a: {  	s4 =	simm.s32 $_size__tile_overlayer_lowered;
	s5 =	simm.s32 $_tile_overlayer_lowered  }
0x9b: {  	s22 =	simm.s32 $0x1BFF;
	s21 =	sshll.u32 s5, $0x1;
	s2 =	sadd.s32 s19, s18  }
0x9c: {  	s6 =	simm.s32 $0x0;
	s20 =	sshll.u32 s4, $0x1;
	s4 =	sadd.s32 s21, s2  }
0x9d: {  	[timem:s6], [sflag:s22] =	dma.local [hbm:s4], s20  }
0x9e: {  	_ =	swait.ge [sflag:s22], s20  }
0x9f: {  	s3 =	ssub.s32 $0x0, s20;
	[sflag:s22] =	ssyncset.done $0x0  }
0xa0: {  	[sflag:s22] =	ssyncadd.s32 s3;
	_ =	sdelay $0x1  }
0xa1: {  	s23 =	simm.s32 $0x1B8B  }
0xa2: {  	_ =	swait.ge [sflag:s23], $0x1  }
0xa3: {  	[sflag:s23] =	ssyncset.done $0x0  }
0xa4: {  	s25 =	simm.s32 $0x1B8E;
	s24 =	sld [smem:$0x3FFE];
	[sflag:s23] =	ssyncadd.s32 $0xFFFFFFFF  }
0xa5: {  	s26 =	simm.s32 $execute0_lowered;
	[smem:$0x3FD2] =	sst s25  }
0xa6: {  	s4 =	sshll.u32 s26, $0x1;
	_ =	strace $0x80000046;
	[dreg:$0x1] =	wrdreg $0xFFFFFFFF  }
0xa7: {  	s28 =	simm.s32 $_size_execute0_lowered;
	s2 =	sadd.s32 s2, s4;
	[dreg:$0x0] =	wrdreg $0x0  }
0xa8: {  	s4 =	sshll.u32 s28, $0x1;
	[dreg:$0x2] =	wrdreg s2  }
0xa9: {  	[dreg:$0x3] =	wrdreg s4  }
0xaa: {  	[dreg:$0x4] =	wrdreg $0xC0  }
0xab: {  	_ =	task [dreg:s6], $0x5FFFF  }
0xac: {  	[dreg:$0x1] =	wrdreg $0xFFFFFFFF  }
0xad: {  	[dreg:$0x0] =	wrdreg $0x60  }
0xae: {  	[dreg:$0x2] =	wrdreg s24  }
0xaf: {  	[dreg:$0x3] =	wrdreg $0x1D800  }
0xb0: {  	[dreg:$0x4] =	wrdreg $0x9  }
0xb1: {  	_ =	task.clear_ibuf [dreg:s6], $0x5FFFF;
	_ =	strace $0x90000046  }
0xb2: {  	s29 =	simm.s32 $0x9;
	_ =	strace $0x80000048  }
0xb3: {  	_ =	swait.ge [sflag:s29], $0x1  }
0xb4: {  	[sflag:s29] =	ssyncadd.s32 $0xFFFFFFFF  }
0xb5: {  	_ =	strace $0x90000048  }
0xb6: {  	_ =	sfence  }
0xb7: {  	s30 =	sld [smem:$0x0];
	_ =	sdelay $0x2  }
0xb8: {  	s31 =	sshll.u32 s1, $0xD;
	s1 =	sshrl.u32 s1, $0x2  }
0xb9: {  	s3 =	sand.u32 $0x4000, s31;
	s1 =	sadd.s32 s1, s30  }
0xba: {  	s0 =	sor.u32 s3, s0;
	s1 =	sshll.u32 s1, $0x11  }
0xbb: {  	s0 =	sor.u32 s1, s0  }
0xbc: {  	s0 =	sadd.s32 $0x8F2B, s0  }
0xbd: {  	[sflag:s0] =	ssyncadd.remote.s32 $0x1  }
0xbe: {  	_ =	sfence.sel $0xFFFF  }
0xbf: {  	[dreg:$0x0] =	wrdreg $0xFFFFFFFF;
	(pc) =	sbr.abs _section_cstart, $3  }
0xc0: {  	[dreg:$0x1] =	wrdreg $0xFFFFFFFF  }
0xc1: {  	_ =	task.clear_ibuf [dreg:s6], $0x2FFFF;
	_ =	strace $0x9FFFFFFF  }
0xc2: {  	(tm) =	ssettm $0x7FFFFFFF  }
0xc3: {  	_ =	shalt  }
tec
execute0_lowered:
.L_overlay_start_1:
0x0: {  	(tag) =	ssettag $0x1  }
0x1: {  	s0 =	srdreg.scid;
	s1 =	rddreg [dreg:$0x0]  }
0x2: {  	s2 =	rddreg [dreg:$0x1];
	s10 =	stileid.u32  }
0x3: {  	s3 =	simm.s32 $0x0;
	s30 =	simm.s32 $0x200;
	s29 =	simm.s32 $0x400  }
0x4: {  	s31 =	simm.s32 $0x3;
	s0 =	sand.u32 $0x1, s0;
	s7 =	smul.u32 $0x1900, s10  }
0x5: {  	[smem:$0x7FF] =	sst s3;
	s11 =	smul.u32 $0x6400, s10;
	s4 =	sshll.u32 s0, $0x4  }
0x6: {  	_ =	strace $0x80000047;
	s6 =	ssub.s32 $0x2, s0;
	s26 =	smul.u32 $0x64000, s0  }
0x7: {  	p0 =	seq.s32 s0, $0x1;
	s0 =	simm.s32 $0x1D800;
	s4 =	sor.u32 s10, s4  }
0x8: {  	s8 =	sshrl.u32 s6, $0x1;
	s13 =	sadd.s32 s7, s2;
	s7 =	sshrl.u32 s7, $0x3  }
0x9: {  	s0 =	simm.s32 @!p0 $0x1A600;
	s10 =	simm.s32 $0x11;
	s5 =	smul.u32 $0x6400, s4  }
0xa: {  	s4 =	sadd.s32 $0x1600, s1;
	s6 =	ssub.s32 s6, s8;
	s8 =	sadd.s32 s11, s26  }
0xb: {  	s0 =	sadd.s32 s0, s1;
	s1 =	simm.s32 $0x380;
	s11 =	simm.s32 $0x0  }
0xc: {  	[dreg:$0x3] =	wrdreg s13;
	s15 =	smax.u32 s6, $0x1;
	s0 =	sadd.s32 s0, s7  }
0xd: {  	s17 =	sadd.s32 $0x700, s8;
	s18 =	sadd.s32 $0x680, s8;
	s19 =	sadd.s32 $0x600, s8  }
0xe: {  	s22 =	sadd.s32 $0x580, s8;
	s23 =	sadd.s32 $0x500, s8;
	s7 =	simm.s32 $0x5  }
0xf: {  	s6 =	simm.s32 $0x10;
	s9 =	sshrl.u32 s5, $0x3;
	[dreg:$0xc] =	wrdreg s15  }
0x10: {  	[dreg:$0xd] =	wrdreg s0;
	s0 =	sshrl.u32 s17, $0x3;
	s5 =	sadd.s32 s4, s9  }
0x11: {  	s20 =	sshrl.u32 s18, $0x3;
	s24 =	sadd.s32 $0x10, s5;
	[dreg:$0x4] =	wrdreg s5  }
0x12: {  	s21 =	sshrl.u32 s19, $0x3;
	s25 =	sadd.s32 $0x20, s5;
	[dreg:$0x5] =	wrdreg s24  }
0x13: {  	s17 =	sadd.s32 s0, s4;
	s9 =	sadd.s32 $0x30, s5;
	[dreg:$0x6] =	wrdreg s25  }
0x14: {  	s18 =	sadd.s32 s20, s4;
	s28 =	sadd.s32 $0x40, s5;
	[dreg:$0x7] =	wrdreg s9  }
0x15: {  	s19 =	sadd.s32 s21, s4;
	s12 =	sadd.s32 $0x50, s5;
	[dreg:$0x8] =	wrdreg s28  }
0x16: {  	s0 =	sshrl.u32 s22, $0x3;
	s14 =	sadd.s32 $0x60, s5;
	[dreg:$0x9] =	wrdreg s12  }
0x17: {  	s5 =	sadd.s32 $0x70, s5;
	s20 =	sadd.s32 s0, s4;
	[dreg:$0xa] =	wrdreg s14  }
0x18: {  	s0 =	simm.s32 $0x300;
	[dreg:$0xb] =	wrdreg s5;
	s9 =	sadd.s32 $0x780, s8  }
.Ltmp0:
0x19: {  	s24 =	sadd.s32 $0x480, s8;
	s25 =	sshrl.u32 s23, $0x3;
	(pc) =	sbr.rel .LBB2_1-.Ltmp0, $4  }
0x1a: {  	s28 =	sadd.s32 $0x400, s8;
	s8 =	simm.s32 $0x7;
	s23 =	simm.s32 $0xF  }
0x1b: {  	s16 =	sshrl.u32 s9, $0x3;
	s26 =	sshrl.u32 s24, $0x3;
	s21 =	sadd.s32 s25, s4  }
0x1c: {  	[dreg:$0xe] =	wrdreg s28;
	s24 =	simm.s32 $0x1;
	s9 =	simm.s32 $0x8  }
0x1d: {  	v0 =	vimm.s32 $0x0;
	v1 =	vimm.s32 $0x1;
	s16 =	sadd.s32 s16, s4;
	s22 =	sadd.s32 s26, s4;
	s26 =	simm.s32 $0x80  }
.LBB2_6:
0x1e: {  	_ =	swait.ge [sflag:s9], $0x80  }
0x1f: {  	[sflag:s9] =	ssyncset.done $0x0  }
0x20: {  	s5 =	simm.s32 $0x9;
	[sflag:s9] =	ssyncadd.s32 $0xFFFFFF80  }
0x21: {  	[spmem:s2] =	stream.indirect.scatter [tilespmem:s29], [sflag:$0x10], $0x1, s1, s26, $0xb8;
	[tilespmem:$0x3680] =	vst v63  }
0x22: {  	_ =	swait.ge [sflag:s5], $0x80  }
0x23: {  	[sflag:s5] =	ssyncset.done $0x0  }
0x24: {  	s10 =	simm.s32 $0xA;
	[sflag:s5] =	ssyncadd.s32 $0xFFFFFF80  }
0x25: {  	_ =	swait.ge [sflag:s10], $0x80  }
0x26: {  	[sflag:s10] =	ssyncset.done $0x0  }
0x27: {  	s11 =	simm.s32 $0xB;
	[sflag:s10] =	ssyncadd.s32 $0xFFFFFF80  }
0x28: {  	_ =	swait.ge [sflag:s11], $0x80  }
0x29: {  	[sflag:s11] =	ssyncset.done $0x0  }
0x2a: {  	s12 =	simm.s32 $0xC;
	[sflag:s11] =	ssyncadd.s32 $0xFFFFFF80  }
0x2b: {  	_ =	swait.ge [sflag:s12], $0x80  }
0x2c: {  	[sflag:s12] =	ssyncset.done $0x0  }
0x2d: {  	s13 =	simm.s32 $0xD;
	[sflag:s12] =	ssyncadd.s32 $0xFFFFFF80  }
0x2e: {  	_ =	swait.ge [sflag:s13], $0x80  }
0x2f: {  	[sflag:s13] =	ssyncset.done $0x0  }
0x30: {  	s14 =	simm.s32 $0xE;
	[sflag:s13] =	ssyncadd.s32 $0xFFFFFF80  }
0x31: {  	_ =	swait.ge [sflag:s14], $0x80  }
0x32: {  	[sflag:s14] =	ssyncset.done $0x0  }
0x33: {  	[sflag:s14] =	ssyncadd.s32 $0xFFFFFF80  }
0x34: {  	_ =	swait.ge [sflag:s23], $0x80  }
0x35: {  	[sflag:s23] =	ssyncset.done $0x0  }
0x36: {  	[sflag:s23] =	ssyncadd.s32 $0xFFFFFF80  }
0x37: {  	_ =	swait.ge [sflag:s6], $0x80  }
0x38: {  	[sflag:s6] =	ssyncset.done $0x0  }
0x39: {  	[sflag:s6] =	ssyncadd.s32 $0xFFFFFF80  }
0x3a: {  	s15 =	stileid.u32;
	[bflag:$0x0] =	sbarrier.arrive $0xFFFF  }
0x3b: {  	s5 =	sshll.u32 s15, $0x6;
	s13 =	rddreg [dreg:$0x3]  }
0x3c: {  	s5 =	sor.u32 $0x1C11, s5;
	s11 =	rddreg [dreg:$0xd];
	s10 =	sshrl.u32 s13, $0x3  }
0x3d: {  	[hbm:s11], [sflag:s5] =	dma.local [spmem:s10], $0x320  }
0x3e: {  	s10 =	simm.s32 $0x11  }
0x3f: {  	_ =	swait.ge [sflag:s10], $0x320  }
0x40: {  	s25 =	rddreg [dreg:$0xf]  }
0x41: {  	s28 =	rddreg [dreg:$0xc];
	s11 =	sadd.s32 $0x1, s25  }
0x42: {  	p0 =	sne.s32 s11, s28  }
.Ltmp1:
0x43: {  	_ = 	snop;
	(pc) =	sbr.rel @!p0 .LBB2_7-.Ltmp1, $3  }
0x44: {  	_ =	sdelay $0x1  }
0x45: {  	[sflag:s10] =	ssyncset.done $0x0  }
0x46: {  	[sflag:s10] =	ssyncadd.s32 $0xFFFFFCE0  }
.LBB2_1:
0x47: {  	[dreg:$0xf] =	wrdreg s11;
	s11 =	simm.s32 $0x40;
	s12 =	simm.s32 $0x0  }
.LBB2_2:
0x48: {  	p0 =	sne.s32 s11, $0x63C0;
	[tilespmem:s12+$0x480] =	vst v0;
	s12 =	smov.u32 s11;
	s11 =	sadd.s32 $0x40, s11  }
.Ltmp2:
0x49: {  	(pc) =	sbr.rel @p0 .LBB2_2-.Ltmp2, $2  }
0x4a: {  	_ =	sdelay $0x2  }
0x4b: {  	s12 =	sshra.s32 s12, $0x2  }
0x4c: {  	[tilespmem:s12+$0x480] =	vst v0;
	s5 =	simm.s32 $0x480  }
0x4d: {  	[spmem:s13] =	stream.linear.scatter [tilespmem:s5], [sflag:$0x11], $0x1900, $0x38;
	[tilespmem:$0x3680] =	vst v63  }
0x4e: {  	_ =	swait.ge [sflag:s10], $0x1900  }
0x4f: {  	[sflag:s10] =	ssyncset.done $0x0  }
0x50: {  	[sflag:s10] =	ssyncadd.s32 $0xFFFFE700  }
0x51: {  	[bflag:$0x0] =	sbarrier.arrive $0xFFFF  }
0x52: {  	[tilespmem:$0x400] =	vst v1  }
0x53: {  	[tilespmem:$0x410] =	vst v1  }
0x54: {  	[tilespmem:$0x420] =	vst v1  }
0x55: {  	[tilespmem:$0x430] =	vst v1  }
0x56: {  	[tilespmem:$0x440] =	vst v1  }
0x57: {  	[tilespmem:$0x450] =	vst v1  }
0x58: {  	[tilespmem:$0x460] =	vst v1;
	s14 =	rddreg [dreg:$0x4]  }
0x59: {  	s11 =	simm.s32 $0x0;
	[tilespmem:$0x470] =	vst v1;
	s15 =	rddreg [dreg:$0x5]  }
0x5a: {  	[tilespmem:s11], [sflag:$0x1] =	stream.linear.gather [hbm4b:s14+s11], $0x80, $0x38;
	[tilespmem:$0x3680] =	vst v63  }
0x5b: {  	s25 =	rddreg [dreg:$0x6]  }
0x5c: {  	[tilespmem:s26], [sflag:$0x2] =	stream.linear.gather [hbm4b:s15+s11], $0x80, $0x38;
	[tilespmem:$0x3680] =	vst v63  }
0x5d: {  	s28 =	simm.s32 $0x100;
	s10 =	rddreg [dreg:$0x7]  }
0x5e: {  	[tilespmem:s28], [sflag:$0x3] =	stream.linear.gather [hbm4b:s25+s11], $0x80, $0x38;
	[tilespmem:$0x3680] =	vst v63  }
0x5f: {  	s12 =	simm.s32 $0x180;
	s13 =	rddreg [dreg:$0x8]  }
0x60: {  	[tilespmem:s12], [sflag:$0x4] =	stream.linear.gather [hbm4b:s10+s11], $0x80, $0x38;
	[tilespmem:$0x3680] =	vst v63  }
0x61: {  	s14 =	rddreg [dreg:$0x9]  }
0x62: {  	[tilespmem:s30], [sflag:$0x5] =	stream.linear.gather [hbm4b:s13+s11], $0x80, $0x38;
	[tilespmem:$0x3680] =	vst v63  }
0x63: {  	s15 =	simm.s32 $0x280;
	s25 =	rddreg [dreg:$0xa]  }
0x64: {  	[tilespmem:s15], [sflag:$0x6] =	stream.linear.gather [hbm4b:s14+s11], $0x80, $0x38;
	[tilespmem:$0x3680] =	vst v63  }
0x65: {  	s28 =	rddreg [dreg:$0xb]  }
0x66: {  	[tilespmem:s0], [sflag:$0x7] =	stream.linear.gather [hbm4b:s25+s11], $0x80, $0x38;
	[tilespmem:$0x3680] =	vst v63  }
0x67: {  	s12 =	rddreg [dreg:$0xe]  }
0x68: {  	[tilespmem:s1], [sflag:$0x8] =	stream.linear.gather [hbm4b:s28+s11], $0x80, $0x38;
	[tilespmem:$0x3680] =	vst v63  }
.LBB2_4:
0x69: {  	_ =	swait.ge [sflag:s24], $0x80  }
0x6a: {  	p0 =	seq.s32 s11, $0xC00;
	[sflag:s24] =	ssyncset.done $0x0  }
0x6b: {  	s13 =	simm.s32 @p0 $0x2;
	[sflag:s24] =	ssyncadd.s32 $0xFFFFFF80  }
0x6c: {  	[spmem:s2] =	stream.indirect.scatter [tilespmem:s29], [sflag:$0x9], $0x1, s3, s26, $0xb8;
	[tilespmem:$0x3680] =	vst v63  }
0x6d: {  	_ =	swait.ge @p0 [sflag:s13], $0x80  }
0x6e: {  	s14 =	simm.s32 @p0 $0x80;
	[sflag:s13] =	ssyncset.done @p0 $0x0  }
0x6f: {  	s15 =	simm.s32 @p0 $0x400;
	[sflag:s13] =	ssyncadd.s32 @p0 $0xFFFFFF80;
	s13 =	simm.s32 @!p0 $0x9  }
0x70: {  	[spmem:s2] =	stream.indirect.scatter @p0 [tilespmem:s15], [sflag:$0xA], $0x1, s14, s14, $0xb8;
	[tilespmem:$0x3680] =	vst v63  }
0x71: {  	_ =	swait.ge @!p0 [sflag:s13], $0x80  }
0x72: {  	s5 =	sshrl.u32 @!p0 s12, $0x3;
	[sflag:s13] =	ssyncset.done @!p0 $0x0  }
0x73: {  	s5 =	sadd.s32 @!p0 s4, s5;
	[sflag:s13] =	ssyncadd.s32 @!p0 $0xFFFFFF80;
	s13 =	simm.s32 @!p0 $0x0  }
0x74: {  	[tilespmem:s13], [sflag:$0x1] =	stream.linear.gather @!p0 [hbm4b:s5+s13], $0x80, $0x38;
	[tilespmem:$0x3680] =	vst v63  }
0x75: {  	s5 =	simm.s32 @!p0 $0x2  }
0x76: {  	_ =	swait.ge @!p0 [sflag:s5], $0x80  }
0x77: {  	s25 =	simm.s32 @!p0 $0x400;
	[sflag:s5] =	ssyncset.done @!p0 $0x0  }
0x78: {  	s10 =	simm.s32 @!p0 $0xA;
	[sflag:s5] =	ssyncadd.s32 @!p0 $0xFFFFFF80;
	s5 =	simm.s32 @!p0 $0x80  }
0x79: {  	[spmem:s2] =	stream.indirect.scatter @!p0 [tilespmem:s25], [sflag:$0xA], $0x1, s5, s5, $0xb8;
	[tilespmem:$0x3680] =	vst v63  }
0x7a: {  	_ =	swait.ge @!p0 [sflag:s10], $0x80  }
0x7b: {  	[sflag:s10] =	ssyncset.done @!p0 $0x0  }
0x7c: {  	[sflag:s10] =	ssyncadd.s32 @!p0 $0xFFFFFF80;
	s10 =	sadd.s32 @!p0 s11, s22  }
0x7d: {  	[tilespmem:s5], [sflag:$0x2] =	stream.linear.gather @!p0 [hbm4b:s10+s13], $0x80, $0x38;
	[tilespmem:$0x3680] =	vst v63  }
0x7e: {  	_ =	swait.ge [sflag:s31], $0x80  }
0x7f: {  	[sflag:s31] =	ssyncset.done $0x0  }
0x80: {  	s28 =	simm.s32 $0x100;
	s10 =	simm.s32 @p0 $0x4;
	[sflag:s31] =	ssyncadd.s32 $0xFFFFFF80  }
0x81: {  	[spmem:s2] =	stream.indirect.scatter [tilespmem:s29], [sflag:$0xB], $0x1, s28, s26, $0xb8;
	[tilespmem:$0x3680] =	vst v63  }
0x82: {  	_ =	swait.ge @p0 [sflag:s10], $0x80  }
0x83: {  	[sflag:s10] =	ssyncset.done @p0 $0x0  }
0x84: {  	[sflag:s10] =	ssyncadd.s32 @p0 $0xFFFFFF80;
	s10 =	simm.s32 @p0 $0x180  }
0x85: {  	[spmem:s2] =	stream.indirect.scatter @p0 [tilespmem:s15], [sflag:$0xC], $0x1, s10, s14, $0xb8;
	[tilespmem:$0x3680] =	vst v63  }
0x86: {  	s10 =	simm.s32 @!p0 $0xB  }
0x87: {  	_ =	swait.ge @!p0 [sflag:s10], $0x80  }
0x88: {  	[sflag:s10] =	ssyncset.done @!p0 $0x0  }
0x89: {  	s28 =	simm.s32 @!p0 $0x100;
	[sflag:s10] =	ssyncadd.s32 @!p0 $0xFFFFFF80;
	s10 =	sadd.s32 @!p0 s11, s21  }
0x8a: {  	[tilespmem:s28], [sflag:$0x3] =	stream.linear.gather @!p0 [hbm4b:s10+s13], $0x80, $0x38;
	[tilespmem:$0x3680] =	vst v63  }
0x8b: {  	s10 =	simm.s32 @!p0 $0x4  }
0x8c: {  	_ =	swait.ge @!p0 [sflag:s10], $0x80  }
0x8d: {  	[sflag:s10] =	ssyncset.done @!p0 $0x0  }
0x8e: {  	s28 =	simm.s32 @!p0 $0xC;
	[sflag:s10] =	ssyncadd.s32 @!p0 $0xFFFFFF80;
	s10 =	simm.s32 @!p0 $0x180  }
0x8f: {  	[spmem:s2] =	stream.indirect.scatter @!p0 [tilespmem:s25], [sflag:$0xC], $0x1, s10, s5, $0xb8;
	[tilespmem:$0x3680] =	vst v63  }
0x90: {  	_ =	swait.ge @!p0 [sflag:s28], $0x80  }
0x91: {  	[sflag:s28] =	ssyncset.done @!p0 $0x0  }
0x92: {  	[sflag:s28] =	ssyncadd.s32 @!p0 $0xFFFFFF80;
	s28 =	sadd.s32 @!p0 s11, s20  }
0x93: {  	[tilespmem:s10], [sflag:$0x4] =	stream.linear.gather @!p0 [hbm4b:s28+s13], $0x80, $0x38;
	[tilespmem:$0x3680] =	vst v63  }
0x94: {  	_ =	swait.ge [sflag:s7], $0x80  }
0x95: {  	[sflag:s7] =	ssyncset.done $0x0  }
0x96: {  	s10 =	simm.s32 @p0 $0x6;
	[sflag:s7] =	ssyncadd.s32 $0xFFFFFF80  }
0x97: {  	[spmem:s2] =	stream.indirect.scatter [tilespmem:s29], [sflag:$0xD], $0x1, s30, s26, $0xb8;
	[tilespmem:$0x3680] =	vst v63  }
0x98: {  	_ =	swait.ge @p0 [sflag:s10], $0x80  }
0x99: {  	[sflag:s10] =	ssyncset.done @p0 $0x0  }
0x9a: {  	[sflag:s10] =	ssyncadd.s32 @p0 $0xFFFFFF80;
	s10 =	simm.s32 @p0 $0x280  }
0x9b: {  	[spmem:s2] =	stream.indirect.scatter @p0 [tilespmem:s15], [sflag:$0xE], $0x1, s10, s14, $0xb8;
	[tilespmem:$0x3680] =	vst v63  }
0x9c: {  	s10 =	simm.s32 @!p0 $0xD  }
0x9d: {  	_ =	swait.ge @!p0 [sflag:s10], $0x80  }
0x9e: {  	[sflag:s10] =	ssyncset.done @!p0 $0x0  }
0x9f: {  	s14 =	simm.s32 @!p0 $0x200;
	[sflag:s10] =	ssyncadd.s32 @!p0 $0xFFFFFF80;
	s10 =	sadd.s32 @!p0 s11, s19  }
0xa0: {  	[tilespmem:s14], [sflag:$0x5] =	stream.linear.gather @!p0 [hbm4b:s10+s13], $0x80, $0x38;
	[tilespmem:$0x3680] =	vst v63  }
0xa1: {  	s10 =	simm.s32 @!p0 $0x6  }
0xa2: {  	_ =	swait.ge @!p0 [sflag:s10], $0x80  }
0xa3: {  	[sflag:s10] =	ssyncset.done @!p0 $0x0  }
0xa4: {  	[sflag:s10] =	ssyncadd.s32 @!p0 $0xFFFFFF80;
	s10 =	simm.s32 @!p0 $0x280  }
0xa5: {  	[spmem:s2] =	stream.indirect.scatter @!p0 [tilespmem:s25], [sflag:$0xE], $0x1, s10, s5, $0xb8;
	[tilespmem:$0x3680] =	vst v63  }
0xa6: {  	s5 =	simm.s32 @!p0 $0xE  }
0xa7: {  	_ =	swait.ge @!p0 [sflag:s5], $0x80  }
0xa8: {  	[sflag:s5] =	ssyncset.done @!p0 $0x0  }
0xa9: {  	[sflag:s5] =	ssyncadd.s32 @!p0 $0xFFFFFF80;
	s5 =	sadd.s32 @!p0 s11, s18  }
0xaa: {  	[tilespmem:s10], [sflag:$0x6] =	stream.linear.gather @!p0 [hbm4b:s5+s13], $0x80, $0x38;
	[tilespmem:$0x3680] =	vst v63  }
.Ltmp3:
0xab: {  	_ = 	snop;
	(pc) =	sbr.rel @p0 .LBB2_6-.Ltmp3, $4  }
0xac: {  	_ =	swait.ge [sflag:s8], $0x80  }
0xad: {  	[sflag:s8] =	ssyncset.done $0x0  }
0xae: {  	[sflag:s8] =	ssyncadd.s32 $0xFFFFFF80  }
0xaf: {  	[spmem:s2] =	stream.indirect.scatter [tilespmem:s29], [sflag:$0xF], $0x1, s0, s26, $0xb8;
	[tilespmem:$0x3680] =	vst v63  }
0xb0: {  	_ =	swait.ge [sflag:s23], $0x80  }
0xb1: {  	[sflag:s23] =	ssyncset.done $0x0  }
0xb2: {  	s5 =	sadd.s32 s11, s17;
	[sflag:s23] =	ssyncadd.s32 $0xFFFFFF80  }
0xb3: {  	[tilespmem:s0], [sflag:$0x7] =	stream.linear.gather [hbm4b:s5+s3], $0x80, $0x38;
	[tilespmem:$0x3680] =	vst v63  }
0xb4: {  	_ =	swait.ge [sflag:s9], $0x80  }
0xb5: {  	[sflag:s9] =	ssyncset.done $0x0  }
0xb6: {  	[sflag:s9] =	ssyncadd.s32 $0xFFFFFF80  }
0xb7: {  	[spmem:s2] =	stream.indirect.scatter [tilespmem:s29], [sflag:$0x10], $0x1, s1, s26, $0xb8;
	[tilespmem:$0x3680] =	vst v63  }
.Ltmp4:
0xb8: {  	_ = 	snop;
	(pc) =	sbr.rel .LBB2_4-.Ltmp4, $4  }
0xb9: {  	_ =	swait.ge [sflag:s6], $0x80  }
0xba: {  	s28 =	sadd.s32 s11, s16;
	[sflag:s6] =	ssyncset.done $0x0  }
0xbb: {  	s11 =	sadd.s32 $0x80, s11;
	s12 =	sadd.s32 $0x400, s12;
	[sflag:s6] =	ssyncadd.s32 $0xFFFFFF80  }
0xbc: {  	[tilespmem:s1], [sflag:$0x8] =	stream.linear.gather [hbm4b:s28+s3], $0x80, $0x38;
	[tilespmem:$0x3680] =	vst v63  }
.LBB2_7:
0xbd: {  	_ =	sfence.sel $0x180000  }
0xbe: {  	[bflag:$0x0] =	sbarrier.arrive $0xFFFF  }
0xbf: {  	_ =	strace $0x90000047  }
0xc0: {  	s0 =	stileid.u32;
	[bflag:$0x2] =	sbarrier.arrive $0xFFFF  }
0xc1: {  	p0 =	sne.s32 s0, $0x0;
	s0 =	rddreg [dreg:$0x2]  }
0xc2: {  	s0 =	sadd.s32 @!p0 $0x100000, s0  }
0xc3: {  	[sflag:s0] =	ssyncadd.tile.s32 @!p0 $0x1;
	_ =	shalt  }
.Lfunc_end2:
_tile_overlayer_lowered:
.L_overlay_start_2:
0xc4: {  	(tag) =	ssettag $0x2  }
0xc5: {  	s0 =	rddreg [dreg:$0x0];
	s2 =	stileid.u32  }
0xc6: {  	s1 =	rddreg [dreg:$0x1];
	p0 =	sne.s32 s2, $0x0  }
0xc7: {  	s3 =	rddreg [dreg:$0x2];
	[bflag:$0x3] =	sbarrier.arrive $0xFFFF;
	s2 =	simm.s32 @!p0 $0x1C11  }
0xc8: {  	[timem:s3], [sflag:s2] =	dma.local @!p0 [hbm:s0], s1  }
0xc9: {  	s0 =	simm.s32 @!p0 $0x11  }
0xca: {  	_ =	swait.ge @!p0 [sflag:s0], s1  }
0xcb: {  	s1 =	ssub.s32 @!p0 $0x0, s1;
	[sflag:s0] =	ssyncset.done @!p0 $0x0  }
0xcc: {  	[sflag:s0] =	ssyncadd.s32 @!p0 s1  }
0xcd: {  	[bflag:$0x3] =	sbarrier.arrive $0xFFFF  }
0xce: {  	_ =	shalt  }

// kernel: kernel.9.cloned.1.call-start
scs
__scs_entry_jumppad:
0x0: {  	(pc) =	sbr.rel $0x88, $3  }
0x1: {  	(tag) =	ssettag $0x0;
	lr =	simm.s32 $0x1  }
0x2: {  	[smem:$0x3F9F] =	sst lr;
	_ =	strace $0xD0000000  }
0x3: {  	_ = 	snop  }
0x4: {  	_ = 	snop  }
0x5: {  	_ = 	snop  }
0x6: {  	_ = 	snop  }
0x7: {  	_ = 	snop  }
__scs_overlays_trampoline_lowered:
0x8: {  	[smem:$0x3FAE] =	sst s0  }
0x9: {  	[smem:$0x3FAF] =	sst s1  }
0xa: {  	[smem:$0x3FB0] =	sst s2  }
0xb: {  	[smem:$0x3FB1] =	sst s3  }
0xc: {  	[smem:$0x3FB2] =	sst s4  }
0xd: {  	[smem:$0x3FB3] =	sst s5  }
0xe: {  	[smem:$0x3FB4] =	sst s6  }
0xf: {  	[smem:$0x3FB5] =	sst s7  }
0x10: {  	[smem:$0x3FB6] =	sst s8  }
0x11: {  	[smem:$0x3FB7] =	sst s9;
	s0 =	simm.s32 @!p0 $0x0  }
0x12: {  	s1 =	sld [smem:$0x3F9D];
	s0 =	simm.s32 @p0 $0x1  }
0x13: {  	[smem:$0x3FB8] =	sst s0;
	s0 =	simm.s32 @!p1 $0x0  }
0x14: {  	s2 =	sld [smem:$0x3F9C];
	s0 =	simm.s32 @p1 $0x1  }
0x15: {  	[smem:$0x3FB9] =	sst s0;
	s0 =	simm.s32 @!p2 $0x0  }
0x16: {  	s3 =	sld [smem:$0x3FDB];
	s0 =	simm.s32 @p2 $0x1  }
0x17: {  	s4 =	simm.s32 $0x1BF5;
	[smem:$0x3FBB] =	sst s0  }
0x18: {  	s0 =	sld [smem:$0x3F9E];
	_ =	swait.ge [sflag:s4], $0x0  }
0x19: {  	s7 =	sld [smem:$0x3F9F]  }
0x1a: {  	s8 =	sadd.s32 $0xFFFFE003, lr  }
0x1b: {  	s9 =	sadd.s32 $0xFFFFFEF7, lr;
	s5 =	simm.s32 $0xFFFFFFFF;
	p2 =	slt.u32 s8, $0xFFFFF086  }
0x1c: {  	p1 =	slt.u32 s9, $0xF7A;
	s5 =	simm.s32 @!p2 $0x0  }
0x1d: {  	s5 =	simm.s32 @p1 $0x1;
	p0 =	seq.s32 s7, s2  }
0x1e: {  	s7 =	smul.u32 @!p0 $0xF7A, s2;
	p2 =	seq.s32 @!p0 s5, $0x0  }
0x1f: {  	s9 =	smul.u32 $0xF7A, s1;
	s8 =	simm.s32 @!p0 $0x1BF5;
	p2 =	por !p2, p0  }
0x20: {  	[sflag:s8] =	ssyncset.s32 @!p0 $0xFFFFF086;
	s6 =	sadd.s32 @!p0 s3, s7;
	s7 =	simm.s32 @!p0 $0x108  }
0x21: {  	s3 =	sadd.s32 s3, s9;
	s6 =	sadd.s32 @!p0 $0x88, s6;
	s7 =	simm.s32 @p2 $0x1082  }
0x22: {  	[simem:s7], [sflag:s8] =	dma.local @!p0 [hbm:s6], $0xF7A  }
0x23: {  	s9 =	sor.u32 $0xD0000000, s2;
	s6 =	simm.s32 $0x108;
	_ =	swait.ge @!p0 [sflag:s8], $0x0  }
0x24: {  	s3 =	sadd.s32 $0x88, s3;
	s6 =	simm.s32 @!p1 $0x1082;
	[sflag:s4] =	ssyncset.s32 $0xFFFFF086  }
0x25: {  	[simem:s6], [sflag:s4] =	dma.local [hbm:s3], $0xF7A  }
0x26: {  	[smem:$0x3F9F] =	sst s1;
	(tag) =	ssettag s2;
	_ =	strace s9  }
0x27: {  	s1 =	sld [smem:$0x3FAF]  }
0x28: {  	s2 =	sld [smem:$0x3FB0]  }
0x29: {  	s4 =	sld [smem:$0x3FB2]  }
0x2a: {  	p0 =	seq.s32 s5, $0x0;
	s5 =	sld [smem:$0x3FB3]  }
0x2b: {  	s6 =	sld [smem:$0x3FB4]  }
0x2c: {  	s7 =	sld [smem:$0x3FB5]  }
0x2d: {  	s3 =	simm.s32 $0x108;
	s8 =	sld [smem:$0x3FB6]  }
0x2e: {  	s3 =	simm.s32 @!p0 $0x1082;
	s9 =	sld [smem:$0x3FB7]  }
0x2f: {  	lr =	sadd.s32 s0, s3;
	s0 =	sld [smem:$0x3FAE]  }
0x30: {  	s3 =	sld [smem:$0x3FB1]  }
0x31: {  	[smem:$0x3FBA] =	sst s10  }
0x32: {  	s10 =	sld [smem:$0x3FB8];
	_ =	sdelay $0x3  }
0x33: {  	p0 =	seq.s32 s10, $0x1;
	s10 =	sld [smem:$0x3FBA];
	_ =	sdelay $0x3  }
0x34: {  	[smem:$0x3FBA] =	sst s10  }
0x35: {  	s10 =	sld [smem:$0x3FB9];
	_ =	sdelay $0x3  }
0x36: {  	p1 =	seq.s32 s10, $0x1;
	s10 =	sld [smem:$0x3FBA];
	_ =	sdelay $0x3  }
0x37: {  	[smem:$0x3FBA] =	sst s10  }
0x38: {  	s10 =	sld [smem:$0x3FBB]  }
0x39: {  	_ = 	snop;
	(pc) =	sbr.ind lr, $3  }
0x3a: {  	_ = 	snop  }
0x3b: {  	_ = 	snop  }
0x3c: {  	p2 =	seq.s32 s10, $0x1;
	s10 =	sld [smem:$0x3FBA]  }
0x3d: {  	_ =	shalt  }
0x3e: {  	_ =	shalt  }
0x3f: {  	_ =	shalt  }
0x40: {  	_ =	shalt  }
0x41: {  	_ =	shalt  }
0x42: {  	_ =	shalt  }
0x43: {  	_ =	shalt  }
0x44: {  	_ =	shalt  }
0x45: {  	_ =	shalt  }
0x46: {  	_ =	shalt  }
0x47: {  	_ =	shalt  }
0x48: {  	_ =	shalt  }
0x49: {  	_ =	shalt  }
0x4a: {  	_ =	shalt  }
0x4b: {  	_ =	shalt  }
0x4c: {  	_ =	shalt  }
0x4d: {  	_ =	shalt  }
0x4e: {  	_ =	shalt  }
0x4f: {  	_ =	shalt  }
0x50: {  	_ =	shalt  }
0x51: {  	_ =	shalt  }
0x52: {  	_ =	shalt  }
0x53: {  	_ =	shalt  }
0x54: {  	_ =	shalt  }
0x55: {  	_ =	shalt  }
0x56: {  	_ =	shalt  }
0x57: {  	_ =	shalt  }
0x58: {  	_ =	shalt  }
0x59: {  	_ =	shalt  }
0x5a: {  	_ =	shalt  }
0x5b: {  	_ =	shalt  }
0x5c: {  	_ =	shalt  }
0x5d: {  	_ =	shalt  }
0x5e: {  	_ =	shalt  }
0x5f: {  	_ =	shalt  }
0x60: {  	_ =	shalt  }
0x61: {  	_ =	shalt  }
0x62: {  	_ =	shalt  }
0x63: {  	_ =	shalt  }
0x64: {  	_ =	shalt  }
0x65: {  	_ =	shalt  }
0x66: {  	_ =	shalt  }
0x67: {  	_ =	shalt  }
0x68: {  	_ =	shalt  }
0x69: {  	_ =	shalt  }
0x6a: {  	_ =	shalt  }
0x6b: {  	_ =	shalt  }
0x6c: {  	_ =	shalt  }
0x6d: {  	_ =	shalt  }
0x6e: {  	_ =	shalt  }
0x6f: {  	_ =	shalt  }
0x70: {  	_ =	shalt  }
0x71: {  	_ =	shalt  }
0x72: {  	_ =	shalt  }
0x73: {  	_ =	shalt  }
0x74: {  	_ =	shalt  }
0x75: {  	_ =	shalt  }
0x76: {  	_ =	shalt  }
0x77: {  	_ =	shalt  }
0x78: {  	_ =	shalt  }
0x79: {  	_ =	shalt  }
0x7a: {  	_ =	shalt  }
0x7b: {  	_ =	shalt  }
0x7c: {  	_ =	shalt  }
0x7d: {  	_ =	shalt  }
0x7e: {  	_ =	shalt  }
0x7f: {  	_ =	shalt  }
0x80: {  	_ =	shalt  }
0x81: {  	_ =	shalt  }
0x82: {  	_ =	shalt  }
0x83: {  	_ =	shalt  }
0x84: {  	_ =	shalt  }
0x85: {  	_ =	shalt  }
0x86: {  	_ =	shalt  }
0x87: {  	_ =	shalt  }
.Lfunc_end0:
.L_simem_size_0:
called_computation.1_lowered:
.L_overlay_start_0:
0x88: {  	s2 =	sld [smem:$0x3FD9]  }
0x89: {  	s3 =	sld [smem:$0x3FFE];
	_ =	sdelay $0x1  }
0x8a: {  	s1 =	srdreg.scid  }
0x8b: {  	s0 =	sand.u32 $0x1, s1  }
0x8c: {  	s16 =	sshll.u32 s0, $0xA;
	s2 =	sadd.s32 s3, s2  }
0x8d: {  	s2 =	sadd.s32 s2, s16  }
0x8e: {  	[smem:$0x3FC6] =	sst s2  }
0x8f: {  	_ = 	snop  }
0x90: {  	(tm) =	ssettm $0x1  }
0x91: {  	s17 =	sld [smem:$0x3FFB];
	_ =	sdelay $0x3  }
0x92: {  	_ =	strace s17  }
0x93: {  	s2 =	sld [smem:$0x3FFC];
	_ =	sdelay $0x3  }
0x94: {  	_ =	strace s2  }
0x95: {  	s2 =	sld [smem:$0x3FFD];
	_ =	sdelay $0x3  }
0x96: {  	_ =	strace s2  }
0x97: {  	_ =	strace $0x8FFFFFFF  }
0x98: {  	s18 =	sld [smem:$0x3FDB];
	_ =	sdelay $0x1  }
0x99: {  	s19 =	simm.s32 $_scs_section_size  }
0x9a: {  	s4 =	simm.s32 $_size__tile_overlayer_lowered;
	s5 =	simm.s32 $_tile_overlayer_lowered  }
0x9b: {  	s22 =	simm.s32 $0x1BFF;
	s21 =	sshll.u32 s5, $0x1;
	s2 =	sadd.s32 s19, s18  }
0x9c: {  	s6 =	simm.s32 $0x0;
	s20 =	sshll.u32 s4, $0x1;
	s4 =	sadd.s32 s21, s2  }
0x9d: {  	[timem:s6], [sflag:s22] =	dma.local [hbm:s4], s20  }
0x9e: {  	_ =	swait.ge [sflag:s22], s20  }
0x9f: {  	s3 =	ssub.s32 $0x0, s20;
	[sflag:s22] =	ssyncset.done $0x0  }
0xa0: {  	[sflag:s22] =	ssyncadd.s32 s3;
	_ =	sdelay $0x1  }
0xa1: {  	s23 =	simm.s32 $0x1B8B  }
0xa2: {  	_ =	swait.ge [sflag:s23], $0x1  }
0xa3: {  	[sflag:s23] =	ssyncset.done $0x0  }
0xa4: {  	s25 =	simm.s32 $0x1B8E;
	s24 =	sld [smem:$0x3FFE];
	[sflag:s23] =	ssyncadd.s32 $0xFFFFFFFF  }
0xa5: {  	s26 =	simm.s32 $execute0_lowered;
	[smem:$0x3FD2] =	sst s25  }
0xa6: {  	s4 =	sshll.u32 s26, $0x1;
	_ =	strace $0x80000049;
	[dreg:$0x1] =	wrdreg $0xFFFFFFFF  }
0xa7: {  	s28 =	simm.s32 $_size_execute0_lowered;
	s2 =	sadd.s32 s2, s4;
	[dreg:$0x0] =	wrdreg $0x0  }
0xa8: {  	s4 =	sshll.u32 s28, $0x1;
	[dreg:$0x2] =	wrdreg s2  }
0xa9: {  	[dreg:$0x3] =	wrdreg s4  }
0xaa: {  	[dreg:$0x4] =	wrdreg $0xC0  }
0xab: {  	_ =	task [dreg:s6], $0x5FFFF  }
0xac: {  	[dreg:$0x1] =	wrdreg $0xFFFFFFFF  }
0xad: {  	[dreg:$0x0] =	wrdreg $0x60  }
0xae: {  	[dreg:$0x2] =	wrdreg s24  }
0xaf: {  	[dreg:$0x3] =	wrdreg $0x9  }
0xb0: {  	_ =	task.clear_ibuf [dreg:s6], $0x4FFFF;
	_ =	strace $0x90000049  }
0xb1: {  	s29 =	simm.s32 $0x9;
	_ =	strace $0x8000004B  }
0xb2: {  	_ =	swait.ge [sflag:s29], $0x1  }
0xb3: {  	[sflag:s29] =	ssyncadd.s32 $0xFFFFFFFF  }
0xb4: {  	_ =	strace $0x9000004B  }
0xb5: {  	_ =	sfence  }
0xb6: {  	s30 =	sld [smem:$0x0];
	_ =	sdelay $0x2  }
0xb7: {  	s31 =	sshll.u32 s1, $0xD;
	s1 =	sshrl.u32 s1, $0x2  }
0xb8: {  	s3 =	sand.u32 $0x4000, s31;
	s1 =	sadd.s32 s1, s30  }
0xb9: {  	s0 =	sor.u32 s3, s0;
	s1 =	sshll.u32 s1, $0x11  }
0xba: {  	s0 =	sor.u32 s1, s0  }
0xbb: {  	s0 =	sadd.s32 $0x8F2B, s0  }
0xbc: {  	[sflag:s0] =	ssyncadd.remote.s32 $0x1  }
0xbd: {  	_ =	sfence.sel $0xFFFF  }
0xbe: {  	[dreg:$0x0] =	wrdreg $0xFFFFFFFF;
	(pc) =	sbr.abs _section_cstart, $3  }
0xbf: {  	[dreg:$0x1] =	wrdreg $0xFFFFFFFF  }
0xc0: {  	_ =	task.clear_ibuf [dreg:s6], $0x2FFFF;
	_ =	strace $0x9FFFFFFF  }
0xc1: {  	(tm) =	ssettm $0x7FFFFFFF  }
tec
execute0_lowered:
.L_overlay_start_1:
0x0: {  	(tag) =	ssettag $0x1  }
0x1: {  	s0 =	srdreg.scid  }
0x2: {  	s3 =	sand.u32 $0x1, s0  }
0x3: {  	s0 =	stileid.u32;
	s1 =	sshll.u32 s3, $0x4  }
0x4: {  	s6 =	rddreg [dreg:$0x0];
	s2 =	simm.s32 $0x0;
	s4 =	sor.u32 s0, s1  }
0x5: {  	[smem:$0x7FF] =	sst s2;
	s9 =	sshll.u32 s0, $0x4;
	s5 =	smul.u32 $0xC35, s4  }
0x6: {  	s3 =	ssub.s32 $0x2, s3;
	s1 =	rddreg [dreg:$0x1];
	_ =	strace $0x8000004A  }
0x7: {  	s9 =	sand.u32 $0x70, s9;
	s30 =	sshrl.u32 s3, $0x1;
	s7 =	sand.u32 $0x1FFF8, s5  }
0x8: {  	p0 =	seq.s32 s4, $0x1F;
	s5 =	sadd.s32 $0xC35, s5;
	s7 =	smin.u32 s7, $0x17A20  }
0x9: {  	s4 =	sshll.u32 s4, $0x4;
	s5 =	sand.u32 $0x3FFF8, s5;
	s8 =	sshrl.u32 s7, $0x3  }
0xa: {  	s4 =	sand.u32 $0x180, s4;
	s5 =	smin.u32 s5, $0x17A20;
	s8 =	sadd.s32 s8, s6  }
0xb: {  	s6 =	sadd.s32 s9, s6;
	s9 =	ssub.s32 s3, s30;
	s5 =	simm.s32 @p0 $0x186A0  }
0xc: {  	s7 =	ssub.s32 s5, s7;
	s3 =	sadd.s32 $0x1A600, s8;
	s31 =	sadd.s32 s4, s6  }
0xd: {  	s4 =	sadd.s32 $0x1D800, s8;
	s6 =	smax.u32 s9, $0x1;
	s8 =	simm.s32 $0x1900  }
0xe: {  	v1 =	vlaneseq.u32;
	v2 =	vimm.s32 $0x0;
	s9 =	simm.s32 $0x0;
	s5 =	sadd.s32 $0x1600, s31;
	v0 =	vmov s7;
	s7 =	simm.s32 $0x1  }
.LBB2_1:
0xf: {  	[tilespmem:s2], [sflag:$0x1] =	stream.linear.gather [hbm4b:s3+s2], $0xC80, $0x38;
	[tilespmem:$0x1980] =	vst v63  }
0x10: {  	_ =	swait.ge [sflag:s7], $0xC80  }
0x11: {  	[sflag:s7] =	ssyncset.done $0x0  }
0x12: {  	s10 =	simm.s32 $0xC80;
	[sflag:s7] =	ssyncadd.s32 $0xFFFFF380  }
0x13: {  	[tilespmem:s10], [sflag:$0x1] =	stream.linear.gather [hbm4b:s4+s2], $0xC80, $0x38;
	[tilespmem:$0x1980] =	vst v63  }
0x14: {  	_ =	swait.ge [sflag:s7], $0xC80  }
0x15: {  	[sflag:s7] =	ssyncset.done $0x0  }
0x16: {  	[sflag:s7] =	ssyncadd.s32 $0xFFFFF380  }
0x17: {  	v4 =	vld [tilespmem:s2+$0x0]  }
0x18: {  	v5 =	vld [tilespmem:s10+$0x0];
	_ =	sdelay $0x3  }
0x19: {  	s11 =	simm.s32 $0x10;
	s12 =	simm.s32 $0x10;
	s13 =	simm.s32 $0x0;
	v3 =	vimm.s32 $0x0  }
.LBB2_2:
0x1a: {  	v6 =	vadd.s32 v4, v5;
	v4 =	vld [tilespmem:s12+$0x0];
	v7 =	vor.u32 s13, v1;
	s10 =	sadd.s32 $0x10, s10;
	s13 =	smov.u32 s11;
	p0 =	sne.s32 s11, $0xC70  }
.Ltmp0:
0x1b: {  	s11 =	sadd.s32 $0x10, s11;
	v5 =	vld [tilespmem:s10+$0x0];
	vm0 =	vlt.s32 v7, v0;
	vm1 =	vgt.s32 v6, $0x0;
	(pc) =	sbr.rel @p0 .LBB2_2-.Ltmp0, $4  }
0x1c: {  	vm0 =	vmand vm0, vm1  }
0x1d: {  	v6 =	vsel vm0, $0x1, v2  }
0x1e: {  	v3 =	vadd.s32 v6, v3  }
0x1f: {  	s12 =	sadd.s32 $0x10, s12  }
0x20: {  	v4 =	vadd.s32 v4, v5;
	v62 =	vor.u32 s13, v1  }
0x21: {  	vm0 =	vlt.s32 v62, v0;
	vm1 =	vgt.s32 v4, $0x0  }
0x22: {  	vm0 =	vmand vm0, vm1  }
0x23: {  	v63 =	vsel vm0, $0x1, v2  }
0x24: {  	v3 =	vadd.s32 v63, v3  }
0x25: {  	(xrf0) =	vadd.scan.msk.s32 $0xffff, v3;
	_ =	sdelay $0x5  }
0x26: {  	v3, _, _ =	vpop (xrf0)  }
0x27: {  	s9 =	sadd.s32 $0x1, s9;
	v3 =	vbroadcast v3, $0xF  }
0x28: {  	p0 =	sne.s32 s9, s6  }
.Ltmp1:
0x29: {  	[tilespmem:$0x1900] =	vst v3;
	(pc) =	sbr.rel @p0 .LBB2_1-.Ltmp1, $4  }
0x2a: {  	[hbm4b:s5+s2] =	stream.linear.scatter [tilespmem:s8], [sflag:$0x1], $0x80, $0x38;
	[tilespmem:$0x1980] =	vst v63  }
0x2b: {  	_ =	swait.ge [sflag:s7], $0x80  }
0x2c: {  	[sflag:s7] =	ssyncset.done $0x0  }
0x2d: {  	[sflag:s7] =	ssyncadd.s32 $0xFFFFFF80  }
0x2e: {  	_ =	sfence.sel $0x180000  }
0x2f: {  	[bflag:$0x0] =	sbarrier.arrive $0xFFFF  }
0x30: {  	p0 =	sne.s32 s0, $0x0;
	_ =	strace $0x9000004A  }
0x31: {  	s0 =	sadd.s32 @!p0 $0x100000, s1;
	[bflag:$0x2] =	sbarrier.arrive $0xFFFF  }
0x32: {  	[sflag:s0] =	ssyncadd.tile.s32 @!p0 $0x1;
	_ =	shalt  }
.Lfunc_end2:
_tile_overlayer_lowered:
.L_overlay_start_2:
0x33: {  	(tag) =	ssettag $0x2  }
0x34: {  	s0 =	rddreg [dreg:$0x0];
	s2 =	stileid.u32  }
0x35: {  	s1 =	rddreg [dreg:$0x1];
	p0 =	sne.s32 s2, $0x0  }
0x36: {  	s3 =	rddreg [dreg:$0x2];
	[bflag:$0x3] =	sbarrier.arrive $0xFFFF;
	s2 =	simm.s32 @!p0 $0x1C01  }
0x37: {  	[timem:s3], [sflag:s2] =	dma.local @!p0 [hbm:s0], s1  }
0x38: {  	s0 =	simm.s32 @!p0 $0x1  }
0x39: {  	_ =	swait.ge @!p0 [sflag:s0], s1  }
0x3a: {  	s1 =	ssub.s32 @!p0 $0x0, s1;
	[sflag:s0] =	ssyncset.done @!p0 $0x0  }
0x3b: {  	[sflag:s0] =	ssyncadd.s32 @!p0 s1  }
0x3c: {  	[bflag:$0x3] =	sbarrier.arrive $0xFFFF  }
0x3d: {  	_ =	shalt  }

</sc_bundles>
